<compile_context>
chip_gen: v7x
topology: tpu7x:2x2x1
jax: 0.10.2.dev20260603
libtpu: 0.0.44.dev20260713+nightly
codegen_flags: <defaults>
</compile_context>

<pallas_src>
import functools

import jax
import jax.numpy as jnp
from jax import lax
from jax.experimental import pallas as pl
from jax.experimental.pallas import tpu as pltpu
from jax.experimental.pallas import tpu_sc as plsc

NBATCH = 4096
SEQ = 50
D = 128

_info = plsc.get_sparse_core_info()
NC, NS = _info.num_cores, _info.num_subcores
NW = NC * NS
BAT_PER_W = NBATCH // NW
SPLIT = 2
CB = BAT_PER_W // SPLIT
N_CHUNKS = SEQ * SPLIT
NBUF = 10
N_GROUPS = N_CHUNKS // NBUF

_mesh = plsc.VectorSubcoreMesh(core_axis_name="c", subcore_axis_name="s")


@functools.partial(
    pl.kernel,
    mesh=_mesh,
    out_type=jax.ShapeDtypeStruct((SEQ, NBATCH, D), jnp.float32),
    scratch_types=[
        pltpu.VMEM((SEQ, BAT_PER_W), jnp.int32),
        pltpu.VMEM((NBUF, CB, D), jnp.float32),
    ]
    + [pltpu.SemaphoreType.DMA] * (2 * NBUF),
)
def _gather_kernel(idx_hbm, table_hbm, out_hbm, idx_v, rows_v, *sems):
    gsem = sems[:NBUF]
    osem = sems[NBUF:]
    wid = lax.axis_index("s") * NC + lax.axis_index("c")
    bat0 = wid * BAT_PER_W

    pltpu.sync_copy(idx_hbm.at[:, pl.ds(bat0, BAT_PER_W)], idx_v)

    def gather_desc(c, b):
        s = c // SPLIT
        half = c % SPLIT
        return pltpu.make_async_copy(
            table_hbm.at[idx_v.at[s, pl.ds(half * CB, CB)]],
            rows_v.at[b],
            gsem[b],
        )

    def out_desc(c, b):
        s = c // SPLIT
        half = c % SPLIT
        return pltpu.make_async_copy(
            rows_v.at[b],
            out_hbm.at[s, pl.ds(bat0 + half * CB, CB)],
            osem[b],
        )

    for b in range(NBUF):
        gather_desc(b, b).start()

    def body(g, _):
        for b in range(NBUF):
            c = g * NBUF + b
            gather_desc(c, b).wait()
            out_desc(c, b).start()
        for b in range(NBUF):
            c = g * NBUF + b
            out_desc(c, b).wait()

            @pl.when(g + 1 < N_GROUPS)
            def _():
                gather_desc(c + NBUF, b).start()

        return 0

    lax.fori_loop(0, N_GROUPS, body, 0)


def kernel(X, W):
    idxT = X.T.astype(jnp.int32)
    outT = _gather_kernel(idxT, W)
    return outT.transpose(1, 0, 2)

# --- scband reference (transcript-rebuilt; emitter-appended) ---
"""Pipeline reference for scband-embedding-29918742184108 (READ-ONLY COPY).

The authoritative reference and input builder live on the scoring server;
editing this copy changes nothing except your own understanding.
"""

import jax, jax.numpy as jnp
import numpy as np

VOCAB = 100000
DIM = 128

def setup_inputs(seed: int = 0) -> dict:
    key = jax.random.key(seed)
    k_idx, k_w = jax.random.split(key)
    X = jax.random.randint(k_idx, (4096, 50), 0, VOCAB, dtype=jnp.int64)
    W = jax.random.normal(k_w, (VOCAB, DIM), dtype=jnp.float32) * 0.02
    return {"X": X, "W": W}

def reference(X, W):
    # F.embedding(X, W) -> gather rows of W by index tensor X
    return jnp.take(W, X, axis=0)

if __name__ == "__main__":
    import jax
    _d = setup_inputs()
    print(jax.jit(kernel)(*tuple(_d.values())))

</pallas_src>

<mosaic_0001>
#map = affine_map<(d0, d1) -> (0, 0)>
#map1 = affine_map<(d0, d1) -> (0, 0, 0)>
module attributes {stable_mosaic.version = 14 : i64} {
  func.func @_gather_kernel(%arg0: i32, %arg1: i32, %arg2: memref<50x4096xi32, #tpu.memory_space<hbm>>, %arg3: memref<100000x128xf32, #tpu.memory_space<hbm>>, %arg4: memref<50x4096x128xf32, #tpu.memory_space<hbm>>, %arg5: memref<50x128xi32, #tpu.memory_space<vmem>>, %arg6: memref<10x64x128xf32, #tpu.memory_space<vmem>>, %arg7: memref<!tpu.dma_semaphore, #tpu.memory_space<semaphore_mem>>, %arg8: memref<!tpu.dma_semaphore, #tpu.memory_space<semaphore_mem>>, %arg9: memref<!tpu.dma_semaphore, #tpu.memory_space<semaphore_mem>>, %arg10: memref<!tpu.dma_semaphore, #tpu.memory_space<semaphore_mem>>, %arg11: memref<!tpu.dma_semaphore, #tpu.memory_space<semaphore_mem>>, %arg12: memref<!tpu.dma_semaphore, #tpu.memory_space<semaphore_mem>>, %arg13: memref<!tpu.dma_semaphore, #tpu.memory_space<semaphore_mem>>, %arg14: memref<!tpu.dma_semaphore, #tpu.memory_space<semaphore_mem>>, %arg15: memref<!tpu.dma_semaphore, #tpu.memory_space<semaphore_mem>>, %arg16: memref<!tpu.dma_semaphore, #tpu.memory_space<semaphore_mem>>, %arg17: memref<!tpu.dma_semaphore, #tpu.memory_space<semaphore_mem>>, %arg18: memref<!tpu.dma_semaphore, #tpu.memory_space<semaphore_mem>>, %arg19: memref<!tpu.dma_semaphore, #tpu.memory_space<semaphore_mem>>, %arg20: memref<!tpu.dma_semaphore, #tpu.memory_space<semaphore_mem>>, %arg21: memref<!tpu.dma_semaphore, #tpu.memory_space<semaphore_mem>>, %arg22: memref<!tpu.dma_semaphore, #tpu.memory_space<semaphore_mem>>, %arg23: memref<!tpu.dma_semaphore, #tpu.memory_space<semaphore_mem>>, %arg24: memref<!tpu.dma_semaphore, #tpu.memory_space<semaphore_mem>>, %arg25: memref<!tpu.dma_semaphore, #tpu.memory_space<semaphore_mem>>, %arg26: memref<!tpu.dma_semaphore, #tpu.memory_space<semaphore_mem>>) attributes {dimension_semantics = [#tpu.dimension_semantics<core_parallel>, #tpu.dimension_semantics<subcore_parallel>], iteration_bounds = array<i64: 2, 16>, scalar_prefetch = 0 : i64, scratch_operands = 22 : i64, tpu.core_type = #tpu.core_type<sc_vector_subcore>, window_params = [{transform_indices = #map}, {transform_indices = #map}, {transform_indices = #map1}]} {
    %mul3A = arith.constant 2 : i32
    %mul3A_0 = arith.muli %arg1, %mul3A : i32
    %add3A = arith.addi %mul3A_0, %arg0 : i32
    %mul3A_1 = arith.constant 128 : i32
    %mul3A_2 = arith.muli %add3A, %mul3A_1 : i32
    "tpu.region"() ({
      %run_scoped3A = tpu.sem_alloc : memref<!tpu.dma_semaphore, #tpu.memory_space<semaphore_mem>>
      %dma_start3A_128 = arith.constant 0 : i32
      %dma_start3A_129 = tpu.memref_slice %arg2[%dma_start3A_128, %mul3A_2] : memref<50x4096xi32, #tpu.memory_space<hbm>> -> memref<50x128xi32, #tpu.memory_space<hbm>>
      %dma_start3A_130 = arith.constant 0 : i32
      %dma_start3A_131 = tpu.memref_slice %arg2[%dma_start3A_130, %mul3A_2] : memref<50x4096xi32, #tpu.memory_space<hbm>> -> memref<50x128xi32, #tpu.memory_space<hbm>>
      tpu.enqueue_dma source(%dma_start3A_131 : memref<50x128xi32, #tpu.memory_space<hbm>>) target(%arg5 : memref<50x128xi32, #tpu.memory_space<vmem>>) target_semaphore(%run_scoped3A : memref<!tpu.dma_semaphore, #tpu.memory_space<semaphore_mem>>)
      %dma_wait3A = arith.constant 0 : i32
      %dma_wait3A_132 = tpu.memref_slice %arg2[%dma_wait3A, %mul3A_2] : memref<50x4096xi32, #tpu.memory_space<hbm>> -> memref<50x128xi32, #tpu.memory_space<hbm>>
      %dma_wait3A_133 = arith.constant 0 : i32
      %dma_wait3A_134 = tpu.memref_slice %arg2[%dma_wait3A_133, %mul3A_2] : memref<50x4096xi32, #tpu.memory_space<hbm>> -> memref<50x128xi32, #tpu.memory_space<hbm>>
      tpu.wait_dma2 semaphore(%run_scoped3A : memref<!tpu.dma_semaphore, #tpu.memory_space<semaphore_mem>>) src(%dma_wait3A_134 : memref<50x128xi32, #tpu.memory_space<hbm>>) dst(%arg5 : memref<50x128xi32, #tpu.memory_space<vmem>>)
      tpu.yield
    }) : () -> ()
    %dma_start3A = arith.constant 0 : i32
    %dma_start3A_3 = arith.constant 0 : i32
    %dma_start3A_4 = arith.constant 0 : i32
    %dma_start3A_5 = arith.constant 0 : i32
    %dma_start3A_6 = tpu.memref_slice %arg6[%dma_start3A_3, %dma_start3A_4, %dma_start3A_5] : memref<10x64x128xf32, #tpu.memory_space<vmem>> -> memref<1x64x128xf32, #tpu.memory_space<vmem>>
    %dma_start3A_7 = tpu.memref_squeeze %dma_start3A_6 : memref<1x64x128xf32, #tpu.memory_space<vmem>> -> memref<64x128xf32, #tpu.memory_space<vmem>>
    %dma_start3A_8 = arith.constant 0 : i32
    %dma_start3A_9 = tpu.memref_slice %arg5[%dma_start3A, %dma_start3A_8] : memref<50x128xi32, #tpu.memory_space<vmem>> -> memref<1x64xi32, #tpu.memory_space<vmem>>
    %dma_start3A_10 = tpu.memref_squeeze %dma_start3A_9 : memref<1x64xi32, #tpu.memory_space<vmem>> -> memref<64xi32, #tpu.memory_space<vmem>>
    %dma_start3A_11 = arith.constant 0 : i32
    %dma_start3A_12 = arith.constant 0 : i32
    %dma_start3A_13 = tpu.memref_slice %arg3[%dma_start3A_11, %dma_start3A_12] : memref<100000x128xf32, #tpu.memory_space<hbm>> -> memref<100000x128xf32, #tpu.memory_space<hbm>>
    tpu.enqueue_indirect_dma source(%dma_start3A_13 : memref<100000x128xf32, #tpu.memory_space<hbm>>) target(%dma_start3A_7 : memref<64x128xf32, #tpu.memory_space<vmem>>) offsets(%dma_start3A_10 : memref<64xi32, #tpu.memory_space<vmem>>) semaphore(%arg7 : memref<!tpu.dma_semaphore, #tpu.memory_space<semaphore_mem>>)
    %dma_start3A_14 = arith.constant 0 : i32
    %dma_start3A_15 = arith.constant 1 : i32
    %dma_start3A_16 = arith.constant 0 : i32
    %dma_start3A_17 = arith.constant 0 : i32
    %dma_start3A_18 = tpu.memref_slice %arg6[%dma_start3A_15, %dma_start3A_16, %dma_start3A_17] : memref<10x64x128xf32, #tpu.memory_space<vmem>> -> memref<1x64x128xf32, #tpu.memory_space<vmem>>
    %dma_start3A_19 = tpu.memref_squeeze %dma_start3A_18 : memref<1x64x128xf32, #tpu.memory_space<vmem>> -> memref<64x128xf32, #tpu.memory_space<vmem>>
    %dma_start3A_20 = arith.constant 64 : i32
    %dma_start3A_21 = tpu.memref_slice %arg5[%dma_start3A_14, %dma_start3A_20] : memref<50x128xi32, #tpu.memory_space<vmem>> -> memref<1x64xi32, #tpu.memory_space<vmem>>
    %dma_start3A_22 = tpu.memref_squeeze %dma_start3A_21 : memref<1x64xi32, #tpu.memory_space<vmem>> -> memref<64xi32, #tpu.memory_space<vmem>>
    %dma_start3A_23 = arith.constant 0 : i32
    %dma_start3A_24 = arith.constant 0 : i32
    %dma_start3A_25 = tpu.memref_slice %arg3[%dma_start3A_23, %dma_start3A_24] : memref<100000x128xf32, #tpu.memory_space<hbm>> -> memref<100000x128xf32, #tpu.memory_space<hbm>>
    tpu.enqueue_indirect_dma source(%dma_start3A_25 : memref<100000x128xf32, #tpu.memory_space<hbm>>) target(%dma_start3A_19 : memref<64x128xf32, #tpu.memory_space<vmem>>) offsets(%dma_start3A_22 : memref<64xi32, #tpu.memory_space<vmem>>) semaphore(%arg8 : memref<!tpu.dma_semaphore, #tpu.memory_space<semaphore_mem>>)
    %dma_start3A_26 = arith.constant 1 : i32
    %dma_start3A_27 = arith.constant 2 : i32
    %dma_start3A_28 = arith.constant 0 : i32
    %dma_start3A_29 = arith.constant 0 : i32
    %dma_start3A_30 = tpu.memref_slice %arg6[%dma_start3A_27, %dma_start3A_28, %dma_start3A_29] : memref<10x64x128xf32, #tpu.memory_space<vmem>> -> memref<1x64x128xf32, #tpu.memory_space<vmem>>
    %dma_start3A_31 = tpu.memref_squeeze %dma_start3A_30 : memref<1x64x128xf32, #tpu.memory_space<vmem>> -> memref<64x128xf32, #tpu.memory_space<vmem>>
    %dma_start3A_32 = arith.constant 0 : i32
    %dma_start3A_33 = tpu.memref_slice %arg5[%dma_start3A_26, %dma_start3A_32] : memref<50x128xi32, #tpu.memory_space<vmem>> -> memref<1x64xi32, #tpu.memory_space<vmem>>
    %dma_start3A_34 = tpu.memref_squeeze %dma_start3A_33 : memref<1x64xi32, #tpu.memory_space<vmem>> -> memref<64xi32, #tpu.memory_space<vmem>>
    %dma_start3A_35 = arith.constant 0 : i32
    %dma_start3A_36 = arith.constant 0 : i32
    %dma_start3A_37 = tpu.memref_slice %arg3[%dma_start3A_35, %dma_start3A_36] : memref<100000x128xf32, #tpu.memory_space<hbm>> -> memref<100000x128xf32, #tpu.memory_space<hbm>>
    tpu.enqueue_indirect_dma source(%dma_start3A_37 : memref<100000x128xf32, #tpu.memory_space<hbm>>) target(%dma_start3A_31 : memref<64x128xf32, #tpu.memory_space<vmem>>) offsets(%dma_start3A_34 : memref<64xi32, #tpu.memory_space<vmem>>) semaphore(%arg9 : memref<!tpu.dma_semaphore, #tpu.memory_space<semaphore_mem>>)
    %dma_start3A_38 = arith.constant 1 : i32
    %dma_start3A_39 = arith.constant 3 : i32
    %dma_start3A_40 = arith.constant 0 : i32
    %dma_start3A_41 = arith.constant 0 : i32
    %dma_start3A_42 = tpu.memref_slice %arg6[%dma_start3A_39, %dma_start3A_40, %dma_start3A_41] : memref<10x64x128xf32, #tpu.memory_space<vmem>> -> memref<1x64x128xf32, #tpu.memory_space<vmem>>
    %dma_start3A_43 = tpu.memref_squeeze %dma_start3A_42 : memref<1x64x128xf32, #tpu.memory_space<vmem>> -> memref<64x128xf32, #tpu.memory_space<vmem>>
    %dma_start3A_44 = arith.constant 64 : i32
    %dma_start3A_45 = tpu.memref_slice %arg5[%dma_start3A_38, %dma_start3A_44] : memref<50x128xi32, #tpu.memory_space<vmem>> -> memref<1x64xi32, #tpu.memory_space<vmem>>
    %dma_start3A_46 = tpu.memref_squeeze %dma_start3A_45 : memref<1x64xi32, #tpu.memory_space<vmem>> -> memref<64xi32, #tpu.memory_space<vmem>>
    %dma_start3A_47 = arith.constant 0 : i32
    %dma_start3A_48 = arith.constant 0 : i32
    %dma_start3A_49 = tpu.memref_slice %arg3[%dma_start3A_47, %dma_start3A_48] : memref<100000x128xf32, #tpu.memory_space<hbm>> -> memref<100000x128xf32, #tpu.memory_space<hbm>>
    tpu.enqueue_indirect_dma source(%dma_start3A_49 : memref<100000x128xf32, #tpu.memory_space<hbm>>) target(%dma_start3A_43 : memref<64x128xf32, #tpu.memory_space<vmem>>) offsets(%dma_start3A_46 : memref<64xi32, #tpu.memory_space<vmem>>) semaphore(%arg10 : memref<!tpu.dma_semaphore, #tpu.memory_space<semaphore_mem>>)
    %dma_start3A_50 = arith.constant 2 : i32
    %dma_start3A_51 = arith.constant 4 : i32
    %dma_start3A_52 = arith.constant 0 : i32
    %dma_start3A_53 = arith.constant 0 : i32
    %dma_start3A_54 = tpu.memref_slice %arg6[%dma_start3A_51, %dma_start3A_52, %dma_start3A_53] : memref<10x64x128xf32, #tpu.memory_space<vmem>> -> memref<1x64x128xf32, #tpu.memory_space<vmem>>
    %dma_start3A_55 = tpu.memref_squeeze %dma_start3A_54 : memref<1x64x128xf32, #tpu.memory_space<vmem>> -> memref<64x128xf32, #tpu.memory_space<vmem>>
    %dma_start3A_56 = arith.constant 0 : i32
    %dma_start3A_57 = tpu.memref_slice %arg5[%dma_start3A_50, %dma_start3A_56] : memref<50x128xi32, #tpu.memory_space<vmem>> -> memref<1x64xi32, #tpu.memory_space<vmem>>
    %dma_start3A_58 = tpu.memref_squeeze %dma_start3A_57 : memref<1x64xi32, #tpu.memory_space<vmem>> -> memref<64xi32, #tpu.memory_space<vmem>>
    %dma_start3A_59 = arith.constant 0 : i32
    %dma_start3A_60 = arith.constant 0 : i32
    %dma_start3A_61 = tpu.memref_slice %arg3[%dma_start3A_59, %dma_start3A_60] : memref<100000x128xf32, #tpu.memory_space<hbm>> -> memref<100000x128xf32, #tpu.memory_space<hbm>>
    tpu.enqueue_indirect_dma source(%dma_start3A_61 : memref<100000x128xf32, #tpu.memory_space<hbm>>) target(%dma_start3A_55 : memref<64x128xf32, #tpu.memory_space<vmem>>) offsets(%dma_start3A_58 : memref<64xi32, #tpu.memory_space<vmem>>) semaphore(%arg11 : memref<!tpu.dma_semaphore, #tpu.memory_space<semaphore_mem>>)
    %dma_start3A_62 = arith.constant 2 : i32
    %dma_start3A_63 = arith.constant 5 : i32
    %dma_start3A_64 = arith.constant 0 : i32
    %dma_start3A_65 = arith.constant 0 : i32
    %dma_start3A_66 = tpu.memref_slice %arg6[%dma_start3A_63, %dma_start3A_64, %dma_start3A_65] : memref<10x64x128xf32, #tpu.memory_space<vmem>> -> memref<1x64x128xf32, #tpu.memory_space<vmem>>
    %dma_start3A_67 = tpu.memref_squeeze %dma_start3A_66 : memref<1x64x128xf32, #tpu.memory_space<vmem>> -> memref<64x128xf32, #tpu.memory_space<vmem>>
    %dma_start3A_68 = arith.constant 64 : i32
    %dma_start3A_69 = tpu.memref_slice %arg5[%dma_start3A_62, %dma_start3A_68] : memref<50x128xi32, #tpu.memory_space<vmem>> -> memref<1x64xi32, #tpu.memory_space<vmem>>
    %dma_start3A_70 = tpu.memref_squeeze %dma_start3A_69 : memref<1x64xi32, #tpu.memory_space<vmem>> -> memref<64xi32, #tpu.memory_space<vmem>>
    %dma_start3A_71 = arith.constant 0 : i32
    %dma_start3A_72 = arith.constant 0 : i32
    %dma_start3A_73 = tpu.memref_slice %arg3[%dma_start3A_71, %dma_start3A_72] : memref<100000x128xf32, #tpu.memory_space<hbm>> -> memref<100000x128xf32, #tpu.memory_space<hbm>>
    tpu.enqueue_indirect_dma source(%dma_start3A_73 : memref<100000x128xf32, #tpu.memory_space<hbm>>) target(%dma_start3A_67 : memref<64x128xf32, #tpu.memory_space<vmem>>) offsets(%dma_start3A_70 : memref<64xi32, #tpu.memory_space<vmem>>) semaphore(%arg12 : memref<!tpu.dma_semaphore, #tpu.memory_space<semaphore_mem>>)
    %dma_start3A_74 = arith.constant 3 : i32
    %dma_start3A_75 = arith.constant 6 : i32
    %dma_start3A_76 = arith.constant 0 : i32
    %dma_start3A_77 = arith.constant 0 : i32
    %dma_start3A_78 = tpu.memref_slice %arg6[%dma_start3A_75, %dma_start3A_76, %dma_start3A_77] : memref<10x64x128xf32, #tpu.memory_space<vmem>> -> memref<1x64x128xf32, #tpu.memory_space<vmem>>
    %dma_start3A_79 = tpu.memref_squeeze %dma_start3A_78 : memref<1x64x128xf32, #tpu.memory_space<vmem>> -> memref<64x128xf32, #tpu.memory_space<vmem>>
    %dma_start3A_80 = arith.constant 0 : i32
    %dma_start3A_81 = tpu.memref_slice %arg5[%dma_start3A_74, %dma_start3A_80] : memref<50x128xi32, #tpu.memory_space<vmem>> -> memref<1x64xi32, #tpu.memory_space<vmem>>
    %dma_start3A_82 = tpu.memref_squeeze %dma_start3A_81 : memref<1x64xi32, #tpu.memory_space<vmem>> -> memref<64xi32, #tpu.memory_space<vmem>>
    %dma_start3A_83 = arith.constant 0 : i32
    %dma_start3A_84 = arith.constant 0 : i32
    %dma_start3A_85 = tpu.memref_slice %arg3[%dma_start3A_83, %dma_start3A_84] : memref<100000x128xf32, #tpu.memory_space<hbm>> -> memref<100000x128xf32, #tpu.memory_space<hbm>>
    tpu.enqueue_indirect_dma source(%dma_start3A_85 : memref<100000x128xf32, #tpu.memory_space<hbm>>) target(%dma_start3A_79 : memref<64x128xf32, #tpu.memory_space<vmem>>) offsets(%dma_start3A_82 : memref<64xi32, #tpu.memory_space<vmem>>) semaphore(%arg13 : memref<!tpu.dma_semaphore, #tpu.memory_space<semaphore_mem>>)
    %dma_start3A_86 = arith.constant 3 : i32
    %dma_start3A_87 = arith.constant 7 : i32
    %dma_start3A_88 = arith.constant 0 : i32
    %dma_start3A_89 = arith.constant 0 : i32
    %dma_start3A_90 = tpu.memref_slice %arg6[%dma_start3A_87, %dma_start3A_88, %dma_start3A_89] : memref<10x64x128xf32, #tpu.memory_space<vmem>> -> memref<1x64x128xf32, #tpu.memory_space<vmem>>
    %dma_start3A_91 = tpu.memref_squeeze %dma_start3A_90 : memref<1x64x128xf32, #tpu.memory_space<vmem>> -> memref<64x128xf32, #tpu.memory_space<vmem>>
    %dma_start3A_92 = arith.constant 64 : i32
    %dma_start3A_93 = tpu.memref_slice %arg5[%dma_start3A_86, %dma_start3A_92] : memref<50x128xi32, #tpu.memory_space<vmem>> -> memref<1x64xi32, #tpu.memory_space<vmem>>
    %dma_start3A_94 = tpu.memref_squeeze %dma_start3A_93 : memref<1x64xi32, #tpu.memory_space<vmem>> -> memref<64xi32, #tpu.memory_space<vmem>>
    %dma_start3A_95 = arith.constant 0 : i32
    %dma_start3A_96 = arith.constant 0 : i32
    %dma_start3A_97 = tpu.memref_slice %arg3[%dma_start3A_95, %dma_start3A_96] : memref<100000x128xf32, #tpu.memory_space<hbm>> -> memref<100000x128xf32, #tpu.memory_space<hbm>>
    tpu.enqueue_indirect_dma source(%dma_start3A_97 : memref<100000x128xf32, #tpu.memory_space<hbm>>) target(%dma_start3A_91 : memref<64x128xf32, #tpu.memory_space<vmem>>) offsets(%dma_start3A_94 : memref<64xi32, #tpu.memory_space<vmem>>) semaphore(%arg14 : memref<!tpu.dma_semaphore, #tpu.memory_space<semaphore_mem>>)
    %dma_start3A_98 = arith.constant 4 : i32
    %dma_start3A_99 = arith.constant 8 : i32
    %dma_start3A_100 = arith.constant 0 : i32
    %dma_start3A_101 = arith.constant 0 : i32
    %dma_start3A_102 = tpu.memref_slice %arg6[%dma_start3A_99, %dma_start3A_100, %dma_start3A_101] : memref<10x64x128xf32, #tpu.memory_space<vmem>> -> memref<1x64x128xf32, #tpu.memory_space<vmem>>
    %dma_start3A_103 = tpu.memref_squeeze %dma_start3A_102 : memref<1x64x128xf32, #tpu.memory_space<vmem>> -> memref<64x128xf32, #tpu.memory_space<vmem>>
    %dma_start3A_104 = arith.constant 0 : i32
    %dma_start3A_105 = tpu.memref_slice %arg5[%dma_start3A_98, %dma_start3A_104] : memref<50x128xi32, #tpu.memory_space<vmem>> -> memref<1x64xi32, #tpu.memory_space<vmem>>
    %dma_start3A_106 = tpu.memref_squeeze %dma_start3A_105 : memref<1x64xi32, #tpu.memory_space<vmem>> -> memref<64xi32, #tpu.memory_space<vmem>>
    %dma_start3A_107 = arith.constant 0 : i32
    %dma_start3A_108 = arith.constant 0 : i32
    %dma_start3A_109 = tpu.memref_slice %arg3[%dma_start3A_107, %dma_start3A_108] : memref<100000x128xf32, #tpu.memory_space<hbm>> -> memref<100000x128xf32, #tpu.memory_space<hbm>>
    tpu.enqueue_indirect_dma source(%dma_start3A_109 : memref<100000x128xf32, #tpu.memory_space<hbm>>) target(%dma_start3A_103 : memref<64x128xf32, #tpu.memory_space<vmem>>) offsets(%dma_start3A_106 : memref<64xi32, #tpu.memory_space<vmem>>) semaphore(%arg15 : memref<!tpu.dma_semaphore, #tpu.memory_space<semaphore_mem>>)
    %dma_start3A_110 = arith.constant 4 : i32
    %dma_start3A_111 = arith.constant 9 : i32
    %dma_start3A_112 = arith.constant 0 : i32
    %dma_start3A_113 = arith.constant 0 : i32
    %dma_start3A_114 = tpu.memref_slice %arg6[%dma_start3A_111, %dma_start3A_112, %dma_start3A_113] : memref<10x64x128xf32, #tpu.memory_space<vmem>> -> memref<1x64x128xf32, #tpu.memory_space<vmem>>
    %dma_start3A_115 = tpu.memref_squeeze %dma_start3A_114 : memref<1x64x128xf32, #tpu.memory_space<vmem>> -> memref<64x128xf32, #tpu.memory_space<vmem>>
    %dma_start3A_116 = arith.constant 64 : i32
    %dma_start3A_117 = tpu.memref_slice %arg5[%dma_start3A_110, %dma_start3A_116] : memref<50x128xi32, #tpu.memory_space<vmem>> -> memref<1x64xi32, #tpu.memory_space<vmem>>
    %dma_start3A_118 = tpu.memref_squeeze %dma_start3A_117 : memref<1x64xi32, #tpu.memory_space<vmem>> -> memref<64xi32, #tpu.memory_space<vmem>>
    %dma_start3A_119 = arith.constant 0 : i32
    %dma_start3A_120 = arith.constant 0 : i32
    %dma_start3A_121 = tpu.memref_slice %arg3[%dma_start3A_119, %dma_start3A_120] : memref<100000x128xf32, #tpu.memory_space<hbm>> -> memref<100000x128xf32, #tpu.memory_space<hbm>>
    tpu.enqueue_indirect_dma source(%dma_start3A_121 : memref<100000x128xf32, #tpu.memory_space<hbm>>) target(%dma_start3A_115 : memref<64x128xf32, #tpu.memory_space<vmem>>) offsets(%dma_start3A_118 : memref<64xi32, #tpu.memory_space<vmem>>) semaphore(%arg16 : memref<!tpu.dma_semaphore, #tpu.memory_space<semaphore_mem>>)
    %scan3A = arith.constant 0 : i32
    %scan3A_122 = arith.constant 0 : i32
    %scan3A_123 = arith.constant 10 : i32
    %scan3A_124 = arith.addi %scan3A_122, %scan3A_123 : i32
    %scan3A_125 = arith.constant 1 : i32
    %scan3A_126 = scf.for %scan3A_128 = %scan3A_122 to %scan3A_124 step %scan3A_125 iter_args(%scan3A_129 = %scan3A) -> (i32)  : i32 {
      %mul3A_130 = arith.constant 10 : i32
      %mul3A_131 = arith.muli %scan3A_128, %mul3A_130 : i32
      %add3A_132 = arith.constant 0 : i32
      %add3A_133 = arith.addi %mul3A_131, %add3A_132 : i32
      %jit3A = arith.constant 2 : i32
      %div3A = arith.divsi %add3A_133, %jit3A : i32
      %sign3A = arith.constant 0 : i32
      %sign3A_134 = arith.cmpi sgt, %add3A_133, %sign3A : i32
      %sign3A_135 = arith.extui %sign3A_134 : i1 to i32
      %sign3A_136 = arith.constant 0 : i32
      %sign3A_137 = arith.cmpi slt, %add3A_133, %sign3A_136 : i32
      %sign3A_138 = arith.extui %sign3A_137 : i1 to i32
      %sign3A_139 = arith.subi %sign3A_135, %sign3A_138 : i32
      %sign3A_140 = arith.constant 0 : i32
      %sign3A_141 = arith.cmpi sgt, %jit3A, %sign3A_140 : i32
      %sign3A_142 = arith.extui %sign3A_141 : i1 to i32
      %sign3A_143 = arith.constant 0 : i32
      %sign3A_144 = arith.cmpi slt, %jit3A, %sign3A_143 : i32
      %sign3A_145 = arith.extui %sign3A_144 : i1 to i32
      %sign3A_146 = arith.subi %sign3A_142, %sign3A_145 : i32
      %ne3A = arith.cmpi ne, %sign3A_139, %sign3A_146 : i32
      %rem3A = arith.remsi %add3A_133, %jit3A : i32
      %ne3A_147 = arith.constant 0 : i32
      %ne3A_148 = arith.cmpi ne, %rem3A, %ne3A_147 : i32
      %and3A = arith.andi %ne3A, %ne3A_148 : i1
      %sub3A = arith.constant 1 : i32
      %sub3A_149 = arith.subi %div3A, %sub3A : i32
      %select_n3A = arith.select %and3A, %sub3A_149, %div3A : i32
      %jit3A_150 = arith.constant 2 : i32
      %eq3A = arith.constant 0 : i32
      %eq3A_151 = arith.cmpi eq, %jit3A_150, %eq3A : i32
      %jit3A_152 = arith.constant 1 : i32
      %select_n3A_153 = arith.select %eq3A_151, %jit3A_152, %jit3A_150 : i32
      %rem3A_154 = arith.remsi %add3A_133, %select_n3A_153 : i32
      %ne3A_155 = arith.constant 0 : i32
      %ne3A_156 = arith.cmpi ne, %rem3A_154, %ne3A_155 : i32
      %lt3A = arith.constant 0 : i32
      %lt3A_157 = arith.cmpi slt, %rem3A_154, %lt3A : i32
      %lt3A_158 = arith.constant 0 : i32
      %lt3A_159 = arith.cmpi slt, %select_n3A_153, %lt3A_158 : i32
      %ne3A_160 = arith.xori %lt3A_157, %lt3A_159 : i1
      %and3A_161 = arith.andi %ne3A_160, %ne3A_156 : i1
      %add3A_162 = arith.addi %rem3A_154, %select_n3A_153 : i32
      %select_n3A_163 = arith.select %and3A_161, %add3A_162, %rem3A_154 : i32
      %mul3A_164 = arith.constant 64 : i32
      %mul3A_165 = arith.muli %select_n3A_163, %mul3A_164 : i32
      %dma_wait3A = arith.constant 0 : i32
      %dma_wait3A_166 = arith.constant 0 : i32
      %dma_wait3A_167 = arith.constant 0 : i32
      %dma_wait3A_168 = tpu.memref_slice %arg6[%dma_wait3A, %dma_wait3A_166, %dma_wait3A_167] : memref<10x64x128xf32, #tpu.memory_space<vmem>> -> memref<1x64x128xf32, #tpu.memory_space<vmem>>
      %dma_wait3A_169 = tpu.memref_squeeze %dma_wait3A_168 : memref<1x64x128xf32, #tpu.memory_space<vmem>> -> memref<64x128xf32, #tpu.memory_space<vmem>>
      %dma_wait3A_170 = tpu.memref_slice %arg5[%select_n3A, %mul3A_165] : memref<50x128xi32, #tpu.memory_space<vmem>> -> memref<1x64xi32, #tpu.memory_space<vmem>>
      %dma_wait3A_171 = tpu.memref_squeeze %dma_wait3A_170 : memref<1x64xi32, #tpu.memory_space<vmem>> -> memref<64xi32, #tpu.memory_space<vmem>>
      %dma_wait3A_172 = arith.constant 0 : i32
      %dma_wait3A_173 = arith.constant 0 : i32
      %dma_wait3A_174 = tpu.memref_slice %arg3[%dma_wait3A_172, %dma_wait3A_173] : memref<100000x128xf32, #tpu.memory_space<hbm>> -> memref<100000x128xf32, #tpu.memory_space<hbm>>
      tpu.wait_indirect_dma semaphore(%arg7 : memref<!tpu.dma_semaphore, #tpu.memory_space<semaphore_mem>>) src(%dma_wait3A_174 : memref<100000x128xf32, #tpu.memory_space<hbm>>) dst(%dma_wait3A_169 : memref<64x128xf32, #tpu.memory_space<vmem>>)
      %jit3A_175 = arith.constant 2 : i32
      %div3A_176 = arith.divsi %add3A_133, %jit3A_175 : i32
      %sign3A_177 = arith.constant 0 : i32
      %sign3A_178 = arith.cmpi sgt, %add3A_133, %sign3A_177 : i32
      %sign3A_179 = arith.extui %sign3A_178 : i1 to i32
      %sign3A_180 = arith.constant 0 : i32
      %sign3A_181 = arith.cmpi slt, %add3A_133, %sign3A_180 : i32
      %sign3A_182 = arith.extui %sign3A_181 : i1 to i32
      %sign3A_183 = arith.subi %sign3A_179, %sign3A_182 : i32
      %sign3A_184 = arith.constant 0 : i32
      %sign3A_185 = arith.cmpi sgt, %jit3A_175, %sign3A_184 : i32
      %sign3A_186 = arith.extui %sign3A_185 : i1 to i32
      %sign3A_187 = arith.constant 0 : i32
      %sign3A_188 = arith.cmpi slt, %jit3A_175, %sign3A_187 : i32
      %sign3A_189 = arith.extui %sign3A_188 : i1 to i32
      %sign3A_190 = arith.subi %sign3A_186, %sign3A_189 : i32
      %ne3A_191 = arith.cmpi ne, %sign3A_183, %sign3A_190 : i32
      %rem3A_192 = arith.remsi %add3A_133, %jit3A_175 : i32
      %ne3A_193 = arith.constant 0 : i32
      %ne3A_194 = arith.cmpi ne, %rem3A_192, %ne3A_193 : i32
      %and3A_195 = arith.andi %ne3A_191, %ne3A_194 : i1
      %sub3A_196 = arith.constant 1 : i32
      %sub3A_197 = arith.subi %div3A_176, %sub3A_196 : i32
      %select_n3A_198 = arith.select %and3A_195, %sub3A_197, %div3A_176 : i32
      %jit3A_199 = arith.constant 2 : i32
      %eq3A_200 = arith.constant 0 : i32
      %eq3A_201 = arith.cmpi eq, %jit3A_199, %eq3A_200 : i32
      %jit3A_202 = arith.constant 1 : i32
      %select_n3A_203 = arith.select %eq3A_201, %jit3A_202, %jit3A_199 : i32
      %rem3A_204 = arith.remsi %add3A_133, %select_n3A_203 : i32
      %ne3A_205 = arith.constant 0 : i32
      %ne3A_206 = arith.cmpi ne, %rem3A_204, %ne3A_205 : i32
      %lt3A_207 = arith.constant 0 : i32
      %lt3A_208 = arith.cmpi slt, %rem3A_204, %lt3A_207 : i32
      %lt3A_209 = arith.constant 0 : i32
      %lt3A_210 = arith.cmpi slt, %select_n3A_203, %lt3A_209 : i32
      %ne3A_211 = arith.xori %lt3A_208, %lt3A_210 : i1
      %and3A_212 = arith.andi %ne3A_211, %ne3A_206 : i1
      %add3A_213 = arith.addi %rem3A_204, %select_n3A_203 : i32
      %select_n3A_214 = arith.select %and3A_212, %add3A_213, %rem3A_204 : i32
      %mul3A_215 = arith.constant 64 : i32
      %mul3A_216 = arith.muli %select_n3A_214, %mul3A_215 : i32
      %add3A_217 = arith.addi %mul3A_2, %mul3A_216 : i32
      %dma_start3A_218 = arith.constant 0 : i32
      %dma_start3A_219 = arith.constant 0 : i32
      %dma_start3A_220 = arith.constant 0 : i32
      %dma_start3A_221 = tpu.memref_slice %arg6[%dma_start3A_218, %dma_start3A_219, %dma_start3A_220] : memref<10x64x128xf32, #tpu.memory_space<vmem>> -> memref<1x64x128xf32, #tpu.memory_space<vmem>>
      %dma_start3A_222 = tpu.memref_squeeze %dma_start3A_221 : memref<1x64x128xf32, #tpu.memory_space<vmem>> -> memref<64x128xf32, #tpu.memory_space<vmem>>
      %dma_start3A_223 = arith.constant 0 : i32
      %dma_start3A_224 = tpu.memref_slice %arg4[%select_n3A_198, %add3A_217, %dma_start3A_223] : memref<50x4096x128xf32, #tpu.memory_space<hbm>> -> memref<1x64x128xf32, #tpu.memory_space<hbm>>
      %dma_start3A_225 = tpu.memref_squeeze %dma_start3A_224 : memref<1x64x128xf32, #tpu.memory_space<hbm>> -> memref<64x128xf32, #tpu.memory_space<hbm>>
      %dma_start3A_226 = arith.constant 0 : i32
      %dma_start3A_227 = tpu.memref_slice %arg4[%select_n3A_198, %add3A_217, %dma_start3A_226] : memref<50x4096x128xf32, #tpu.memory_space<hbm>> -> memref<1x64x128xf32, #tpu.memory_space<hbm>>
      %dma_start3A_228 = tpu.memref_squeeze %dma_start3A_227 : memref<1x64x128xf32, #tpu.memory_space<hbm>> -> memref<64x128xf32, #tpu.memory_space<hbm>>
      %dma_start3A_229 = arith.constant 0 : i32
      %dma_start3A_230 = arith.constant 0 : i32
      %dma_start3A_231 = tpu.memref_slice %arg6[%dma_start3A_218, %dma_start3A_229, %dma_start3A_230] : memref<10x64x128xf32, #tpu.memory_space<vmem>> -> memref<1x64x128xf32, #tpu.memory_space<vmem>>
      %dma_start3A_232 = tpu.memref_squeeze %dma_start3A_231 : memref<1x64x128xf32, #tpu.memory_space<vmem>> -> memref<64x128xf32, #tpu.memory_space<vmem>>
      tpu.enqueue_dma source(%dma_start3A_232 : memref<64x128xf32, #tpu.memory_space<vmem>>) target(%dma_start3A_228 : memref<64x128xf32, #tpu.memory_space<hbm>>) target_semaphore(%arg17 : memref<!tpu.dma_semaphore, #tpu.memory_space<semaphore_mem>>)
      %mul3A_233 = arith.constant 10 : i32
      %mul3A_234 = arith.muli %scan3A_128, %mul3A_233 : i32
      %add3A_235 = arith.constant 1 : i32
      %add3A_236 = arith.addi %mul3A_234, %add3A_235 : i32
      %jit3A_237 = arith.constant 2 : i32
      %div3A_238 = arith.divsi %add3A_236, %jit3A_237 : i32
      %sign3A_239 = arith.constant 0 : i32
      %sign3A_240 = arith.cmpi sgt, %add3A_236, %sign3A_239 : i32
      %sign3A_241 = arith.extui %sign3A_240 : i1 to i32
      %sign3A_242 = arith.constant 0 : i32
      %sign3A_243 = arith.cmpi slt, %add3A_236, %sign3A_242 : i32
      %sign3A_244 = arith.extui %sign3A_243 : i1 to i32
      %sign3A_245 = arith.subi %sign3A_241, %sign3A_244 : i32
      %sign3A_246 = arith.constant 0 : i32
      %sign3A_247 = arith.cmpi sgt, %jit3A_237, %sign3A_246 : i32
      %sign3A_248 = arith.extui %sign3A_247 : i1 to i32
      %sign3A_249 = arith.constant 0 : i32
      %sign3A_250 = arith.cmpi slt, %jit3A_237, %sign3A_249 : i32
      %sign3A_251 = arith.extui %sign3A_250 : i1 to i32
      %sign3A_252 = arith.subi %sign3A_248, %sign3A_251 : i32
      %ne3A_253 = arith.cmpi ne, %sign3A_245, %sign3A_252 : i32
      %rem3A_254 = arith.remsi %add3A_236, %jit3A_237 : i32
      %ne3A_255 = arith.constant 0 : i32
      %ne3A_256 = arith.cmpi ne, %rem3A_254, %ne3A_255 : i32
      %and3A_257 = arith.andi %ne3A_253, %ne3A_256 : i1
      %sub3A_258 = arith.constant 1 : i32
      %sub3A_259 = arith.subi %div3A_238, %sub3A_258 : i32
      %select_n3A_260 = arith.select %and3A_257, %sub3A_259, %div3A_238 : i32
      %jit3A_261 = arith.constant 2 : i32
      %eq3A_262 = arith.constant 0 : i32
      %eq3A_263 = arith.cmpi eq, %jit3A_261, %eq3A_262 : i32
      %jit3A_264 = arith.constant 1 : i32
      %select_n3A_265 = arith.select %eq3A_263, %jit3A_264, %jit3A_261 : i32
      %rem3A_266 = arith.remsi %add3A_236, %select_n3A_265 : i32
      %ne3A_267 = arith.constant 0 : i32
      %ne3A_268 = arith.cmpi ne, %rem3A_266, %ne3A_267 : i32
      %lt3A_269 = arith.constant 0 : i32
      %lt3A_270 = arith.cmpi slt, %rem3A_266, %lt3A_269 : i32
      %lt3A_271 = arith.constant 0 : i32
      %lt3A_272 = arith.cmpi slt, %select_n3A_265, %lt3A_271 : i32
      %ne3A_273 = arith.xori %lt3A_270, %lt3A_272 : i1
      %and3A_274 = arith.andi %ne3A_273, %ne3A_268 : i1
      %add3A_275 = arith.addi %rem3A_266, %select_n3A_265 : i32
      %select_n3A_276 = arith.select %and3A_274, %add3A_275, %rem3A_266 : i32
      %mul3A_277 = arith.constant 64 : i32
      %mul3A_278 = arith.muli %select_n3A_276, %mul3A_277 : i32
      %dma_wait3A_279 = arith.constant 1 : i32
      %dma_wait3A_280 = arith.constant 0 : i32
      %dma_wait3A_281 = arith.constant 0 : i32
      %dma_wait3A_282 = tpu.memref_slice %arg6[%dma_wait3A_279, %dma_wait3A_280, %dma_wait3A_281] : memref<10x64x128xf32, #tpu.memory_space<vmem>> -> memref<1x64x128xf32, #tpu.memory_space<vmem>>
      %dma_wait3A_283 = tpu.memref_squeeze %dma_wait3A_282 : memref<1x64x128xf32, #tpu.memory_space<vmem>> -> memref<64x128xf32, #tpu.memory_space<vmem>>
      %dma_wait3A_284 = tpu.memref_slice %arg5[%select_n3A_260, %mul3A_278] : memref<50x128xi32, #tpu.memory_space<vmem>> -> memref<1x64xi32, #tpu.memory_space<vmem>>
      %dma_wait3A_285 = tpu.memref_squeeze %dma_wait3A_284 : memref<1x64xi32, #tpu.memory_space<vmem>> -> memref<64xi32, #tpu.memory_space<vmem>>
      %dma_wait3A_286 = arith.constant 0 : i32
      %dma_wait3A_287 = arith.constant 0 : i32
      %dma_wait3A_288 = tpu.memref_slice %arg3[%dma_wait3A_286, %dma_wait3A_287] : memref<100000x128xf32, #tpu.memory_space<hbm>> -> memref<100000x128xf32, #tpu.memory_space<hbm>>
      tpu.wait_indirect_dma semaphore(%arg8 : memref<!tpu.dma_semaphore, #tpu.memory_space<semaphore_mem>>) src(%dma_wait3A_288 : memref<100000x128xf32, #tpu.memory_space<hbm>>) dst(%dma_wait3A_283 : memref<64x128xf32, #tpu.memory_space<vmem>>)
      %jit3A_289 = arith.constant 2 : i32
      %div3A_290 = arith.divsi %add3A_236, %jit3A_289 : i32
      %sign3A_291 = arith.constant 0 : i32
      %sign3A_292 = arith.cmpi sgt, %add3A_236, %sign3A_291 : i32
      %sign3A_293 = arith.extui %sign3A_292 : i1 to i32
      %sign3A_294 = arith.constant 0 : i32
      %sign3A_295 = arith.cmpi slt, %add3A_236, %sign3A_294 : i32
      %sign3A_296 = arith.extui %sign3A_295 : i1 to i32
      %sign3A_297 = arith.subi %sign3A_293, %sign3A_296 : i32
      %sign3A_298 = arith.constant 0 : i32
      %sign3A_299 = arith.cmpi sgt, %jit3A_289, %sign3A_298 : i32
      %sign3A_300 = arith.extui %sign3A_299 : i1 to i32
      %sign3A_301 = arith.constant 0 : i32
      %sign3A_302 = arith.cmpi slt, %jit3A_289, %sign3A_301 : i32
      %sign3A_303 = arith.extui %sign3A_302 : i1 to i32
      %sign3A_304 = arith.subi %sign3A_300, %sign3A_303 : i32
      %ne3A_305 = arith.cmpi ne, %sign3A_297, %sign3A_304 : i32
      %rem3A_306 = arith.remsi %add3A_236, %jit3A_289 : i32
      %ne3A_307 = arith.constant 0 : i32
      %ne3A_308 = arith.cmpi ne, %rem3A_306, %ne3A_307 : i32
      %and3A_309 = arith.andi %ne3A_305, %ne3A_308 : i1
      %sub3A_310 = arith.constant 1 : i32
      %sub3A_311 = arith.subi %div3A_290, %sub3A_310 : i32
      %select_n3A_312 = arith.select %and3A_309, %sub3A_311, %div3A_290 : i32
      %jit3A_313 = arith.constant 2 : i32
      %eq3A_314 = arith.constant 0 : i32
      %eq3A_315 = arith.cmpi eq, %jit3A_313, %eq3A_314 : i32
      %jit3A_316 = arith.constant 1 : i32
      %select_n3A_317 = arith.select %eq3A_315, %jit3A_316, %jit3A_313 : i32
      %rem3A_318 = arith.remsi %add3A_236, %select_n3A_317 : i32
      %ne3A_319 = arith.constant 0 : i32
      %ne3A_320 = arith.cmpi ne, %rem3A_318, %ne3A_319 : i32
      %lt3A_321 = arith.constant 0 : i32
      %lt3A_322 = arith.cmpi slt, %rem3A_318, %lt3A_321 : i32
      %lt3A_323 = arith.constant 0 : i32
      %lt3A_324 = arith.cmpi slt, %select_n3A_317, %lt3A_323 : i32
      %ne3A_325 = arith.xori %lt3A_322, %lt3A_324 : i1
      %and3A_326 = arith.andi %ne3A_325, %ne3A_320 : i1
      %add3A_327 = arith.addi %rem3A_318, %select_n3A_317 : i32
      %select_n3A_328 = arith.select %and3A_326, %add3A_327, %rem3A_318 : i32
      %mul3A_329 = arith.constant 64 : i32
      %mul3A_330 = arith.muli %select_n3A_328, %mul3A_329 : i32
      %add3A_331 = arith.addi %mul3A_2, %mul3A_330 : i32
      %dma_start3A_332 = arith.constant 1 : i32
      %dma_start3A_333 = arith.constant 0 : i32
      %dma_start3A_334 = arith.constant 0 : i32
      %dma_start3A_335 = tpu.memref_slice %arg6[%dma_start3A_332, %dma_start3A_333, %dma_start3A_334] : memref<10x64x128xf32, #tpu.memory_space<vmem>> -> memref<1x64x128xf32, #tpu.memory_space<vmem>>
      %dma_start3A_336 = tpu.memref_squeeze %dma_start3A_335 : memref<1x64x128xf32, #tpu.memory_space<vmem>> -> memref<64x128xf32, #tpu.memory_space<vmem>>
      %dma_start3A_337 = arith.constant 0 : i32
      %dma_start3A_338 = tpu.memref_slice %arg4[%select_n3A_312, %add3A_331, %dma_start3A_337] : memref<50x4096x128xf32, #tpu.memory_space<hbm>> -> memref<1x64x128xf32, #tpu.memory_space<hbm>>
      %dma_start3A_339 = tpu.memref_squeeze %dma_start3A_338 : memref<1x64x128xf32, #tpu.memory_space<hbm>> -> memref<64x128xf32, #tpu.memory_space<hbm>>
      %dma_start3A_340 = arith.constant 0 : i32
      %dma_start3A_341 = tpu.memref_slice %arg4[%select_n3A_312, %add3A_331, %dma_start3A_340] : memref<50x4096x128xf32, #tpu.memory_space<hbm>> -> memref<1x64x128xf32, #tpu.memory_space<hbm>>
      %dma_start3A_342 = tpu.memref_squeeze %dma_start3A_341 : memref<1x64x128xf32, #tpu.memory_space<hbm>> -> memref<64x128xf32, #tpu.memory_space<hbm>>
      %dma_start3A_343 = arith.constant 0 : i32
      %dma_start3A_344 = arith.constant 0 : i32
      %dma_start3A_345 = tpu.memref_slice %arg6[%dma_start3A_332, %dma_start3A_343, %dma_start3A_344] : memref<10x64x128xf32, #tpu.memory_space<vmem>> -> memref<1x64x128xf32, #tpu.memory_space<vmem>>
      %dma_start3A_346 = tpu.memref_squeeze %dma_start3A_345 : memref<1x64x128xf32, #tpu.memory_space<vmem>> -> memref<64x128xf32, #tpu.memory_space<vmem>>
      tpu.enqueue_dma source(%dma_start3A_346 : memref<64x128xf32, #tpu.memory_space<vmem>>) target(%dma_start3A_342 : memref<64x128xf32, #tpu.memory_space<hbm>>) target_semaphore(%arg18 : memref<!tpu.dma_semaphore, #tpu.memory_space<semaphore_mem>>)
      %mul3A_347 = arith.constant 10 : i32
      %mul3A_348 = arith.muli %scan3A_128, %mul3A_347 : i32
      %add3A_349 = arith.constant 2 : i32
      %add3A_350 = arith.addi %mul3A_348, %add3A_349 : i32
      %jit3A_351 = arith.constant 2 : i32
      %div3A_352 = arith.divsi %add3A_350, %jit3A_351 : i32
      %sign3A_353 = arith.constant 0 : i32
      %sign3A_354 = arith.cmpi sgt, %add3A_350, %sign3A_353 : i32
      %sign3A_355 = arith.extui %sign3A_354 : i1 to i32
      %sign3A_356 = arith.constant 0 : i32
      %sign3A_357 = arith.cmpi slt, %add3A_350, %sign3A_356 : i32
      %sign3A_358 = arith.extui %sign3A_357 : i1 to i32
      %sign3A_359 = arith.subi %sign3A_355, %sign3A_358 : i32
      %sign3A_360 = arith.constant 0 : i32
      %sign3A_361 = arith.cmpi sgt, %jit3A_351, %sign3A_360 : i32
      %sign3A_362 = arith.extui %sign3A_361 : i1 to i32
      %sign3A_363 = arith.constant 0 : i32
      %sign3A_364 = arith.cmpi slt, %jit3A_351, %sign3A_363 : i32
      %sign3A_365 = arith.extui %sign3A_364 : i1 to i32
      %sign3A_366 = arith.subi %sign3A_362, %sign3A_365 : i32
      %ne3A_367 = arith.cmpi ne, %sign3A_359, %sign3A_366 : i32
      %rem3A_368 = arith.remsi %add3A_350, %jit3A_351 : i32
      %ne3A_369 = arith.constant 0 : i32
      %ne3A_370 = arith.cmpi ne, %rem3A_368, %ne3A_369 : i32
      %and3A_371 = arith.andi %ne3A_367, %ne3A_370 : i1
      %sub3A_372 = arith.constant 1 : i32
      %sub3A_373 = arith.subi %div3A_352, %sub3A_372 : i32
      %select_n3A_374 = arith.select %and3A_371, %sub3A_373, %div3A_352 : i32
      %jit3A_375 = arith.constant 2 : i32
      %eq3A_376 = arith.constant 0 : i32
      %eq3A_377 = arith.cmpi eq, %jit3A_375, %eq3A_376 : i32
      %jit3A_378 = arith.constant 1 : i32
      %select_n3A_379 = arith.select %eq3A_377, %jit3A_378, %jit3A_375 : i32
      %rem3A_380 = arith.remsi %add3A_350, %select_n3A_379 : i32
      %ne3A_381 = arith.constant 0 : i32
      %ne3A_382 = arith.cmpi ne, %rem3A_380, %ne3A_381 : i32
      %lt3A_383 = arith.constant 0 : i32
      %lt3A_384 = arith.cmpi slt, %rem3A_380, %lt3A_383 : i32
      %lt3A_385 = arith.constant 0 : i32
      %lt3A_386 = arith.cmpi slt, %select_n3A_379, %lt3A_385 : i32
      %ne3A_387 = arith.xori %lt3A_384, %lt3A_386 : i1
      %and3A_388 = arith.andi %ne3A_387, %ne3A_382 : i1
      %add3A_389 = arith.addi %rem3A_380, %select_n3A_379 : i32
      %select_n3A_390 = arith.select %and3A_388, %add3A_389, %rem3A_380 : i32
      %mul3A_391 = arith.constant 64 : i32
      %mul3A_392 = arith.muli %select_n3A_390, %mul3A_391 : i32
      %dma_wait3A_393 = arith.constant 2 : i32
      %dma_wait3A_394 = arith.constant 0 : i32
      %dma_wait3A_395 = arith.constant 0 : i32
      %dma_wait3A_396 = tpu.memref_slice %arg6[%dma_wait3A_393, %dma_wait3A_394, %dma_wait3A_395] : memref<10x64x128xf32, #tpu.memory_space<vmem>> -> memref<1x64x128xf32, #tpu.memory_space<vmem>>
      %dma_wait3A_397 = tpu.memref_squeeze %dma_wait3A_396 : memref<1x64x128xf32, #tpu.memory_space<vmem>> -> memref<64x128xf32, #tpu.memory_space<vmem>>
      %dma_wait3A_398 = tpu.memref_slice %arg5[%select_n3A_374, %mul3A_392] : memref<50x128xi32, #tpu.memory_space<vmem>> -> memref<1x64xi32, #tpu.memory_space<vmem>>
      %dma_wait3A_399 = tpu.memref_squeeze %dma_wait3A_398 : memref<1x64xi32, #tpu.memory_space<vmem>> -> memref<64xi32, #tpu.memory_space<vmem>>
      %dma_wait3A_400 = arith.constant 0 : i32
      %dma_wait3A_401 = arith.constant 0 : i32
      %dma_wait3A_402 = tpu.memref_slice %arg3[%dma_wait3A_400, %dma_wait3A_401] : memref<100000x128xf32, #tpu.memory_space<hbm>> -> memref<100000x128xf32, #tpu.memory_space<hbm>>
      tpu.wait_indirect_dma semaphore(%arg9 : memref<!tpu.dma_semaphore, #tpu.memory_space<semaphore_mem>>) src(%dma_wait3A_402 : memref<100000x128xf32, #tpu.memory_space<hbm>>) dst(%dma_wait3A_397 : memref<64x128xf32, #tpu.memory_space<vmem>>)
      %jit3A_403 = arith.constant 2 : i32
      %div3A_404 = arith.divsi %add3A_350, %jit3A_403 : i32
      %sign3A_405 = arith.constant 0 : i32
      %sign3A_406 = arith.cmpi sgt, %add3A_350, %sign3A_405 : i32
      %sign3A_407 = arith.extui %sign3A_406 : i1 to i32
      %sign3A_408 = arith.constant 0 : i32
      %sign3A_409 = arith.cmpi slt, %add3A_350, %sign3A_408 : i32
      %sign3A_410 = arith.extui %sign3A_409 : i1 to i32
      %sign3A_411 = arith.subi %sign3A_407, %sign3A_410 : i32
      %sign3A_412 = arith.constant 0 : i32
      %sign3A_413 = arith.cmpi sgt, %jit3A_403, %sign3A_412 : i32
      %sign3A_414 = arith.extui %sign3A_413 : i1 to i32
      %sign3A_415 = arith.constant 0 : i32
      %sign3A_416 = arith.cmpi slt, %jit3A_403, %sign3A_415 : i32
      %sign3A_417 = arith.extui %sign3A_416 : i1 to i32
      %sign3A_418 = arith.subi %sign3A_414, %sign3A_417 : i32
      %ne3A_419 = arith.cmpi ne, %sign3A_411, %sign3A_418 : i32
      %rem3A_420 = arith.remsi %add3A_350, %jit3A_403 : i32
      %ne3A_421 = arith.constant 0 : i32
      %ne3A_422 = arith.cmpi ne, %rem3A_420, %ne3A_421 : i32
      %and3A_423 = arith.andi %ne3A_419, %ne3A_422 : i1
      %sub3A_424 = arith.constant 1 : i32
      %sub3A_425 = arith.subi %div3A_404, %sub3A_424 : i32
      %select_n3A_426 = arith.select %and3A_423, %sub3A_425, %div3A_404 : i32
      %jit3A_427 = arith.constant 2 : i32
      %eq3A_428 = arith.constant 0 : i32
      %eq3A_429 = arith.cmpi eq, %jit3A_427, %eq3A_428 : i32
      %jit3A_430 = arith.constant 1 : i32
      %select_n3A_431 = arith.select %eq3A_429, %jit3A_430, %jit3A_427 : i32
      %rem3A_432 = arith.remsi %add3A_350, %select_n3A_431 : i32
      %ne3A_433 = arith.constant 0 : i32
      %ne3A_434 = arith.cmpi ne, %rem3A_432, %ne3A_433 : i32
      %lt3A_435 = arith.constant 0 : i32
      %lt3A_436 = arith.cmpi slt, %rem3A_432, %lt3A_435 : i32
      %lt3A_437 = arith.constant 0 : i32
      %lt3A_438 = arith.cmpi slt, %select_n3A_431, %lt3A_437 : i32
      %ne3A_439 = arith.xori %lt3A_436, %lt3A_438 : i1
      %and3A_440 = arith.andi %ne3A_439, %ne3A_434 : i1
      %add3A_441 = arith.addi %rem3A_432, %select_n3A_431 : i32
      %select_n3A_442 = arith.select %and3A_440, %add3A_441, %rem3A_432 : i32
      %mul3A_443 = arith.constant 64 : i32
      %mul3A_444 = arith.muli %select_n3A_442, %mul3A_443 : i32
      %add3A_445 = arith.addi %mul3A_2, %mul3A_444 : i32
      %dma_start3A_446 = arith.constant 2 : i32
      %dma_start3A_447 = arith.constant 0 : i32
      %dma_start3A_448 = arith.constant 0 : i32
      %dma_start3A_449 = tpu.memref_slice %arg6[%dma_start3A_446, %dma_start3A_447, %dma_start3A_448] : memref<10x64x128xf32, #tpu.memory_space<vmem>> -> memref<1x64x128xf32, #tpu.memory_space<vmem>>
      %dma_start3A_450 = tpu.memref_squeeze %dma_start3A_449 : memref<1x64x128xf32, #tpu.memory_space<vmem>> -> memref<64x128xf32, #tpu.memory_space<vmem>>
      %dma_start3A_451 = arith.constant 0 : i32
      %dma_start3A_452 = tpu.memref_slice %arg4[%select_n3A_426, %add3A_445, %dma_start3A_451] : memref<50x4096x128xf32, #tpu.memory_space<hbm>> -> memref<1x64x128xf32, #tpu.memory_space<hbm>>
      %dma_start3A_453 = tpu.memref_squeeze %dma_start3A_452 : memref<1x64x128xf32, #tpu.memory_space<hbm>> -> memref<64x128xf32, #tpu.memory_space<hbm>>
      %dma_start3A_454 = arith.constant 0 : i32
      %dma_start3A_455 = tpu.memref_slice %arg4[%select_n3A_426, %add3A_445, %dma_start3A_454] : memref<50x4096x128xf32, #tpu.memory_space<hbm>> -> memref<1x64x128xf32, #tpu.memory_space<hbm>>
      %dma_start3A_456 = tpu.memref_squeeze %dma_start3A_455 : memref<1x64x128xf32, #tpu.memory_space<hbm>> -> memref<64x128xf32, #tpu.memory_space<hbm>>
      %dma_start3A_457 = arith.constant 0 : i32
      %dma_start3A_458 = arith.constant 0 : i32
      %dma_start3A_459 = tpu.memref_slice %arg6[%dma_start3A_446, %dma_start3A_457, %dma_start3A_458] : memref<10x64x128xf32, #tpu.memory_space<vmem>> -> memref<1x64x128xf32, #tpu.memory_space<vmem>>
      %dma_start3A_460 = tpu.memref_squeeze %dma_start3A_459 : memref<1x64x128xf32, #tpu.memory_space<vmem>> -> memref<64x128xf32, #tpu.memory_space<vmem>>
      tpu.enqueue_dma source(%dma_start3A_460 : memref<64x128xf32, #tpu.memory_space<vmem>>) target(%dma_start3A_456 : memref<64x128xf32, #tpu.memory_space<hbm>>) target_semaphore(%arg19 : memref<!tpu.dma_semaphore, #tpu.memory_space<semaphore_mem>>)
      %mul3A_461 = arith.constant 10 : i32
      %mul3A_462 = arith.muli %scan3A_128, %mul3A_461 : i32
      %add3A_463 = arith.constant 3 : i32
      %add3A_464 = arith.addi %mul3A_462, %add3A_463 : i32
      %jit3A_465 = arith.constant 2 : i32
      %div3A_466 = arith.divsi %add3A_464, %jit3A_465 : i32
      %sign3A_467 = arith.constant 0 : i32
      %sign3A_468 = arith.cmpi sgt, %add3A_464, %sign3A_467 : i32
      %sign3A_469 = arith.extui %sign3A_468 : i1 to i32
      %sign3A_470 = arith.constant 0 : i32
      %sign3A_471 = arith.cmpi slt, %add3A_464, %sign3A_470 : i32
      %sign3A_472 = arith.extui %sign3A_471 : i1 to i32
      %sign3A_473 = arith.subi %sign3A_469, %sign3A_472 : i32
      %sign3A_474 = arith.constant 0 : i32
      %sign3A_475 = arith.cmpi sgt, %jit3A_465, %sign3A_474 : i32
      %sign3A_476 = arith.extui %sign3A_475 : i1 to i32
      %sign3A_477 = arith.constant 0 : i32
      %sign3A_478 = arith.cmpi slt, %jit3A_465, %sign3A_477 : i32
      %sign3A_479 = arith.extui %sign3A_478 : i1 to i32
      %sign3A_480 = arith.subi %sign3A_476, %sign3A_479 : i32
      %ne3A_481 = arith.cmpi ne, %sign3A_473, %sign3A_480 : i32
      %rem3A_482 = arith.remsi %add3A_464, %jit3A_465 : i32
      %ne3A_483 = arith.constant 0 : i32
      %ne3A_484 = arith.cmpi ne, %rem3A_482, %ne3A_483 : i32
      %and3A_485 = arith.andi %ne3A_481, %ne3A_484 : i1
      %sub3A_486 = arith.constant 1 : i32
      %sub3A_487 = arith.subi %div3A_466, %sub3A_486 : i32
      %select_n3A_488 = arith.select %and3A_485, %sub3A_487, %div3A_466 : i32
      %jit3A_489 = arith.constant 2 : i32
      %eq3A_490 = arith.constant 0 : i32
      %eq3A_491 = arith.cmpi eq, %jit3A_489, %eq3A_490 : i32
      %jit3A_492 = arith.constant 1 : i32
      %select_n3A_493 = arith.select %eq3A_491, %jit3A_492, %jit3A_489 : i32
      %rem3A_494 = arith.remsi %add3A_464, %select_n3A_493 : i32
      %ne3A_495 = arith.constant 0 : i32
      %ne3A_496 = arith.cmpi ne, %rem3A_494, %ne3A_495 : i32
      %lt3A_497 = arith.constant 0 : i32
      %lt3A_498 = arith.cmpi slt, %rem3A_494, %lt3A_497 : i32
      %lt3A_499 = arith.constant 0 : i32
      %lt3A_500 = arith.cmpi slt, %select_n3A_493, %lt3A_499 : i32
      %ne3A_501 = arith.xori %lt3A_498, %lt3A_500 : i1
      %and3A_502 = arith.andi %ne3A_501, %ne3A_496 : i1
      %add3A_503 = arith.addi %rem3A_494, %select_n3A_493 : i32
      %select_n3A_504 = arith.select %and3A_502, %add3A_503, %rem3A_494 : i32
      %mul3A_505 = arith.constant 64 : i32
      %mul3A_506 = arith.muli %select_n3A_504, %mul3A_505 : i32
      %dma_wait3A_507 = arith.constant 3 : i32
      %dma_wait3A_508 = arith.constant 0 : i32
      %dma_wait3A_509 = arith.constant 0 : i32
      %dma_wait3A_510 = tpu.memref_slice %arg6[%dma_wait3A_507, %dma_wait3A_508, %dma_wait3A_509] : memref<10x64x128xf32, #tpu.memory_space<vmem>> -> memref<1x64x128xf32, #tpu.memory_space<vmem>>
      %dma_wait3A_511 = tpu.memref_squeeze %dma_wait3A_510 : memref<1x64x128xf32, #tpu.memory_space<vmem>> -> memref<64x128xf32, #tpu.memory_space<vmem>>
      %dma_wait3A_512 = tpu.memref_slice %arg5[%select_n3A_488, %mul3A_506] : memref<50x128xi32, #tpu.memory_space<vmem>> -> memref<1x64xi32, #tpu.memory_space<vmem>>
      %dma_wait3A_513 = tpu.memref_squeeze %dma_wait3A_512 : memref<1x64xi32, #tpu.memory_space<vmem>> -> memref<64xi32, #tpu.memory_space<vmem>>
      %dma_wait3A_514 = arith.constant 0 : i32
      %dma_wait3A_515 = arith.constant 0 : i32
      %dma_wait3A_516 = tpu.memref_slice %arg3[%dma_wait3A_514, %dma_wait3A_515] : memref<100000x128xf32, #tpu.memory_space<hbm>> -> memref<100000x128xf32, #tpu.memory_space<hbm>>
      tpu.wait_indirect_dma semaphore(%arg10 : memref<!tpu.dma_semaphore, #tpu.memory_space<semaphore_mem>>) src(%dma_wait3A_516 : memref<100000x128xf32, #tpu.memory_space<hbm>>) dst(%dma_wait3A_511 : memref<64x128xf32, #tpu.memory_space<vmem>>)
      %jit3A_517 = arith.constant 2 : i32
      %div3A_518 = arith.divsi %add3A_464, %jit3A_517 : i32
      %sign3A_519 = arith.constant 0 : i32
      %sign3A_520 = arith.cmpi sgt, %add3A_464, %sign3A_519 : i32
      %sign3A_521 = arith.extui %sign3A_520 : i1 to i32
      %sign3A_522 = arith.constant 0 : i32
      %sign3A_523 = arith.cmpi slt, %add3A_464, %sign3A_522 : i32
      %sign3A_524 = arith.extui %sign3A_523 : i1 to i32
      %sign3A_525 = arith.subi %sign3A_521, %sign3A_524 : i32
      %sign3A_526 = arith.constant 0 : i32
      %sign3A_527 = arith.cmpi sgt, %jit3A_517, %sign3A_526 : i32
      %sign3A_528 = arith.extui %sign3A_527 : i1 to i32
      %sign3A_529 = arith.constant 0 : i32
      %sign3A_530 = arith.cmpi slt, %jit3A_517, %sign3A_529 : i32
      %sign3A_531 = arith.extui %sign3A_530 : i1 to i32
      %sign3A_532 = arith.subi %sign3A_528, %sign3A_531 : i32
      %ne3A_533 = arith.cmpi ne, %sign3A_525, %sign3A_532 : i32
      %rem3A_534 = arith.remsi %add3A_464, %jit3A_517 : i32
      %ne3A_535 = arith.constant 0 : i32
      %ne3A_536 = arith.cmpi ne, %rem3A_534, %ne3A_535 : i32
      %and3A_537 = arith.andi %ne3A_533, %ne3A_536 : i1
      %sub3A_538 = arith.constant 1 : i32
      %sub3A_539 = arith.subi %div3A_518, %sub3A_538 : i32
      %select_n3A_540 = arith.select %and3A_537, %sub3A_539, %div3A_518 : i32
      %jit3A_541 = arith.constant 2 : i32
      %eq3A_542 = arith.constant 0 : i32
      %eq3A_543 = arith.cmpi eq, %jit3A_541, %eq3A_542 : i32
      %jit3A_544 = arith.constant 1 : i32
      %select_n3A_545 = arith.select %eq3A_543, %jit3A_544, %jit3A_541 : i32
      %rem3A_546 = arith.remsi %add3A_464, %select_n3A_545 : i32
      %ne3A_547 = arith.constant 0 : i32
      %ne3A_548 = arith.cmpi ne, %rem3A_546, %ne3A_547 : i32
      %lt3A_549 = arith.constant 0 : i32
      %lt3A_550 = arith.cmpi slt, %rem3A_546, %lt3A_549 : i32
      %lt3A_551 = arith.constant 0 : i32
      %lt3A_552 = arith.cmpi slt, %select_n3A_545, %lt3A_551 : i32
      %ne3A_553 = arith.xori %lt3A_550, %lt3A_552 : i1
      %and3A_554 = arith.andi %ne3A_553, %ne3A_548 : i1
      %add3A_555 = arith.addi %rem3A_546, %select_n3A_545 : i32
      %select_n3A_556 = arith.select %and3A_554, %add3A_555, %rem3A_546 : i32
      %mul3A_557 = arith.constant 64 : i32
      %mul3A_558 = arith.muli %select_n3A_556, %mul3A_557 : i32
      %add3A_559 = arith.addi %mul3A_2, %mul3A_558 : i32
      %dma_start3A_560 = arith.constant 3 : i32
      %dma_start3A_561 = arith.constant 0 : i32
      %dma_start3A_562 = arith.constant 0 : i32
      %dma_start3A_563 = tpu.memref_slice %arg6[%dma_start3A_560, %dma_start3A_561, %dma_start3A_562] : memref<10x64x128xf32, #tpu.memory_space<vmem>> -> memref<1x64x128xf32, #tpu.memory_space<vmem>>
      %dma_start3A_564 = tpu.memref_squeeze %dma_start3A_563 : memref<1x64x128xf32, #tpu.memory_space<vmem>> -> memref<64x128xf32, #tpu.memory_space<vmem>>
      %dma_start3A_565 = arith.constant 0 : i32
      %dma_start3A_566 = tpu.memref_slice %arg4[%select_n3A_540, %add3A_559, %dma_start3A_565] : memref<50x4096x128xf32, #tpu.memory_space<hbm>> -> memref<1x64x128xf32, #tpu.memory_space<hbm>>
      %dma_start3A_567 = tpu.memref_squeeze %dma_start3A_566 : memref<1x64x128xf32, #tpu.memory_space<hbm>> -> memref<64x128xf32, #tpu.memory_space<hbm>>
      %dma_start3A_568 = arith.constant 0 : i32
      %dma_start3A_569 = tpu.memref_slice %arg4[%select_n3A_540, %add3A_559, %dma_start3A_568] : memref<50x4096x128xf32, #tpu.memory_space<hbm>> -> memref<1x64x128xf32, #tpu.memory_space<hbm>>
      %dma_start3A_570 = tpu.memref_squeeze %dma_start3A_569 : memref<1x64x128xf32, #tpu.memory_space<hbm>> -> memref<64x128xf32, #tpu.memory_space<hbm>>
      %dma_start3A_571 = arith.constant 0 : i32
      %dma_start3A_572 = arith.constant 0 : i32
      %dma_start3A_573 = tpu.memref_slice %arg6[%dma_start3A_560, %dma_start3A_571, %dma_start3A_572] : memref<10x64x128xf32, #tpu.memory_space<vmem>> -> memref<1x64x128xf32, #tpu.memory_space<vmem>>
      %dma_start3A_574 = tpu.memref_squeeze %dma_start3A_573 : memref<1x64x128xf32, #tpu.memory_space<vmem>> -> memref<64x128xf32, #tpu.memory_space<vmem>>
      tpu.enqueue_dma source(%dma_start3A_574 : memref<64x128xf32, #tpu.memory_space<vmem>>) target(%dma_start3A_570 : memref<64x128xf32, #tpu.memory_space<hbm>>) target_semaphore(%arg20 : memref<!tpu.dma_semaphore, #tpu.memory_space<semaphore_mem>>)
      %mul3A_575 = arith.constant 10 : i32
      %mul3A_576 = arith.muli %scan3A_128, %mul3A_575 : i32
      %add3A_577 = arith.constant 4 : i32
      %add3A_578 = arith.addi %mul3A_576, %add3A_577 : i32
      %jit3A_579 = arith.constant 2 : i32
      %div3A_580 = arith.divsi %add3A_578, %jit3A_579 : i32
      %sign3A_581 = arith.constant 0 : i32
      %sign3A_582 = arith.cmpi sgt, %add3A_578, %sign3A_581 : i32
      %sign3A_583 = arith.extui %sign3A_582 : i1 to i32
      %sign3A_584 = arith.constant 0 : i32
      %sign3A_585 = arith.cmpi slt, %add3A_578, %sign3A_584 : i32
      %sign3A_586 = arith.extui %sign3A_585 : i1 to i32
      %sign3A_587 = arith.subi %sign3A_583, %sign3A_586 : i32
      %sign3A_588 = arith.constant 0 : i32
      %sign3A_589 = arith.cmpi sgt, %jit3A_579, %sign3A_588 : i32
      %sign3A_590 = arith.extui %sign3A_589 : i1 to i32
      %sign3A_591 = arith.constant 0 : i32
      %sign3A_592 = arith.cmpi slt, %jit3A_579, %sign3A_591 : i32
      %sign3A_593 = arith.extui %sign3A_592 : i1 to i32
      %sign3A_594 = arith.subi %sign3A_590, %sign3A_593 : i32
      %ne3A_595 = arith.cmpi ne, %sign3A_587, %sign3A_594 : i32
      %rem3A_596 = arith.remsi %add3A_578, %jit3A_579 : i32
      %ne3A_597 = arith.constant 0 : i32
      %ne3A_598 = arith.cmpi ne, %rem3A_596, %ne3A_597 : i32
      %and3A_599 = arith.andi %ne3A_595, %ne3A_598 : i1
      %sub3A_600 = arith.constant 1 : i32
      %sub3A_601 = arith.subi %div3A_580, %sub3A_600 : i32
      %select_n3A_602 = arith.select %and3A_599, %sub3A_601, %div3A_580 : i32
      %jit3A_603 = arith.constant 2 : i32
      %eq3A_604 = arith.constant 0 : i32
      %eq3A_605 = arith.cmpi eq, %jit3A_603, %eq3A_604 : i32
      %jit3A_606 = arith.constant 1 : i32
      %select_n3A_607 = arith.select %eq3A_605, %jit3A_606, %jit3A_603 : i32
      %rem3A_608 = arith.remsi %add3A_578, %select_n3A_607 : i32
      %ne3A_609 = arith.constant 0 : i32
      %ne3A_610 = arith.cmpi ne, %rem3A_608, %ne3A_609 : i32
      %lt3A_611 = arith.constant 0 : i32
      %lt3A_612 = arith.cmpi slt, %rem3A_608, %lt3A_611 : i32
      %lt3A_613 = arith.constant 0 : i32
      %lt3A_614 = arith.cmpi slt, %select_n3A_607, %lt3A_613 : i32
      %ne3A_615 = arith.xori %lt3A_612, %lt3A_614 : i1
      %and3A_616 = arith.andi %ne3A_615, %ne3A_610 : i1
      %add3A_617 = arith.addi %rem3A_608, %select_n3A_607 : i32
      %select_n3A_618 = arith.select %and3A_616, %add3A_617, %rem3A_608 : i32
      %mul3A_619 = arith.constant 64 : i32
      %mul3A_620 = arith.muli %select_n3A_618, %mul3A_619 : i32
      %dma_wait3A_621 = arith.constant 4 : i32
      %dma_wait3A_622 = arith.constant 0 : i32
      %dma_wait3A_623 = arith.constant 0 : i32
      %dma_wait3A_624 = tpu.memref_slice %arg6[%dma_wait3A_621, %dma_wait3A_622, %dma_wait3A_623] : memref<10x64x128xf32, #tpu.memory_space<vmem>> -> memref<1x64x128xf32, #tpu.memory_space<vmem>>
      %dma_wait3A_625 = tpu.memref_squeeze %dma_wait3A_624 : memref<1x64x128xf32, #tpu.memory_space<vmem>> -> memref<64x128xf32, #tpu.memory_space<vmem>>
      %dma_wait3A_626 = tpu.memref_slice %arg5[%select_n3A_602, %mul3A_620] : memref<50x128xi32, #tpu.memory_space<vmem>> -> memref<1x64xi32, #tpu.memory_space<vmem>>
      %dma_wait3A_627 = tpu.memref_squeeze %dma_wait3A_626 : memref<1x64xi32, #tpu.memory_space<vmem>> -> memref<64xi32, #tpu.memory_space<vmem>>
      %dma_wait3A_628 = arith.constant 0 : i32
      %dma_wait3A_629 = arith.constant 0 : i32
      %dma_wait3A_630 = tpu.memref_slice %arg3[%dma_wait3A_628, %dma_wait3A_629] : memref<100000x128xf32, #tpu.memory_space<hbm>> -> memref<100000x128xf32, #tpu.memory_space<hbm>>
      tpu.wait_indirect_dma semaphore(%arg11 : memref<!tpu.dma_semaphore, #tpu.memory_space<semaphore_mem>>) src(%dma_wait3A_630 : memref<100000x128xf32, #tpu.memory_space<hbm>>) dst(%dma_wait3A_625 : memref<64x128xf32, #tpu.memory_space<vmem>>)
      %jit3A_631 = arith.constant 2 : i32
      %div3A_632 = arith.divsi %add3A_578, %jit3A_631 : i32
      %sign3A_633 = arith.constant 0 : i32
      %sign3A_634 = arith.cmpi sgt, %add3A_578, %sign3A_633 : i32
      %sign3A_635 = arith.extui %sign3A_634 : i1 to i32
      %sign3A_636 = arith.constant 0 : i32
      %sign3A_637 = arith.cmpi slt, %add3A_578, %sign3A_636 : i32
      %sign3A_638 = arith.extui %sign3A_637 : i1 to i32
      %sign3A_639 = arith.subi %sign3A_635, %sign3A_638 : i32
      %sign3A_640 = arith.constant 0 : i32
      %sign3A_641 = arith.cmpi sgt, %jit3A_631, %sign3A_640 : i32
      %sign3A_642 = arith.extui %sign3A_641 : i1 to i32
      %sign3A_643 = arith.constant 0 : i32
      %sign3A_644 = arith.cmpi slt, %jit3A_631, %sign3A_643 : i32
      %sign3A_645 = arith.extui %sign3A_644 : i1 to i32
      %sign3A_646 = arith.subi %sign3A_642, %sign3A_645 : i32
      %ne3A_647 = arith.cmpi ne, %sign3A_639, %sign3A_646 : i32
      %rem3A_648 = arith.remsi %add3A_578, %jit3A_631 : i32
      %ne3A_649 = arith.constant 0 : i32
      %ne3A_650 = arith.cmpi ne, %rem3A_648, %ne3A_649 : i32
      %and3A_651 = arith.andi %ne3A_647, %ne3A_650 : i1
      %sub3A_652 = arith.constant 1 : i32
      %sub3A_653 = arith.subi %div3A_632, %sub3A_652 : i32
      %select_n3A_654 = arith.select %and3A_651, %sub3A_653, %div3A_632 : i32
      %jit3A_655 = arith.constant 2 : i32
      %eq3A_656 = arith.constant 0 : i32
      %eq3A_657 = arith.cmpi eq, %jit3A_655, %eq3A_656 : i32
      %jit3A_658 = arith.constant 1 : i32
      %select_n3A_659 = arith.select %eq3A_657, %jit3A_658, %jit3A_655 : i32
      %rem3A_660 = arith.remsi %add3A_578, %select_n3A_659 : i32
      %ne3A_661 = arith.constant 0 : i32
      %ne3A_662 = arith.cmpi ne, %rem3A_660, %ne3A_661 : i32
      %lt3A_663 = arith.constant 0 : i32
      %lt3A_664 = arith.cmpi slt, %rem3A_660, %lt3A_663 : i32
      %lt3A_665 = arith.constant 0 : i32
      %lt3A_666 = arith.cmpi slt, %select_n3A_659, %lt3A_665 : i32
      %ne3A_667 = arith.xori %lt3A_664, %lt3A_666 : i1
      %and3A_668 = arith.andi %ne3A_667, %ne3A_662 : i1
      %add3A_669 = arith.addi %rem3A_660, %select_n3A_659 : i32
      %select_n3A_670 = arith.select %and3A_668, %add3A_669, %rem3A_660 : i32
      %mul3A_671 = arith.constant 64 : i32
      %mul3A_672 = arith.muli %select_n3A_670, %mul3A_671 : i32
      %add3A_673 = arith.addi %mul3A_2, %mul3A_672 : i32
      %dma_start3A_674 = arith.constant 4 : i32
      %dma_start3A_675 = arith.constant 0 : i32
      %dma_start3A_676 = arith.constant 0 : i32
      %dma_start3A_677 = tpu.memref_slice %arg6[%dma_start3A_674, %dma_start3A_675, %dma_start3A_676] : memref<10x64x128xf32, #tpu.memory_space<vmem>> -> memref<1x64x128xf32, #tpu.memory_space<vmem>>
      %dma_start3A_678 = tpu.memref_squeeze %dma_start3A_677 : memref<1x64x128xf32, #tpu.memory_space<vmem>> -> memref<64x128xf32, #tpu.memory_space<vmem>>
      %dma_start3A_679 = arith.constant 0 : i32
      %dma_start3A_680 = tpu.memref_slice %arg4[%select_n3A_654, %add3A_673, %dma_start3A_679] : memref<50x4096x128xf32, #tpu.memory_space<hbm>> -> memref<1x64x128xf32, #tpu.memory_space<hbm>>
      %dma_start3A_681 = tpu.memref_squeeze %dma_start3A_680 : memref<1x64x128xf32, #tpu.memory_space<hbm>> -> memref<64x128xf32, #tpu.memory_space<hbm>>
      %dma_start3A_682 = arith.constant 0 : i32
      %dma_start3A_683 = tpu.memref_slice %arg4[%select_n3A_654, %add3A_673, %dma_start3A_682] : memref<50x4096x128xf32, #tpu.memory_space<hbm>> -> memref<1x64x128xf32, #tpu.memory_space<hbm>>
      %dma_start3A_684 = tpu.memref_squeeze %dma_start3A_683 : memref<1x64x128xf32, #tpu.memory_space<hbm>> -> memref<64x128xf32, #tpu.memory_space<hbm>>
      %dma_start3A_685 = arith.constant 0 : i32
      %dma_start3A_686 = arith.constant 0 : i32
      %dma_start3A_687 = tpu.memref_slice %arg6[%dma_start3A_674, %dma_start3A_685, %dma_start3A_686] : memref<10x64x128xf32, #tpu.memory_space<vmem>> -> memref<1x64x128xf32, #tpu.memory_space<vmem>>
      %dma_start3A_688 = tpu.memref_squeeze %dma_start3A_687 : memref<1x64x128xf32, #tpu.memory_space<vmem>> -> memref<64x128xf32, #tpu.memory_space<vmem>>
      tpu.enqueue_dma source(%dma_start3A_688 : memref<64x128xf32, #tpu.memory_space<vmem>>) target(%dma_start3A_684 : memref<64x128xf32, #tpu.memory_space<hbm>>) target_semaphore(%arg21 : memref<!tpu.dma_semaphore, #tpu.memory_space<semaphore_mem>>)
      %mul3A_689 = arith.constant 10 : i32
      %mul3A_690 = arith.muli %scan3A_128, %mul3A_689 : i32
      %add3A_691 = arith.constant 5 : i32
      %add3A_692 = arith.addi %mul3A_690, %add3A_691 : i32
      %jit3A_693 = arith.constant 2 : i32
      %div3A_694 = arith.divsi %add3A_692, %jit3A_693 : i32
      %sign3A_695 = arith.constant 0 : i32
      %sign3A_696 = arith.cmpi sgt, %add3A_692, %sign3A_695 : i32
      %sign3A_697 = arith.extui %sign3A_696 : i1 to i32
      %sign3A_698 = arith.constant 0 : i32
      %sign3A_699 = arith.cmpi slt, %add3A_692, %sign3A_698 : i32
      %sign3A_700 = arith.extui %sign3A_699 : i1 to i32
      %sign3A_701 = arith.subi %sign3A_697, %sign3A_700 : i32
      %sign3A_702 = arith.constant 0 : i32
      %sign3A_703 = arith.cmpi sgt, %jit3A_693, %sign3A_702 : i32
      %sign3A_704 = arith.extui %sign3A_703 : i1 to i32
      %sign3A_705 = arith.constant 0 : i32
      %sign3A_706 = arith.cmpi slt, %jit3A_693, %sign3A_705 : i32
      %sign3A_707 = arith.extui %sign3A_706 : i1 to i32
      %sign3A_708 = arith.subi %sign3A_704, %sign3A_707 : i32
      %ne3A_709 = arith.cmpi ne, %sign3A_701, %sign3A_708 : i32
      %rem3A_710 = arith.remsi %add3A_692, %jit3A_693 : i32
      %ne3A_711 = arith.constant 0 : i32
      %ne3A_712 = arith.cmpi ne, %rem3A_710, %ne3A_711 : i32
      %and3A_713 = arith.andi %ne3A_709, %ne3A_712 : i1
      %sub3A_714 = arith.constant 1 : i32
      %sub3A_715 = arith.subi %div3A_694, %sub3A_714 : i32
      %select_n3A_716 = arith.select %and3A_713, %sub3A_715, %div3A_694 : i32
      %jit3A_717 = arith.constant 2 : i32
      %eq3A_718 = arith.constant 0 : i32
      %eq3A_719 = arith.cmpi eq, %jit3A_717, %eq3A_718 : i32
      %jit3A_720 = arith.constant 1 : i32
      %select_n3A_721 = arith.select %eq3A_719, %jit3A_720, %jit3A_717 : i32
      %rem3A_722 = arith.remsi %add3A_692, %select_n3A_721 : i32
      %ne3A_723 = arith.constant 0 : i32
      %ne3A_724 = arith.cmpi ne, %rem3A_722, %ne3A_723 : i32
      %lt3A_725 = arith.constant 0 : i32
      %lt3A_726 = arith.cmpi slt, %rem3A_722, %lt3A_725 : i32
      %lt3A_727 = arith.constant 0 : i32
      %lt3A_728 = arith.cmpi slt, %select_n3A_721, %lt3A_727 : i32
      %ne3A_729 = arith.xori %lt3A_726, %lt3A_728 : i1
      %and3A_730 = arith.andi %ne3A_729, %ne3A_724 : i1
      %add3A_731 = arith.addi %rem3A_722, %select_n3A_721 : i32
      %select_n3A_732 = arith.select %and3A_730, %add3A_731, %rem3A_722 : i32
      %mul3A_733 = arith.constant 64 : i32
      %mul3A_734 = arith.muli %select_n3A_732, %mul3A_733 : i32
      %dma_wait3A_735 = arith.constant 5 : i32
      %dma_wait3A_736 = arith.constant 0 : i32
      %dma_wait3A_737 = arith.constant 0 : i32
      %dma_wait3A_738 = tpu.memref_slice %arg6[%dma_wait3A_735, %dma_wait3A_736, %dma_wait3A_737] : memref<10x64x128xf32, #tpu.memory_space<vmem>> -> memref<1x64x128xf32, #tpu.memory_space<vmem>>
      %dma_wait3A_739 = tpu.memref_squeeze %dma_wait3A_738 : memref<1x64x128xf32, #tpu.memory_space<vmem>> -> memref<64x128xf32, #tpu.memory_space<vmem>>
      %dma_wait3A_740 = tpu.memref_slice %arg5[%select_n3A_716, %mul3A_734] : memref<50x128xi32, #tpu.memory_space<vmem>> -> memref<1x64xi32, #tpu.memory_space<vmem>>
      %dma_wait3A_741 = tpu.memref_squeeze %dma_wait3A_740 : memref<1x64xi32, #tpu.memory_space<vmem>> -> memref<64xi32, #tpu.memory_space<vmem>>
      %dma_wait3A_742 = arith.constant 0 : i32
      %dma_wait3A_743 = arith.constant 0 : i32
      %dma_wait3A_744 = tpu.memref_slice %arg3[%dma_wait3A_742, %dma_wait3A_743] : memref<100000x128xf32, #tpu.memory_space<hbm>> -> memref<100000x128xf32, #tpu.memory_space<hbm>>
      tpu.wait_indirect_dma semaphore(%arg12 : memref<!tpu.dma_semaphore, #tpu.memory_space<semaphore_mem>>) src(%dma_wait3A_744 : memref<100000x128xf32, #tpu.memory_space<hbm>>) dst(%dma_wait3A_739 : memref<64x128xf32, #tpu.memory_space<vmem>>)
      %jit3A_745 = arith.constant 2 : i32
      %div3A_746 = arith.divsi %add3A_692, %jit3A_745 : i32
      %sign3A_747 = arith.constant 0 : i32
      %sign3A_748 = arith.cmpi sgt, %add3A_692, %sign3A_747 : i32
      %sign3A_749 = arith.extui %sign3A_748 : i1 to i32
      %sign3A_750 = arith.constant 0 : i32
      %sign3A_751 = arith.cmpi slt, %add3A_692, %sign3A_750 : i32
      %sign3A_752 = arith.extui %sign3A_751 : i1 to i32
      %sign3A_753 = arith.subi %sign3A_749, %sign3A_752 : i32
      %sign3A_754 = arith.constant 0 : i32
      %sign3A_755 = arith.cmpi sgt, %jit3A_745, %sign3A_754 : i32
      %sign3A_756 = arith.extui %sign3A_755 : i1 to i32
      %sign3A_757 = arith.constant 0 : i32
      %sign3A_758 = arith.cmpi slt, %jit3A_745, %sign3A_757 : i32
      %sign3A_759 = arith.extui %sign3A_758 : i1 to i32
      %sign3A_760 = arith.subi %sign3A_756, %sign3A_759 : i32
      %ne3A_761 = arith.cmpi ne, %sign3A_753, %sign3A_760 : i32
      %rem3A_762 = arith.remsi %add3A_692, %jit3A_745 : i32
      %ne3A_763 = arith.constant 0 : i32
      %ne3A_764 = arith.cmpi ne, %rem3A_762, %ne3A_763 : i32
      %and3A_765 = arith.andi %ne3A_761, %ne3A_764 : i1
      %sub3A_766 = arith.constant 1 : i32
      %sub3A_767 = arith.subi %div3A_746, %sub3A_766 : i32
      %select_n3A_768 = arith.select %and3A_765, %sub3A_767, %div3A_746 : i32
      %jit3A_769 = arith.constant 2 : i32
      %eq3A_770 = arith.constant 0 : i32
      %eq3A_771 = arith.cmpi eq, %jit3A_769, %eq3A_770 : i32
      %jit3A_772 = arith.constant 1 : i32
      %select_n3A_773 = arith.select %eq3A_771, %jit3A_772, %jit3A_769 : i32
      %rem3A_774 = arith.remsi %add3A_692, %select_n3A_773 : i32
      %ne3A_775 = arith.constant 0 : i32
      %ne3A_776 = arith.cmpi ne, %rem3A_774, %ne3A_775 : i32
      %lt3A_777 = arith.constant 0 : i32
      %lt3A_778 = arith.cmpi slt, %rem3A_774, %lt3A_777 : i32
      %lt3A_779 = arith.constant 0 : i32
      %lt3A_780 = arith.cmpi slt, %select_n3A_773, %lt3A_779 : i32
      %ne3A_781 = arith.xori %lt3A_778, %lt3A_780 : i1
      %and3A_782 = arith.andi %ne3A_781, %ne3A_776 : i1
      %add3A_783 = arith.addi %rem3A_774, %select_n3A_773 : i32
      %select_n3A_784 = arith.select %and3A_782, %add3A_783, %rem3A_774 : i32
      %mul3A_785 = arith.constant 64 : i32
      %mul3A_786 = arith.muli %select_n3A_784, %mul3A_785 : i32
      %add3A_787 = arith.addi %mul3A_2, %mul3A_786 : i32
      %dma_start3A_788 = arith.constant 5 : i32
      %dma_start3A_789 = arith.constant 0 : i32
      %dma_start3A_790 = arith.constant 0 : i32
      %dma_start3A_791 = tpu.memref_slice %arg6[%dma_start3A_788, %dma_start3A_789, %dma_start3A_790] : memref<10x64x128xf32, #tpu.memory_space<vmem>> -> memref<1x64x128xf32, #tpu.memory_space<vmem>>
      %dma_start3A_792 = tpu.memref_squeeze %dma_start3A_791 : memref<1x64x128xf32, #tpu.memory_space<vmem>> -> memref<64x128xf32, #tpu.memory_space<vmem>>
      %dma_start3A_793 = arith.constant 0 : i32
      %dma_start3A_794 = tpu.memref_slice %arg4[%select_n3A_768, %add3A_787, %dma_start3A_793] : memref<50x4096x128xf32, #tpu.memory_space<hbm>> -> memref<1x64x128xf32, #tpu.memory_space<hbm>>
      %dma_start3A_795 = tpu.memref_squeeze %dma_start3A_794 : memref<1x64x128xf32, #tpu.memory_space<hbm>> -> memref<64x128xf32, #tpu.memory_space<hbm>>
      %dma_start3A_796 = arith.constant 0 : i32
      %dma_start3A_797 = tpu.memref_slice %arg4[%select_n3A_768, %add3A_787, %dma_start3A_796] : memref<50x4096x128xf32, #tpu.memory_space<hbm>> -> memref<1x64x128xf32, #tpu.memory_space<hbm>>
      %dma_start3A_798 = tpu.memref_squeeze %dma_start3A_797 : memref<1x64x128xf32, #tpu.memory_space<hbm>> -> memref<64x128xf32, #tpu.memory_space<hbm>>
      %dma_start3A_799 = arith.constant 0 : i32
      %dma_start3A_800 = arith.constant 0 : i32
      %dma_start3A_801 = tpu.memref_slice %arg6[%dma_start3A_788, %dma_start3A_799, %dma_start3A_800] : memref<10x64x128xf32, #tpu.memory_space<vmem>> -> memref<1x64x128xf32, #tpu.memory_space<vmem>>
      %dma_start3A_802 = tpu.memref_squeeze %dma_start3A_801 : memref<1x64x128xf32, #tpu.memory_space<vmem>> -> memref<64x128xf32, #tpu.memory_space<vmem>>
      tpu.enqueue_dma source(%dma_start3A_802 : memref<64x128xf32, #tpu.memory_space<vmem>>) target(%dma_start3A_798 : memref<64x128xf32, #tpu.memory_space<hbm>>) target_semaphore(%arg22 : memref<!tpu.dma_semaphore, #tpu.memory_space<semaphore_mem>>)
      %mul3A_803 = arith.constant 10 : i32
      %mul3A_804 = arith.muli %scan3A_128, %mul3A_803 : i32
      %add3A_805 = arith.constant 6 : i32
      %add3A_806 = arith.addi %mul3A_804, %add3A_805 : i32
      %jit3A_807 = arith.constant 2 : i32
      %div3A_808 = arith.divsi %add3A_806, %jit3A_807 : i32
      %sign3A_809 = arith.constant 0 : i32
      %sign3A_810 = arith.cmpi sgt, %add3A_806, %sign3A_809 : i32
      %sign3A_811 = arith.extui %sign3A_810 : i1 to i32
      %sign3A_812 = arith.constant 0 : i32
      %sign3A_813 = arith.cmpi slt, %add3A_806, %sign3A_812 : i32
      %sign3A_814 = arith.extui %sign3A_813 : i1 to i32
      %sign3A_815 = arith.subi %sign3A_811, %sign3A_814 : i32
      %sign3A_816 = arith.constant 0 : i32
      %sign3A_817 = arith.cmpi sgt, %jit3A_807, %sign3A_816 : i32
      %sign3A_818 = arith.extui %sign3A_817 : i1 to i32
      %sign3A_819 = arith.constant 0 : i32
      %sign3A_820 = arith.cmpi slt, %jit3A_807, %sign3A_819 : i32
      %sign3A_821 = arith.extui %sign3A_820 : i1 to i32
      %sign3A_822 = arith.subi %sign3A_818, %sign3A_821 : i32
      %ne3A_823 = arith.cmpi ne, %sign3A_815, %sign3A_822 : i32
      %rem3A_824 = arith.remsi %add3A_806, %jit3A_807 : i32
      %ne3A_825 = arith.constant 0 : i32
      %ne3A_826 = arith.cmpi ne, %rem3A_824, %ne3A_825 : i32
      %and3A_827 = arith.andi %ne3A_823, %ne3A_826 : i1
      %sub3A_828 = arith.constant 1 : i32
      %sub3A_829 = arith.subi %div3A_808, %sub3A_828 : i32
      %select_n3A_830 = arith.select %and3A_827, %sub3A_829, %div3A_808 : i32
      %jit3A_831 = arith.constant 2 : i32
      %eq3A_832 = arith.constant 0 : i32
      %eq3A_833 = arith.cmpi eq, %jit3A_831, %eq3A_832 : i32
      %jit3A_834 = arith.constant 1 : i32
      %select_n3A_835 = arith.select %eq3A_833, %jit3A_834, %jit3A_831 : i32
      %rem3A_836 = arith.remsi %add3A_806, %select_n3A_835 : i32
      %ne3A_837 = arith.constant 0 : i32
      %ne3A_838 = arith.cmpi ne, %rem3A_836, %ne3A_837 : i32
      %lt3A_839 = arith.constant 0 : i32
      %lt3A_840 = arith.cmpi slt, %rem3A_836, %lt3A_839 : i32
      %lt3A_841 = arith.constant 0 : i32
      %lt3A_842 = arith.cmpi slt, %select_n3A_835, %lt3A_841 : i32
      %ne3A_843 = arith.xori %lt3A_840, %lt3A_842 : i1
      %and3A_844 = arith.andi %ne3A_843, %ne3A_838 : i1
      %add3A_845 = arith.addi %rem3A_836, %select_n3A_835 : i32
      %select_n3A_846 = arith.select %and3A_844, %add3A_845, %rem3A_836 : i32
      %mul3A_847 = arith.constant 64 : i32
      %mul3A_848 = arith.muli %select_n3A_846, %mul3A_847 : i32
      %dma_wait3A_849 = arith.constant 6 : i32
      %dma_wait3A_850 = arith.constant 0 : i32
      %dma_wait3A_851 = arith.constant 0 : i32
      %dma_wait3A_852 = tpu.memref_slice %arg6[%dma_wait3A_849, %dma_wait3A_850, %dma_wait3A_851] : memref<10x64x128xf32, #tpu.memory_space<vmem>> -> memref<1x64x128xf32, #tpu.memory_space<vmem>>
      %dma_wait3A_853 = tpu.memref_squeeze %dma_wait3A_852 : memref<1x64x128xf32, #tpu.memory_space<vmem>> -> memref<64x128xf32, #tpu.memory_space<vmem>>
      %dma_wait3A_854 = tpu.memref_slice %arg5[%select_n3A_830, %mul3A_848] : memref<50x128xi32, #tpu.memory_space<vmem>> -> memref<1x64xi32, #tpu.memory_space<vmem>>
      %dma_wait3A_855 = tpu.memref_squeeze %dma_wait3A_854 : memref<1x64xi32, #tpu.memory_space<vmem>> -> memref<64xi32, #tpu.memory_space<vmem>>
      %dma_wait3A_856 = arith.constant 0 : i32
      %dma_wait3A_857 = arith.constant 0 : i32
      %dma_wait3A_858 = tpu.memref_slice %arg3[%dma_wait3A_856, %dma_wait3A_857] : memref<100000x128xf32, #tpu.memory_space<hbm>> -> memref<100000x128xf32, #tpu.memory_space<hbm>>
      tpu.wait_indirect_dma semaphore(%arg13 : memref<!tpu.dma_semaphore, #tpu.memory_space<semaphore_mem>>) src(%dma_wait3A_858 : memref<100000x128xf32, #tpu.memory_space<hbm>>) dst(%dma_wait3A_853 : memref<64x128xf32, #tpu.memory_space<vmem>>)
      %jit3A_859 = arith.constant 2 : i32
      %div3A_860 = arith.divsi %add3A_806, %jit3A_859 : i32
      %sign3A_861 = arith.constant 0 : i32
      %sign3A_862 = arith.cmpi sgt, %add3A_806, %sign3A_861 : i32
      %sign3A_863 = arith.extui %sign3A_862 : i1 to i32
      %sign3A_864 = arith.constant 0 : i32
      %sign3A_865 = arith.cmpi slt, %add3A_806, %sign3A_864 : i32
      %sign3A_866 = arith.extui %sign3A_865 : i1 to i32
      %sign3A_867 = arith.subi %sign3A_863, %sign3A_866 : i32
      %sign3A_868 = arith.constant 0 : i32
      %sign3A_869 = arith.cmpi sgt, %jit3A_859, %sign3A_868 : i32
      %sign3A_870 = arith.extui %sign3A_869 : i1 to i32
      %sign3A_871 = arith.constant 0 : i32
      %sign3A_872 = arith.cmpi slt, %jit3A_859, %sign3A_871 : i32
      %sign3A_873 = arith.extui %sign3A_872 : i1 to i32
      %sign3A_874 = arith.subi %sign3A_870, %sign3A_873 : i32
      %ne3A_875 = arith.cmpi ne, %sign3A_867, %sign3A_874 : i32
      %rem3A_876 = arith.remsi %add3A_806, %jit3A_859 : i32
      %ne3A_877 = arith.constant 0 : i32
      %ne3A_878 = arith.cmpi ne, %rem3A_876, %ne3A_877 : i32
      %and3A_879 = arith.andi %ne3A_875, %ne3A_878 : i1
      %sub3A_880 = arith.constant 1 : i32
      %sub3A_881 = arith.subi %div3A_860, %sub3A_880 : i32
      %select_n3A_882 = arith.select %and3A_879, %sub3A_881, %div3A_860 : i32
      %jit3A_883 = arith.constant 2 : i32
      %eq3A_884 = arith.constant 0 : i32
      %eq3A_885 = arith.cmpi eq, %jit3A_883, %eq3A_884 : i32
      %jit3A_886 = arith.constant 1 : i32
      %select_n3A_887 = arith.select %eq3A_885, %jit3A_886, %jit3A_883 : i32
      %rem3A_888 = arith.remsi %add3A_806, %select_n3A_887 : i32
      %ne3A_889 = arith.constant 0 : i32
      %ne3A_890 = arith.cmpi ne, %rem3A_888, %ne3A_889 : i32
      %lt3A_891 = arith.constant 0 : i32
      %lt3A_892 = arith.cmpi slt, %rem3A_888, %lt3A_891 : i32
      %lt3A_893 = arith.constant 0 : i32
      %lt3A_894 = arith.cmpi slt, %select_n3A_887, %lt3A_893 : i32
      %ne3A_895 = arith.xori %lt3A_892, %lt3A_894 : i1
      %and3A_896 = arith.andi %ne3A_895, %ne3A_890 : i1
      %add3A_897 = arith.addi %rem3A_888, %select_n3A_887 : i32
      %select_n3A_898 = arith.select %and3A_896, %add3A_897, %rem3A_888 : i32
      %mul3A_899 = arith.constant 64 : i32
      %mul3A_900 = arith.muli %select_n3A_898, %mul3A_899 : i32
      %add3A_901 = arith.addi %mul3A_2, %mul3A_900 : i32
      %dma_start3A_902 = arith.constant 6 : i32
      %dma_start3A_903 = arith.constant 0 : i32
      %dma_start3A_904 = arith.constant 0 : i32
      %dma_start3A_905 = tpu.memref_slice %arg6[%dma_start3A_902, %dma_start3A_903, %dma_start3A_904] : memref<10x64x128xf32, #tpu.memory_space<vmem>> -> memref<1x64x128xf32, #tpu.memory_space<vmem>>
      %dma_start3A_906 = tpu.memref_squeeze %dma_start3A_905 : memref<1x64x128xf32, #tpu.memory_space<vmem>> -> memref<64x128xf32, #tpu.memory_space<vmem>>
      %dma_start3A_907 = arith.constant 0 : i32
      %dma_start3A_908 = tpu.memref_slice %arg4[%select_n3A_882, %add3A_901, %dma_start3A_907] : memref<50x4096x128xf32, #tpu.memory_space<hbm>> -> memref<1x64x128xf32, #tpu.memory_space<hbm>>
      %dma_start3A_909 = tpu.memref_squeeze %dma_start3A_908 : memref<1x64x128xf32, #tpu.memory_space<hbm>> -> memref<64x128xf32, #tpu.memory_space<hbm>>
      %dma_start3A_910 = arith.constant 0 : i32
      %dma_start3A_911 = tpu.memref_slice %arg4[%select_n3A_882, %add3A_901, %dma_start3A_910] : memref<50x4096x128xf32, #tpu.memory_space<hbm>> -> memref<1x64x128xf32, #tpu.memory_space<hbm>>
      %dma_start3A_912 = tpu.memref_squeeze %dma_start3A_911 : memref<1x64x128xf32, #tpu.memory_space<hbm>> -> memref<64x128xf32, #tpu.memory_space<hbm>>
      %dma_start3A_913 = arith.constant 0 : i32
      %dma_start3A_914 = arith.constant 0 : i32
      %dma_start3A_915 = tpu.memref_slice %arg6[%dma_start3A_902, %dma_start3A_913, %dma_start3A_914] : memref<10x64x128xf32, #tpu.memory_space<vmem>> -> memref<1x64x128xf32, #tpu.memory_space<vmem>>
      %dma_start3A_916 = tpu.memref_squeeze %dma_start3A_915 : memref<1x64x128xf32, #tpu.memory_space<vmem>> -> memref<64x128xf32, #tpu.memory_space<vmem>>
      tpu.enqueue_dma source(%dma_start3A_916 : memref<64x128xf32, #tpu.memory_space<vmem>>) target(%dma_start3A_912 : memref<64x128xf32, #tpu.memory_space<hbm>>) target_semaphore(%arg23 : memref<!tpu.dma_semaphore, #tpu.memory_space<semaphore_mem>>)
      %mul3A_917 = arith.constant 10 : i32
      %mul3A_918 = arith.muli %scan3A_128, %mul3A_917 : i32
      %add3A_919 = arith.constant 7 : i32
      %add3A_920 = arith.addi %mul3A_918, %add3A_919 : i32
      %jit3A_921 = arith.constant 2 : i32
      %div3A_922 = arith.divsi %add3A_920, %jit3A_921 : i32
      %sign3A_923 = arith.constant 0 : i32
      %sign3A_924 = arith.cmpi sgt, %add3A_920, %sign3A_923 : i32
      %sign3A_925 = arith.extui %sign3A_924 : i1 to i32
      %sign3A_926 = arith.constant 0 : i32
      %sign3A_927 = arith.cmpi slt, %add3A_920, %sign3A_926 : i32
      %sign3A_928 = arith.extui %sign3A_927 : i1 to i32
      %sign3A_929 = arith.subi %sign3A_925, %sign3A_928 : i32
      %sign3A_930 = arith.constant 0 : i32
      %sign3A_931 = arith.cmpi sgt, %jit3A_921, %sign3A_930 : i32
      %sign3A_932 = arith.extui %sign3A_931 : i1 to i32
      %sign3A_933 = arith.constant 0 : i32
      %sign3A_934 = arith.cmpi slt, %jit3A_921, %sign3A_933 : i32
      %sign3A_935 = arith.extui %sign3A_934 : i1 to i32
      %sign3A_936 = arith.subi %sign3A_932, %sign3A_935 : i32
      %ne3A_937 = arith.cmpi ne, %sign3A_929, %sign3A_936 : i32
      %rem3A_938 = arith.remsi %add3A_920, %jit3A_921 : i32
      %ne3A_939 = arith.constant 0 : i32
      %ne3A_940 = arith.cmpi ne, %rem3A_938, %ne3A_939 : i32
      %and3A_941 = arith.andi %ne3A_937, %ne3A_940 : i1
      %sub3A_942 = arith.constant 1 : i32
      %sub3A_943 = arith.subi %div3A_922, %sub3A_942 : i32
      %select_n3A_944 = arith.select %and3A_941, %sub3A_943, %div3A_922 : i32
      %jit3A_945 = arith.constant 2 : i32
      %eq3A_946 = arith.constant 0 : i32
      %eq3A_947 = arith.cmpi eq, %jit3A_945, %eq3A_946 : i32
      %jit3A_948 = arith.constant 1 : i32
      %select_n3A_949 = arith.select %eq3A_947, %jit3A_948, %jit3A_945 : i32
      %rem3A_950 = arith.remsi %add3A_920, %select_n3A_949 : i32
      %ne3A_951 = arith.constant 0 : i32
      %ne3A_952 = arith.cmpi ne, %rem3A_950, %ne3A_951 : i32
      %lt3A_953 = arith.constant 0 : i32
      %lt3A_954 = arith.cmpi slt, %rem3A_950, %lt3A_953 : i32
      %lt3A_955 = arith.constant 0 : i32
      %lt3A_956 = arith.cmpi slt, %select_n3A_949, %lt3A_955 : i32
      %ne3A_957 = arith.xori %lt3A_954, %lt3A_956 : i1
      %and3A_958 = arith.andi %ne3A_957, %ne3A_952 : i1
      %add3A_959 = arith.addi %rem3A_950, %select_n3A_949 : i32
      %select_n3A_960 = arith.select %and3A_958, %add3A_959, %rem3A_950 : i32
      %mul3A_961 = arith.constant 64 : i32
      %mul3A_962 = arith.muli %select_n3A_960, %mul3A_961 : i32
      %dma_wait3A_963 = arith.constant 7 : i32
      %dma_wait3A_964 = arith.constant 0 : i32
      %dma_wait3A_965 = arith.constant 0 : i32
      %dma_wait3A_966 = tpu.memref_slice %arg6[%dma_wait3A_963, %dma_wait3A_964, %dma_wait3A_965] : memref<10x64x128xf32, #tpu.memory_space<vmem>> -> memref<1x64x128xf32, #tpu.memory_space<vmem>>
      %dma_wait3A_967 = tpu.memref_squeeze %dma_wait3A_966 : memref<1x64x128xf32, #tpu.memory_space<vmem>> -> memref<64x128xf32, #tpu.memory_space<vmem>>
      %dma_wait3A_968 = tpu.memref_slice %arg5[%select_n3A_944, %mul3A_962] : memref<50x128xi32, #tpu.memory_space<vmem>> -> memref<1x64xi32, #tpu.memory_space<vmem>>
      %dma_wait3A_969 = tpu.memref_squeeze %dma_wait3A_968 : memref<1x64xi32, #tpu.memory_space<vmem>> -> memref<64xi32, #tpu.memory_space<vmem>>
      %dma_wait3A_970 = arith.constant 0 : i32
      %dma_wait3A_971 = arith.constant 0 : i32
      %dma_wait3A_972 = tpu.memref_slice %arg3[%dma_wait3A_970, %dma_wait3A_971] : memref<100000x128xf32, #tpu.memory_space<hbm>> -> memref<100000x128xf32, #tpu.memory_space<hbm>>
      tpu.wait_indirect_dma semaphore(%arg14 : memref<!tpu.dma_semaphore, #tpu.memory_space<semaphore_mem>>) src(%dma_wait3A_972 : memref<100000x128xf32, #tpu.memory_space<hbm>>) dst(%dma_wait3A_967 : memref<64x128xf32, #tpu.memory_space<vmem>>)
      %jit3A_973 = arith.constant 2 : i32
      %div3A_974 = arith.divsi %add3A_920, %jit3A_973 : i32
      %sign3A_975 = arith.constant 0 : i32
      %sign3A_976 = arith.cmpi sgt, %add3A_920, %sign3A_975 : i32
      %sign3A_977 = arith.extui %sign3A_976 : i1 to i32
      %sign3A_978 = arith.constant 0 : i32
      %sign3A_979 = arith.cmpi slt, %add3A_920, %sign3A_978 : i32
      %sign3A_980 = arith.extui %sign3A_979 : i1 to i32
      %sign3A_981 = arith.subi %sign3A_977, %sign3A_980 : i32
      %sign3A_982 = arith.constant 0 : i32
      %sign3A_983 = arith.cmpi sgt, %jit3A_973, %sign3A_982 : i32
      %sign3A_984 = arith.extui %sign3A_983 : i1 to i32
      %sign3A_985 = arith.constant 0 : i32
      %sign3A_986 = arith.cmpi slt, %jit3A_973, %sign3A_985 : i32
      %sign3A_987 = arith.extui %sign3A_986 : i1 to i32
      %sign3A_988 = arith.subi %sign3A_984, %sign3A_987 : i32
      %ne3A_989 = arith.cmpi ne, %sign3A_981, %sign3A_988 : i32
      %rem3A_990 = arith.remsi %add3A_920, %jit3A_973 : i32
      %ne3A_991 = arith.constant 0 : i32
      %ne3A_992 = arith.cmpi ne, %rem3A_990, %ne3A_991 : i32
      %and3A_993 = arith.andi %ne3A_989, %ne3A_992 : i1
      %sub3A_994 = arith.constant 1 : i32
      %sub3A_995 = arith.subi %div3A_974, %sub3A_994 : i32
      %select_n3A_996 = arith.select %and3A_993, %sub3A_995, %div3A_974 : i32
      %jit3A_997 = arith.constant 2 : i32
      %eq3A_998 = arith.constant 0 : i32
      %eq3A_999 = arith.cmpi eq, %jit3A_997, %eq3A_998 : i32
      %jit3A_1000 = arith.constant 1 : i32
      %select_n3A_1001 = arith.select %eq3A_999, %jit3A_1000, %jit3A_997 : i32
      %rem3A_1002 = arith.remsi %add3A_920, %select_n3A_1001 : i32
      %ne3A_1003 = arith.constant 0 : i32
      %ne3A_1004 = arith.cmpi ne, %rem3A_1002, %ne3A_1003 : i32
      %lt3A_1005 = arith.constant 0 : i32
      %lt3A_1006 = arith.cmpi slt, %rem3A_1002, %lt3A_1005 : i32
      %lt3A_1007 = arith.constant 0 : i32
      %lt3A_1008 = arith.cmpi slt, %select_n3A_1001, %lt3A_1007 : i32
      %ne3A_1009 = arith.xori %lt3A_1006, %lt3A_1008 : i1
      %and3A_1010 = arith.andi %ne3A_1009, %ne3A_1004 : i1
      %add3A_1011 = arith.addi %rem3A_1002, %select_n3A_1001 : i32
      %select_n3A_1012 = arith.select %and3A_1010, %add3A_1011, %rem3A_1002 : i32
      %mul3A_1013 = arith.constant 64 : i32
      %mul3A_1014 = arith.muli %select_n3A_1012, %mul3A_1013 : i32
      %add3A_1015 = arith.addi %mul3A_2, %mul3A_1014 : i32
      %dma_start3A_1016 = arith.constant 7 : i32
      %dma_start3A_1017 = arith.constant 0 : i32
      %dma_start3A_1018 = arith.constant 0 : i32
      %dma_start3A_1019 = tpu.memref_slice %arg6[%dma_start3A_1016, %dma_start3A_1017, %dma_start3A_1018] : memref<10x64x128xf32, #tpu.memory_space<vmem>> -> memref<1x64x128xf32, #tpu.memory_space<vmem>>
      %dma_start3A_1020 = tpu.memref_squeeze %dma_start3A_1019 : memref<1x64x128xf32, #tpu.memory_space<vmem>> -> memref<64x128xf32, #tpu.memory_space<vmem>>
      %dma_start3A_1021 = arith.constant 0 : i32
      %dma_start3A_1022 = tpu.memref_slice %arg4[%select_n3A_996, %add3A_1015, %dma_start3A_1021] : memref<50x4096x128xf32, #tpu.memory_space<hbm>> -> memref<1x64x128xf32, #tpu.memory_space<hbm>>
      %dma_start3A_1023 = tpu.memref_squeeze %dma_start3A_1022 : memref<1x64x128xf32, #tpu.memory_space<hbm>> -> memref<64x128xf32, #tpu.memory_space<hbm>>
      %dma_start3A_1024 = arith.constant 0 : i32
      %dma_start3A_1025 = tpu.memref_slice %arg4[%select_n3A_996, %add3A_1015, %dma_start3A_1024] : memref<50x4096x128xf32, #tpu.memory_space<hbm>> -> memref<1x64x128xf32, #tpu.memory_space<hbm>>
      %dma_start3A_1026 = tpu.memref_squeeze %dma_start3A_1025 : memref<1x64x128xf32, #tpu.memory_space<hbm>> -> memref<64x128xf32, #tpu.memory_space<hbm>>
      %dma_start3A_1027 = arith.constant 0 : i32
      %dma_start3A_1028 = arith.constant 0 : i32
      %dma_start3A_1029 = tpu.memref_slice %arg6[%dma_start3A_1016, %dma_start3A_1027, %dma_start3A_1028] : memref<10x64x128xf32, #tpu.memory_space<vmem>> -> memref<1x64x128xf32, #tpu.memory_space<vmem>>
      %dma_start3A_1030 = tpu.memref_squeeze %dma_start3A_1029 : memref<1x64x128xf32, #tpu.memory_space<vmem>> -> memref<64x128xf32, #tpu.memory_space<vmem>>
      tpu.enqueue_dma source(%dma_start3A_1030 : memref<64x128xf32, #tpu.memory_space<vmem>>) target(%dma_start3A_1026 : memref<64x128xf32, #tpu.memory_space<hbm>>) target_semaphore(%arg24 : memref<!tpu.dma_semaphore, #tpu.memory_space<semaphore_mem>>)
      %mul3A_1031 = arith.constant 10 : i32
      %mul3A_1032 = arith.muli %scan3A_128, %mul3A_1031 : i32
      %add3A_1033 = arith.constant 8 : i32
      %add3A_1034 = arith.addi %mul3A_1032, %add3A_1033 : i32
      %jit3A_1035 = arith.constant 2 : i32
      %div3A_1036 = arith.divsi %add3A_1034, %jit3A_1035 : i32
      %sign3A_1037 = arith.constant 0 : i32
      %sign3A_1038 = arith.cmpi sgt, %add3A_1034, %sign3A_1037 : i32
      %sign3A_1039 = arith.extui %sign3A_1038 : i1 to i32
      %sign3A_1040 = arith.constant 0 : i32
      %sign3A_1041 = arith.cmpi slt, %add3A_1034, %sign3A_1040 : i32
      %sign3A_1042 = arith.extui %sign3A_1041 : i1 to i32
      %sign3A_1043 = arith.subi %sign3A_1039, %sign3A_1042 : i32
      %sign3A_1044 = arith.constant 0 : i32
      %sign3A_1045 = arith.cmpi sgt, %jit3A_1035, %sign3A_1044 : i32
      %sign3A_1046 = arith.extui %sign3A_1045 : i1 to i32
      %sign3A_1047 = arith.constant 0 : i32
      %sign3A_1048 = arith.cmpi slt, %jit3A_1035, %sign3A_1047 : i32
      %sign3A_1049 = arith.extui %sign3A_1048 : i1 to i32
      %sign3A_1050 = arith.subi %sign3A_1046, %sign3A_1049 : i32
      %ne3A_1051 = arith.cmpi ne, %sign3A_1043, %sign3A_1050 : i32
      %rem3A_1052 = arith.remsi %add3A_1034, %jit3A_1035 : i32
      %ne3A_1053 = arith.constant 0 : i32
      %ne3A_1054 = arith.cmpi ne, %rem3A_1052, %ne3A_1053 : i32
      %and3A_1055 = arith.andi %ne3A_1051, %ne3A_1054 : i1
      %sub3A_1056 = arith.constant 1 : i32
      %sub3A_1057 = arith.subi %div3A_1036, %sub3A_1056 : i32
      %select_n3A_1058 = arith.select %and3A_1055, %sub3A_1057, %div3A_1036 : i32
      %jit3A_1059 = arith.constant 2 : i32
      %eq3A_1060 = arith.constant 0 : i32
      %eq3A_1061 = arith.cmpi eq, %jit3A_1059, %eq3A_1060 : i32
      %jit3A_1062 = arith.constant 1 : i32
      %select_n3A_1063 = arith.select %eq3A_1061, %jit3A_1062, %jit3A_1059 : i32
      %rem3A_1064 = arith.remsi %add3A_1034, %select_n3A_1063 : i32
      %ne3A_1065 = arith.constant 0 : i32
      %ne3A_1066 = arith.cmpi ne, %rem3A_1064, %ne3A_1065 : i32
      %lt3A_1067 = arith.constant 0 : i32
      %lt3A_1068 = arith.cmpi slt, %rem3A_1064, %lt3A_1067 : i32
      %lt3A_1069 = arith.constant 0 : i32
      %lt3A_1070 = arith.cmpi slt, %select_n3A_1063, %lt3A_1069 : i32
      %ne3A_1071 = arith.xori %lt3A_1068, %lt3A_1070 : i1
      %and3A_1072 = arith.andi %ne3A_1071, %ne3A_1066 : i1
      %add3A_1073 = arith.addi %rem3A_1064, %select_n3A_1063 : i32
      %select_n3A_1074 = arith.select %and3A_1072, %add3A_1073, %rem3A_1064 : i32
      %mul3A_1075 = arith.constant 64 : i32
      %mul3A_1076 = arith.muli %select_n3A_1074, %mul3A_1075 : i32
      %dma_wait3A_1077 = arith.constant 8 : i32
      %dma_wait3A_1078 = arith.constant 0 : i32
      %dma_wait3A_1079 = arith.constant 0 : i32
      %dma_wait3A_1080 = tpu.memref_slice %arg6[%dma_wait3A_1077, %dma_wait3A_1078, %dma_wait3A_1079] : memref<10x64x128xf32, #tpu.memory_space<vmem>> -> memref<1x64x128xf32, #tpu.memory_space<vmem>>
      %dma_wait3A_1081 = tpu.memref_squeeze %dma_wait3A_1080 : memref<1x64x128xf32, #tpu.memory_space<vmem>> -> memref<64x128xf32, #tpu.memory_space<vmem>>
      %dma_wait3A_1082 = tpu.memref_slice %arg5[%select_n3A_1058, %mul3A_1076] : memref<50x128xi32, #tpu.memory_space<vmem>> -> memref<1x64xi32, #tpu.memory_space<vmem>>
      %dma_wait3A_1083 = tpu.memref_squeeze %dma_wait3A_1082 : memref<1x64xi32, #tpu.memory_space<vmem>> -> memref<64xi32, #tpu.memory_space<vmem>>
      %dma_wait3A_1084 = arith.constant 0 : i32
      %dma_wait3A_1085 = arith.constant 0 : i32
      %dma_wait3A_1086 = tpu.memref_slice %arg3[%dma_wait3A_1084, %dma_wait3A_1085] : memref<100000x128xf32, #tpu.memory_space<hbm>> -> memref<100000x128xf32, #tpu.memory_space<hbm>>
      tpu.wait_indirect_dma semaphore(%arg15 : memref<!tpu.dma_semaphore, #tpu.memory_space<semaphore_mem>>) src(%dma_wait3A_1086 : memref<100000x128xf32, #tpu.memory_space<hbm>>) dst(%dma_wait3A_1081 : memref<64x128xf32, #tpu.memory_space<vmem>>)
      %jit3A_1087 = arith.constant 2 : i32
      %div3A_1088 = arith.divsi %add3A_1034, %jit3A_1087 : i32
      %sign3A_1089 = arith.constant 0 : i32
      %sign3A_1090 = arith.cmpi sgt, %add3A_1034, %sign3A_1089 : i32
      %sign3A_1091 = arith.extui %sign3A_1090 : i1 to i32
      %sign3A_1092 = arith.constant 0 : i32
      %sign3A_1093 = arith.cmpi slt, %add3A_1034, %sign3A_1092 : i32
      %sign3A_1094 = arith.extui %sign3A_1093 : i1 to i32
      %sign3A_1095 = arith.subi %sign3A_1091, %sign3A_1094 : i32
      %sign3A_1096 = arith.constant 0 : i32
      %sign3A_1097 = arith.cmpi sgt, %jit3A_1087, %sign3A_1096 : i32
      %sign3A_1098 = arith.extui %sign3A_1097 : i1 to i32
      %sign3A_1099 = arith.constant 0 : i32
      %sign3A_1100 = arith.cmpi slt, %jit3A_1087, %sign3A_1099 : i32
      %sign3A_1101 = arith.extui %sign3A_1100 : i1 to i32
      %sign3A_1102 = arith.subi %sign3A_1098, %sign3A_1101 : i32
      %ne3A_1103 = arith.cmpi ne, %sign3A_1095, %sign3A_1102 : i32
      %rem3A_1104 = arith.remsi %add3A_1034, %jit3A_1087 : i32
      %ne3A_1105 = arith.constant 0 : i32
      %ne3A_1106 = arith.cmpi ne, %rem3A_1104, %ne3A_1105 : i32
      %and3A_1107 = arith.andi %ne3A_1103, %ne3A_1106 : i1
      %sub3A_1108 = arith.constant 1 : i32
      %sub3A_1109 = arith.subi %div3A_1088, %sub3A_1108 : i32
      %select_n3A_1110 = arith.select %and3A_1107, %sub3A_1109, %div3A_1088 : i32
      %jit3A_1111 = arith.constant 2 : i32
      %eq3A_1112 = arith.constant 0 : i32
      %eq3A_1113 = arith.cmpi eq, %jit3A_1111, %eq3A_1112 : i32
      %jit3A_1114 = arith.constant 1 : i32
      %select_n3A_1115 = arith.select %eq3A_1113, %jit3A_1114, %jit3A_1111 : i32
      %rem3A_1116 = arith.remsi %add3A_1034, %select_n3A_1115 : i32
      %ne3A_1117 = arith.constant 0 : i32
      %ne3A_1118 = arith.cmpi ne, %rem3A_1116, %ne3A_1117 : i32
      %lt3A_1119 = arith.constant 0 : i32
      %lt3A_1120 = arith.cmpi slt, %rem3A_1116, %lt3A_1119 : i32
      %lt3A_1121 = arith.constant 0 : i32
      %lt3A_1122 = arith.cmpi slt, %select_n3A_1115, %lt3A_1121 : i32
      %ne3A_1123 = arith.xori %lt3A_1120, %lt3A_1122 : i1
      %and3A_1124 = arith.andi %ne3A_1123, %ne3A_1118 : i1
      %add3A_1125 = arith.addi %rem3A_1116, %select_n3A_1115 : i32
      %select_n3A_1126 = arith.select %and3A_1124, %add3A_1125, %rem3A_1116 : i32
      %mul3A_1127 = arith.constant 64 : i32
      %mul3A_1128 = arith.muli %select_n3A_1126, %mul3A_1127 : i32
      %add3A_1129 = arith.addi %mul3A_2, %mul3A_1128 : i32
      %dma_start3A_1130 = arith.constant 8 : i32
      %dma_start3A_1131 = arith.constant 0 : i32
      %dma_start3A_1132 = arith.constant 0 : i32
      %dma_start3A_1133 = tpu.memref_slice %arg6[%dma_start3A_1130, %dma_start3A_1131, %dma_start3A_1132] : memref<10x64x128xf32, #tpu.memory_space<vmem>> -> memref<1x64x128xf32, #tpu.memory_space<vmem>>
      %dma_start3A_1134 = tpu.memref_squeeze %dma_start3A_1133 : memref<1x64x128xf32, #tpu.memory_space<vmem>> -> memref<64x128xf32, #tpu.memory_space<vmem>>
      %dma_start3A_1135 = arith.constant 0 : i32
      %dma_start3A_1136 = tpu.memref_slice %arg4[%select_n3A_1110, %add3A_1129, %dma_start3A_1135] : memref<50x4096x128xf32, #tpu.memory_space<hbm>> -> memref<1x64x128xf32, #tpu.memory_space<hbm>>
      %dma_start3A_1137 = tpu.memref_squeeze %dma_start3A_1136 : memref<1x64x128xf32, #tpu.memory_space<hbm>> -> memref<64x128xf32, #tpu.memory_space<hbm>>
      %dma_start3A_1138 = arith.constant 0 : i32
      %dma_start3A_1139 = tpu.memref_slice %arg4[%select_n3A_1110, %add3A_1129, %dma_start3A_1138] : memref<50x4096x128xf32, #tpu.memory_space<hbm>> -> memref<1x64x128xf32, #tpu.memory_space<hbm>>
      %dma_start3A_1140 = tpu.memref_squeeze %dma_start3A_1139 : memref<1x64x128xf32, #tpu.memory_space<hbm>> -> memref<64x128xf32, #tpu.memory_space<hbm>>
      %dma_start3A_1141 = arith.constant 0 : i32
      %dma_start3A_1142 = arith.constant 0 : i32
      %dma_start3A_1143 = tpu.memref_slice %arg6[%dma_start3A_1130, %dma_start3A_1141, %dma_start3A_1142] : memref<10x64x128xf32, #tpu.memory_space<vmem>> -> memref<1x64x128xf32, #tpu.memory_space<vmem>>
      %dma_start3A_1144 = tpu.memref_squeeze %dma_start3A_1143 : memref<1x64x128xf32, #tpu.memory_space<vmem>> -> memref<64x128xf32, #tpu.memory_space<vmem>>
      tpu.enqueue_dma source(%dma_start3A_1144 : memref<64x128xf32, #tpu.memory_space<vmem>>) target(%dma_start3A_1140 : memref<64x128xf32, #tpu.memory_space<hbm>>) target_semaphore(%arg25 : memref<!tpu.dma_semaphore, #tpu.memory_space<semaphore_mem>>)
      %mul3A_1145 = arith.constant 10 : i32
      %mul3A_1146 = arith.muli %scan3A_128, %mul3A_1145 : i32
      %add3A_1147 = arith.constant 9 : i32
      %add3A_1148 = arith.addi %mul3A_1146, %add3A_1147 : i32
      %jit3A_1149 = arith.constant 2 : i32
      %div3A_1150 = arith.divsi %add3A_1148, %jit3A_1149 : i32
      %sign3A_1151 = arith.constant 0 : i32
      %sign3A_1152 = arith.cmpi sgt, %add3A_1148, %sign3A_1151 : i32
      %sign3A_1153 = arith.extui %sign3A_1152 : i1 to i32
      %sign3A_1154 = arith.constant 0 : i32
      %sign3A_1155 = arith.cmpi slt, %add3A_1148, %sign3A_1154 : i32
      %sign3A_1156 = arith.extui %sign3A_1155 : i1 to i32
      %sign3A_1157 = arith.subi %sign3A_1153, %sign3A_1156 : i32
      %sign3A_1158 = arith.constant 0 : i32
      %sign3A_1159 = arith.cmpi sgt, %jit3A_1149, %sign3A_1158 : i32
      %sign3A_1160 = arith.extui %sign3A_1159 : i1 to i32
      %sign3A_1161 = arith.constant 0 : i32
      %sign3A_1162 = arith.cmpi slt, %jit3A_1149, %sign3A_1161 : i32
      %sign3A_1163 = arith.extui %sign3A_1162 : i1 to i32
      %sign3A_1164 = arith.subi %sign3A_1160, %sign3A_1163 : i32
      %ne3A_1165 = arith.cmpi ne, %sign3A_1157, %sign3A_1164 : i32
      %rem3A_1166 = arith.remsi %add3A_1148, %jit3A_1149 : i32
      %ne3A_1167 = arith.constant 0 : i32
      %ne3A_1168 = arith.cmpi ne, %rem3A_1166, %ne3A_1167 : i32
      %and3A_1169 = arith.andi %ne3A_1165, %ne3A_1168 : i1
      %sub3A_1170 = arith.constant 1 : i32
      %sub3A_1171 = arith.subi %div3A_1150, %sub3A_1170 : i32
      %select_n3A_1172 = arith.select %and3A_1169, %sub3A_1171, %div3A_1150 : i32
      %jit3A_1173 = arith.constant 2 : i32
      %eq3A_1174 = arith.constant 0 : i32
      %eq3A_1175 = arith.cmpi eq, %jit3A_1173, %eq3A_1174 : i32
      %jit3A_1176 = arith.constant 1 : i32
      %select_n3A_1177 = arith.select %eq3A_1175, %jit3A_1176, %jit3A_1173 : i32
      %rem3A_1178 = arith.remsi %add3A_1148, %select_n3A_1177 : i32
      %ne3A_1179 = arith.constant 0 : i32
      %ne3A_1180 = arith.cmpi ne, %rem3A_1178, %ne3A_1179 : i32
      %lt3A_1181 = arith.constant 0 : i32
      %lt3A_1182 = arith.cmpi slt, %rem3A_1178, %lt3A_1181 : i32
      %lt3A_1183 = arith.constant 0 : i32
      %lt3A_1184 = arith.cmpi slt, %select_n3A_1177, %lt3A_1183 : i32
      %ne3A_1185 = arith.xori %lt3A_1182, %lt3A_1184 : i1
      %and3A_1186 = arith.andi %ne3A_1185, %ne3A_1180 : i1
      %add3A_1187 = arith.addi %rem3A_1178, %select_n3A_1177 : i32
      %select_n3A_1188 = arith.select %and3A_1186, %add3A_1187, %rem3A_1178 : i32
      %mul3A_1189 = arith.constant 64 : i32
      %mul3A_1190 = arith.muli %select_n3A_1188, %mul3A_1189 : i32
      %dma_wait3A_1191 = arith.constant 9 : i32
      %dma_wait3A_1192 = arith.constant 0 : i32
      %dma_wait3A_1193 = arith.constant 0 : i32
      %dma_wait3A_1194 = tpu.memref_slice %arg6[%dma_wait3A_1191, %dma_wait3A_1192, %dma_wait3A_1193] : memref<10x64x128xf32, #tpu.memory_space<vmem>> -> memref<1x64x128xf32, #tpu.memory_space<vmem>>
      %dma_wait3A_1195 = tpu.memref_squeeze %dma_wait3A_1194 : memref<1x64x128xf32, #tpu.memory_space<vmem>> -> memref<64x128xf32, #tpu.memory_space<vmem>>
      %dma_wait3A_1196 = tpu.memref_slice %arg5[%select_n3A_1172, %mul3A_1190] : memref<50x128xi32, #tpu.memory_space<vmem>> -> memref<1x64xi32, #tpu.memory_space<vmem>>
      %dma_wait3A_1197 = tpu.memref_squeeze %dma_wait3A_1196 : memref<1x64xi32, #tpu.memory_space<vmem>> -> memref<64xi32, #tpu.memory_space<vmem>>
      %dma_wait3A_1198 = arith.constant 0 : i32
      %dma_wait3A_1199 = arith.constant 0 : i32
      %dma_wait3A_1200 = tpu.memref_slice %arg3[%dma_wait3A_1198, %dma_wait3A_1199] : memref<100000x128xf32, #tpu.memory_space<hbm>> -> memref<100000x128xf32, #tpu.memory_space<hbm>>
      tpu.wait_indirect_dma semaphore(%arg16 : memref<!tpu.dma_semaphore, #tpu.memory_space<semaphore_mem>>) src(%dma_wait3A_1200 : memref<100000x128xf32, #tpu.memory_space<hbm>>) dst(%dma_wait3A_1195 : memref<64x128xf32, #tpu.memory_space<vmem>>)
      %jit3A_1201 = arith.constant 2 : i32
      %div3A_1202 = arith.divsi %add3A_1148, %jit3A_1201 : i32
      %sign3A_1203 = arith.constant 0 : i32
      %sign3A_1204 = arith.cmpi sgt, %add3A_1148, %sign3A_1203 : i32
      %sign3A_1205 = arith.extui %sign3A_1204 : i1 to i32
      %sign3A_1206 = arith.constant 0 : i32
      %sign3A_1207 = arith.cmpi slt, %add3A_1148, %sign3A_1206 : i32
      %sign3A_1208 = arith.extui %sign3A_1207 : i1 to i32
      %sign3A_1209 = arith.subi %sign3A_1205, %sign3A_1208 : i32
      %sign3A_1210 = arith.constant 0 : i32
      %sign3A_1211 = arith.cmpi sgt, %jit3A_1201, %sign3A_1210 : i32
      %sign3A_1212 = arith.extui %sign3A_1211 : i1 to i32
      %sign3A_1213 = arith.constant 0 : i32
      %sign3A_1214 = arith.cmpi slt, %jit3A_1201, %sign3A_1213 : i32
      %sign3A_1215 = arith.extui %sign3A_1214 : i1 to i32
      %sign3A_1216 = arith.subi %sign3A_1212, %sign3A_1215 : i32
      %ne3A_1217 = arith.cmpi ne, %sign3A_1209, %sign3A_1216 : i32
      %rem3A_1218 = arith.remsi %add3A_1148, %jit3A_1201 : i32
      %ne3A_1219 = arith.constant 0 : i32
      %ne3A_1220 = arith.cmpi ne, %rem3A_1218, %ne3A_1219 : i32
      %and3A_1221 = arith.andi %ne3A_1217, %ne3A_1220 : i1
      %sub3A_1222 = arith.constant 1 : i32
      %sub3A_1223 = arith.subi %div3A_1202, %sub3A_1222 : i32
      %select_n3A_1224 = arith.select %and3A_1221, %sub3A_1223, %div3A_1202 : i32
      %jit3A_1225 = arith.constant 2 : i32
      %eq3A_1226 = arith.constant 0 : i32
      %eq3A_1227 = arith.cmpi eq, %jit3A_1225, %eq3A_1226 : i32
      %jit3A_1228 = arith.constant 1 : i32
      %select_n3A_1229 = arith.select %eq3A_1227, %jit3A_1228, %jit3A_1225 : i32
      %rem3A_1230 = arith.remsi %add3A_1148, %select_n3A_1229 : i32
      %ne3A_1231 = arith.constant 0 : i32
      %ne3A_1232 = arith.cmpi ne, %rem3A_1230, %ne3A_1231 : i32
      %lt3A_1233 = arith.constant 0 : i32
      %lt3A_1234 = arith.cmpi slt, %rem3A_1230, %lt3A_1233 : i32
      %lt3A_1235 = arith.constant 0 : i32
      %lt3A_1236 = arith.cmpi slt, %select_n3A_1229, %lt3A_1235 : i32
      %ne3A_1237 = arith.xori %lt3A_1234, %lt3A_1236 : i1
      %and3A_1238 = arith.andi %ne3A_1237, %ne3A_1232 : i1
      %add3A_1239 = arith.addi %rem3A_1230, %select_n3A_1229 : i32
      %select_n3A_1240 = arith.select %and3A_1238, %add3A_1239, %rem3A_1230 : i32
      %mul3A_1241 = arith.constant 64 : i32
      %mul3A_1242 = arith.muli %select_n3A_1240, %mul3A_1241 : i32
      %add3A_1243 = arith.addi %mul3A_2, %mul3A_1242 : i32
      %dma_start3A_1244 = arith.constant 9 : i32
      %dma_start3A_1245 = arith.constant 0 : i32
      %dma_start3A_1246 = arith.constant 0 : i32
      %dma_start3A_1247 = tpu.memref_slice %arg6[%dma_start3A_1244, %dma_start3A_1245, %dma_start3A_1246] : memref<10x64x128xf32, #tpu.memory_space<vmem>> -> memref<1x64x128xf32, #tpu.memory_space<vmem>>
      %dma_start3A_1248 = tpu.memref_squeeze %dma_start3A_1247 : memref<1x64x128xf32, #tpu.memory_space<vmem>> -> memref<64x128xf32, #tpu.memory_space<vmem>>
      %dma_start3A_1249 = arith.constant 0 : i32
      %dma_start3A_1250 = tpu.memref_slice %arg4[%select_n3A_1224, %add3A_1243, %dma_start3A_1249] : memref<50x4096x128xf32, #tpu.memory_space<hbm>> -> memref<1x64x128xf32, #tpu.memory_space<hbm>>
      %dma_start3A_1251 = tpu.memref_squeeze %dma_start3A_1250 : memref<1x64x128xf32, #tpu.memory_space<hbm>> -> memref<64x128xf32, #tpu.memory_space<hbm>>
      %dma_start3A_1252 = arith.constant 0 : i32
      %dma_start3A_1253 = tpu.memref_slice %arg4[%select_n3A_1224, %add3A_1243, %dma_start3A_1252] : memref<50x4096x128xf32, #tpu.memory_space<hbm>> -> memref<1x64x128xf32, #tpu.memory_space<hbm>>
      %dma_start3A_1254 = tpu.memref_squeeze %dma_start3A_1253 : memref<1x64x128xf32, #tpu.memory_space<hbm>> -> memref<64x128xf32, #tpu.memory_space<hbm>>
      %dma_start3A_1255 = arith.constant 0 : i32
      %dma_start3A_1256 = arith.constant 0 : i32
      %dma_start3A_1257 = tpu.memref_slice %arg6[%dma_start3A_1244, %dma_start3A_1255, %dma_start3A_1256] : memref<10x64x128xf32, #tpu.memory_space<vmem>> -> memref<1x64x128xf32, #tpu.memory_space<vmem>>
      %dma_start3A_1258 = tpu.memref_squeeze %dma_start3A_1257 : memref<1x64x128xf32, #tpu.memory_space<vmem>> -> memref<64x128xf32, #tpu.memory_space<vmem>>
      tpu.enqueue_dma source(%dma_start3A_1258 : memref<64x128xf32, #tpu.memory_space<vmem>>) target(%dma_start3A_1254 : memref<64x128xf32, #tpu.memory_space<hbm>>) target_semaphore(%arg26 : memref<!tpu.dma_semaphore, #tpu.memory_space<semaphore_mem>>)
      %mul3A_1259 = arith.constant 10 : i32
      %mul3A_1260 = arith.muli %scan3A_128, %mul3A_1259 : i32
      %add3A_1261 = arith.constant 0 : i32
      %add3A_1262 = arith.addi %mul3A_1260, %add3A_1261 : i32
      %jit3A_1263 = arith.constant 2 : i32
      %div3A_1264 = arith.divsi %add3A_1262, %jit3A_1263 : i32
      %sign3A_1265 = arith.constant 0 : i32
      %sign3A_1266 = arith.cmpi sgt, %add3A_1262, %sign3A_1265 : i32
      %sign3A_1267 = arith.extui %sign3A_1266 : i1 to i32
      %sign3A_1268 = arith.constant 0 : i32
      %sign3A_1269 = arith.cmpi slt, %add3A_1262, %sign3A_1268 : i32
      %sign3A_1270 = arith.extui %sign3A_1269 : i1 to i32
      %sign3A_1271 = arith.subi %sign3A_1267, %sign3A_1270 : i32
      %sign3A_1272 = arith.constant 0 : i32
      %sign3A_1273 = arith.cmpi sgt, %jit3A_1263, %sign3A_1272 : i32
      %sign3A_1274 = arith.extui %sign3A_1273 : i1 to i32
      %sign3A_1275 = arith.constant 0 : i32
      %sign3A_1276 = arith.cmpi slt, %jit3A_1263, %sign3A_1275 : i32
      %sign3A_1277 = arith.extui %sign3A_1276 : i1 to i32
      %sign3A_1278 = arith.subi %sign3A_1274, %sign3A_1277 : i32
      %ne3A_1279 = arith.cmpi ne, %sign3A_1271, %sign3A_1278 : i32
      %rem3A_1280 = arith.remsi %add3A_1262, %jit3A_1263 : i32
      %ne3A_1281 = arith.constant 0 : i32
      %ne3A_1282 = arith.cmpi ne, %rem3A_1280, %ne3A_1281 : i32
      %and3A_1283 = arith.andi %ne3A_1279, %ne3A_1282 : i1
      %sub3A_1284 = arith.constant 1 : i32
      %sub3A_1285 = arith.subi %div3A_1264, %sub3A_1284 : i32
      %select_n3A_1286 = arith.select %and3A_1283, %sub3A_1285, %div3A_1264 : i32
      %jit3A_1287 = arith.constant 2 : i32
      %eq3A_1288 = arith.constant 0 : i32
      %eq3A_1289 = arith.cmpi eq, %jit3A_1287, %eq3A_1288 : i32
      %jit3A_1290 = arith.constant 1 : i32
      %select_n3A_1291 = arith.select %eq3A_1289, %jit3A_1290, %jit3A_1287 : i32
      %rem3A_1292 = arith.remsi %add3A_1262, %select_n3A_1291 : i32
      %ne3A_1293 = arith.constant 0 : i32
      %ne3A_1294 = arith.cmpi ne, %rem3A_1292, %ne3A_1293 : i32
      %lt3A_1295 = arith.constant 0 : i32
      %lt3A_1296 = arith.cmpi slt, %rem3A_1292, %lt3A_1295 : i32
      %lt3A_1297 = arith.constant 0 : i32
      %lt3A_1298 = arith.cmpi slt, %select_n3A_1291, %lt3A_1297 : i32
      %ne3A_1299 = arith.xori %lt3A_1296, %lt3A_1298 : i1
      %and3A_1300 = arith.andi %ne3A_1299, %ne3A_1294 : i1
      %add3A_1301 = arith.addi %rem3A_1292, %select_n3A_1291 : i32
      %select_n3A_1302 = arith.select %and3A_1300, %add3A_1301, %rem3A_1292 : i32
      %mul3A_1303 = arith.constant 64 : i32
      %mul3A_1304 = arith.muli %select_n3A_1302, %mul3A_1303 : i32
      %add3A_1305 = arith.addi %mul3A_2, %mul3A_1304 : i32
      %dma_wait3A_1306 = arith.constant 0 : i32
      %dma_wait3A_1307 = arith.constant 0 : i32
      %dma_wait3A_1308 = arith.constant 0 : i32
      %dma_wait3A_1309 = tpu.memref_slice %arg6[%dma_wait3A_1306, %dma_wait3A_1307, %dma_wait3A_1308] : memref<10x64x128xf32, #tpu.memory_space<vmem>> -> memref<1x64x128xf32, #tpu.memory_space<vmem>>
      %dma_wait3A_1310 = tpu.memref_squeeze %dma_wait3A_1309 : memref<1x64x128xf32, #tpu.memory_space<vmem>> -> memref<64x128xf32, #tpu.memory_space<vmem>>
      %dma_wait3A_1311 = arith.constant 0 : i32
      %dma_wait3A_1312 = tpu.memref_slice %arg4[%select_n3A_1286, %add3A_1305, %dma_wait3A_1311] : memref<50x4096x128xf32, #tpu.memory_space<hbm>> -> memref<1x64x128xf32, #tpu.memory_space<hbm>>
      %dma_wait3A_1313 = tpu.memref_squeeze %dma_wait3A_1312 : memref<1x64x128xf32, #tpu.memory_space<hbm>> -> memref<64x128xf32, #tpu.memory_space<hbm>>
      %dma_wait3A_1314 = arith.constant 0 : i32
      %dma_wait3A_1315 = tpu.memref_slice %arg4[%select_n3A_1286, %add3A_1305, %dma_wait3A_1314] : memref<50x4096x128xf32, #tpu.memory_space<hbm>> -> memref<1x64x128xf32, #tpu.memory_space<hbm>>
      %dma_wait3A_1316 = tpu.memref_squeeze %dma_wait3A_1315 : memref<1x64x128xf32, #tpu.memory_space<hbm>> -> memref<64x128xf32, #tpu.memory_space<hbm>>
      %dma_wait3A_1317 = arith.constant 0 : i32
      %dma_wait3A_1318 = arith.constant 0 : i32
      %dma_wait3A_1319 = tpu.memref_slice %arg6[%dma_wait3A_1306, %dma_wait3A_1317, %dma_wait3A_1318] : memref<10x64x128xf32, #tpu.memory_space<vmem>> -> memref<1x64x128xf32, #tpu.memory_space<vmem>>
      %dma_wait3A_1320 = tpu.memref_squeeze %dma_wait3A_1319 : memref<1x64x128xf32, #tpu.memory_space<vmem>> -> memref<64x128xf32, #tpu.memory_space<vmem>>
      tpu.wait_dma2 semaphore(%arg17 : memref<!tpu.dma_semaphore, #tpu.memory_space<semaphore_mem>>) src(%dma_wait3A_1320 : memref<64x128xf32, #tpu.memory_space<vmem>>) dst(%dma_wait3A_1316 : memref<64x128xf32, #tpu.memory_space<hbm>>)
      %add3A_1321 = arith.constant 1 : i32
      %add3A_1322 = arith.addi %scan3A_128, %add3A_1321 : i32
      %lt3A_1323 = arith.constant 10 : i32
      %lt3A_1324 = arith.cmpi slt, %add3A_1322, %lt3A_1323 : i32
      %convert_element_type3A = arith.extui %lt3A_1324 : i1 to i32
      %cond3A = arith.constant 0 : i32
      %cond3A_1325 = arith.cmpi ne, %convert_element_type3A, %cond3A : i32
      scf.if %cond3A_1325 {
        %add3A_1948 = arith.constant 10 : i32
        %add3A_1949 = arith.addi %add3A_1262, %add3A_1948 : i32
        %jit3A_1950 = arith.constant 2 : i32
        %div3A_1951 = arith.divsi %add3A_1949, %jit3A_1950 : i32
        %sign3A_1952 = arith.constant 0 : i32
        %sign3A_1953 = arith.cmpi sgt, %add3A_1949, %sign3A_1952 : i32
        %sign3A_1954 = arith.extui %sign3A_1953 : i1 to i32
        %sign3A_1955 = arith.constant 0 : i32
        %sign3A_1956 = arith.cmpi slt, %add3A_1949, %sign3A_1955 : i32
        %sign3A_1957 = arith.extui %sign3A_1956 : i1 to i32
        %sign3A_1958 = arith.subi %sign3A_1954, %sign3A_1957 : i32
        %sign3A_1959 = arith.constant 0 : i32
        %sign3A_1960 = arith.cmpi sgt, %jit3A_1950, %sign3A_1959 : i32
        %sign3A_1961 = arith.extui %sign3A_1960 : i1 to i32
        %sign3A_1962 = arith.constant 0 : i32
        %sign3A_1963 = arith.cmpi slt, %jit3A_1950, %sign3A_1962 : i32
        %sign3A_1964 = arith.extui %sign3A_1963 : i1 to i32
        %sign3A_1965 = arith.subi %sign3A_1961, %sign3A_1964 : i32
        %ne3A_1966 = arith.cmpi ne, %sign3A_1958, %sign3A_1965 : i32
        %rem3A_1967 = arith.remsi %add3A_1949, %jit3A_1950 : i32
        %ne3A_1968 = arith.constant 0 : i32
        %ne3A_1969 = arith.cmpi ne, %rem3A_1967, %ne3A_1968 : i32
        %and3A_1970 = arith.andi %ne3A_1966, %ne3A_1969 : i1
        %sub3A_1971 = arith.constant 1 : i32
        %sub3A_1972 = arith.subi %div3A_1951, %sub3A_1971 : i32
        %select_n3A_1973 = arith.select %and3A_1970, %sub3A_1972, %div3A_1951 : i32
        %jit3A_1974 = arith.constant 2 : i32
        %eq3A_1975 = arith.constant 0 : i32
        %eq3A_1976 = arith.cmpi eq, %jit3A_1974, %eq3A_1975 : i32
        %jit3A_1977 = arith.constant 1 : i32
        %select_n3A_1978 = arith.select %eq3A_1976, %jit3A_1977, %jit3A_1974 : i32
        %rem3A_1979 = arith.remsi %add3A_1949, %select_n3A_1978 : i32
        %ne3A_1980 = arith.constant 0 : i32
        %ne3A_1981 = arith.cmpi ne, %rem3A_1979, %ne3A_1980 : i32
        %lt3A_1982 = arith.constant 0 : i32
        %lt3A_1983 = arith.cmpi slt, %rem3A_1979, %lt3A_1982 : i32
        %lt3A_1984 = arith.constant 0 : i32
        %lt3A_1985 = arith.cmpi slt, %select_n3A_1978, %lt3A_1984 : i32
        %ne3A_1986 = arith.xori %lt3A_1983, %lt3A_1985 : i1
        %and3A_1987 = arith.andi %ne3A_1986, %ne3A_1981 : i1
        %add3A_1988 = arith.addi %rem3A_1979, %select_n3A_1978 : i32
        %select_n3A_1989 = arith.select %and3A_1987, %add3A_1988, %rem3A_1979 : i32
        %mul3A_1990 = arith.constant 64 : i32
        %mul3A_1991 = arith.muli %select_n3A_1989, %mul3A_1990 : i32
        %dma_start3A_1992 = arith.constant 0 : i32
        %dma_start3A_1993 = arith.constant 0 : i32
        %dma_start3A_1994 = arith.constant 0 : i32
        %dma_start3A_1995 = tpu.memref_slice %arg6[%dma_start3A_1992, %dma_start3A_1993, %dma_start3A_1994] : memref<10x64x128xf32, #tpu.memory_space<vmem>> -> memref<1x64x128xf32, #tpu.memory_space<vmem>>
        %dma_start3A_1996 = tpu.memref_squeeze %dma_start3A_1995 : memref<1x64x128xf32, #tpu.memory_space<vmem>> -> memref<64x128xf32, #tpu.memory_space<vmem>>
        %dma_start3A_1997 = tpu.memref_slice %arg5[%select_n3A_1973, %mul3A_1991] : memref<50x128xi32, #tpu.memory_space<vmem>> -> memref<1x64xi32, #tpu.memory_space<vmem>>
        %dma_start3A_1998 = tpu.memref_squeeze %dma_start3A_1997 : memref<1x64xi32, #tpu.memory_space<vmem>> -> memref<64xi32, #tpu.memory_space<vmem>>
        %dma_start3A_1999 = arith.constant 0 : i32
        %dma_start3A_2000 = arith.constant 0 : i32
        %dma_start3A_2001 = tpu.memref_slice %arg3[%dma_start3A_1999, %dma_start3A_2000] : memref<100000x128xf32, #tpu.memory_space<hbm>> -> memref<100000x128xf32, #tpu.memory_space<hbm>>
        tpu.enqueue_indirect_dma source(%dma_start3A_2001 : memref<100000x128xf32, #tpu.memory_space<hbm>>) target(%dma_start3A_1996 : memref<64x128xf32, #tpu.memory_space<vmem>>) offsets(%dma_start3A_1998 : memref<64xi32, #tpu.memory_space<vmem>>) semaphore(%arg7 : memref<!tpu.dma_semaphore, #tpu.memory_space<semaphore_mem>>)
      } else {
      }
      %mul3A_1326 = arith.constant 10 : i32
      %mul3A_1327 = arith.muli %scan3A_128, %mul3A_1326 : i32
      %add3A_1328 = arith.constant 1 : i32
      %add3A_1329 = arith.addi %mul3A_1327, %add3A_1328 : i32
      %jit3A_1330 = arith.constant 2 : i32
      %div3A_1331 = arith.divsi %add3A_1329, %jit3A_1330 : i32
      %sign3A_1332 = arith.constant 0 : i32
      %sign3A_1333 = arith.cmpi sgt, %add3A_1329, %sign3A_1332 : i32
      %sign3A_1334 = arith.extui %sign3A_1333 : i1 to i32
      %sign3A_1335 = arith.constant 0 : i32
      %sign3A_1336 = arith.cmpi slt, %add3A_1329, %sign3A_1335 : i32
      %sign3A_1337 = arith.extui %sign3A_1336 : i1 to i32
      %sign3A_1338 = arith.subi %sign3A_1334, %sign3A_1337 : i32
      %sign3A_1339 = arith.constant 0 : i32
      %sign3A_1340 = arith.cmpi sgt, %jit3A_1330, %sign3A_1339 : i32
      %sign3A_1341 = arith.extui %sign3A_1340 : i1 to i32
      %sign3A_1342 = arith.constant 0 : i32
      %sign3A_1343 = arith.cmpi slt, %jit3A_1330, %sign3A_1342 : i32
      %sign3A_1344 = arith.extui %sign3A_1343 : i1 to i32
      %sign3A_1345 = arith.subi %sign3A_1341, %sign3A_1344 : i32
      %ne3A_1346 = arith.cmpi ne, %sign3A_1338, %sign3A_1345 : i32
      %rem3A_1347 = arith.remsi %add3A_1329, %jit3A_1330 : i32
      %ne3A_1348 = arith.constant 0 : i32
      %ne3A_1349 = arith.cmpi ne, %rem3A_1347, %ne3A_1348 : i32
      %and3A_1350 = arith.andi %ne3A_1346, %ne3A_1349 : i1
      %sub3A_1351 = arith.constant 1 : i32
      %sub3A_1352 = arith.subi %div3A_1331, %sub3A_1351 : i32
      %select_n3A_1353 = arith.select %and3A_1350, %sub3A_1352, %div3A_1331 : i32
      %jit3A_1354 = arith.constant 2 : i32
      %eq3A_1355 = arith.constant 0 : i32
      %eq3A_1356 = arith.cmpi eq, %jit3A_1354, %eq3A_1355 : i32
      %jit3A_1357 = arith.constant 1 : i32
      %select_n3A_1358 = arith.select %eq3A_1356, %jit3A_1357, %jit3A_1354 : i32
      %rem3A_1359 = arith.remsi %add3A_1329, %select_n3A_1358 : i32
      %ne3A_1360 = arith.constant 0 : i32
      %ne3A_1361 = arith.cmpi ne, %rem3A_1359, %ne3A_1360 : i32
      %lt3A_1362 = arith.constant 0 : i32
      %lt3A_1363 = arith.cmpi slt, %rem3A_1359, %lt3A_1362 : i32
      %lt3A_1364 = arith.constant 0 : i32
      %lt3A_1365 = arith.cmpi slt, %select_n3A_1358, %lt3A_1364 : i32
      %ne3A_1366 = arith.xori %lt3A_1363, %lt3A_1365 : i1
      %and3A_1367 = arith.andi %ne3A_1366, %ne3A_1361 : i1
      %add3A_1368 = arith.addi %rem3A_1359, %select_n3A_1358 : i32
      %select_n3A_1369 = arith.select %and3A_1367, %add3A_1368, %rem3A_1359 : i32
      %mul3A_1370 = arith.constant 64 : i32
      %mul3A_1371 = arith.muli %select_n3A_1369, %mul3A_1370 : i32
      %add3A_1372 = arith.addi %mul3A_2, %mul3A_1371 : i32
      %dma_wait3A_1373 = arith.constant 1 : i32
      %dma_wait3A_1374 = arith.constant 0 : i32
      %dma_wait3A_1375 = arith.constant 0 : i32
      %dma_wait3A_1376 = tpu.memref_slice %arg6[%dma_wait3A_1373, %dma_wait3A_1374, %dma_wait3A_1375] : memref<10x64x128xf32, #tpu.memory_space<vmem>> -> memref<1x64x128xf32, #tpu.memory_space<vmem>>
      %dma_wait3A_1377 = tpu.memref_squeeze %dma_wait3A_1376 : memref<1x64x128xf32, #tpu.memory_space<vmem>> -> memref<64x128xf32, #tpu.memory_space<vmem>>
      %dma_wait3A_1378 = arith.constant 0 : i32
      %dma_wait3A_1379 = tpu.memref_slice %arg4[%select_n3A_1353, %add3A_1372, %dma_wait3A_1378] : memref<50x4096x128xf32, #tpu.memory_space<hbm>> -> memref<1x64x128xf32, #tpu.memory_space<hbm>>
      %dma_wait3A_1380 = tpu.memref_squeeze %dma_wait3A_1379 : memref<1x64x128xf32, #tpu.memory_space<hbm>> -> memref<64x128xf32, #tpu.memory_space<hbm>>
      %dma_wait3A_1381 = arith.constant 0 : i32
      %dma_wait3A_1382 = tpu.memref_slice %arg4[%select_n3A_1353, %add3A_1372, %dma_wait3A_1381] : memref<50x4096x128xf32, #tpu.memory_space<hbm>> -> memref<1x64x128xf32, #tpu.memory_space<hbm>>
      %dma_wait3A_1383 = tpu.memref_squeeze %dma_wait3A_1382 : memref<1x64x128xf32, #tpu.memory_space<hbm>> -> memref<64x128xf32, #tpu.memory_space<hbm>>
      %dma_wait3A_1384 = arith.constant 0 : i32
      %dma_wait3A_1385 = arith.constant 0 : i32
      %dma_wait3A_1386 = tpu.memref_slice %arg6[%dma_wait3A_1373, %dma_wait3A_1384, %dma_wait3A_1385] : memref<10x64x128xf32, #tpu.memory_space<vmem>> -> memref<1x64x128xf32, #tpu.memory_space<vmem>>
      %dma_wait3A_1387 = tpu.memref_squeeze %dma_wait3A_1386 : memref<1x64x128xf32, #tpu.memory_space<vmem>> -> memref<64x128xf32, #tpu.memory_space<vmem>>
      tpu.wait_dma2 semaphore(%arg18 : memref<!tpu.dma_semaphore, #tpu.memory_space<semaphore_mem>>) src(%dma_wait3A_1387 : memref<64x128xf32, #tpu.memory_space<vmem>>) dst(%dma_wait3A_1383 : memref<64x128xf32, #tpu.memory_space<hbm>>)
      %add3A_1388 = arith.constant 1 : i32
      %add3A_1389 = arith.addi %scan3A_128, %add3A_1388 : i32
      %lt3A_1390 = arith.constant 10 : i32
      %lt3A_1391 = arith.cmpi slt, %add3A_1389, %lt3A_1390 : i32
      %convert_element_type3A_1392 = arith.extui %lt3A_1391 : i1 to i32
      %cond3A_1393 = arith.constant 0 : i32
      %cond3A_1394 = arith.cmpi ne, %convert_element_type3A_1392, %cond3A_1393 : i32
      scf.if %cond3A_1394 {
        %add3A_1948 = arith.constant 10 : i32
        %add3A_1949 = arith.addi %add3A_1329, %add3A_1948 : i32
        %jit3A_1950 = arith.constant 2 : i32
        %div3A_1951 = arith.divsi %add3A_1949, %jit3A_1950 : i32
        %sign3A_1952 = arith.constant 0 : i32
        %sign3A_1953 = arith.cmpi sgt, %add3A_1949, %sign3A_1952 : i32
        %sign3A_1954 = arith.extui %sign3A_1953 : i1 to i32
        %sign3A_1955 = arith.constant 0 : i32
        %sign3A_1956 = arith.cmpi slt, %add3A_1949, %sign3A_1955 : i32
        %sign3A_1957 = arith.extui %sign3A_1956 : i1 to i32
        %sign3A_1958 = arith.subi %sign3A_1954, %sign3A_1957 : i32
        %sign3A_1959 = arith.constant 0 : i32
        %sign3A_1960 = arith.cmpi sgt, %jit3A_1950, %sign3A_1959 : i32
        %sign3A_1961 = arith.extui %sign3A_1960 : i1 to i32
        %sign3A_1962 = arith.constant 0 : i32
        %sign3A_1963 = arith.cmpi slt, %jit3A_1950, %sign3A_1962 : i32
        %sign3A_1964 = arith.extui %sign3A_1963 : i1 to i32
        %sign3A_1965 = arith.subi %sign3A_1961, %sign3A_1964 : i32
        %ne3A_1966 = arith.cmpi ne, %sign3A_1958, %sign3A_1965 : i32
        %rem3A_1967 = arith.remsi %add3A_1949, %jit3A_1950 : i32
        %ne3A_1968 = arith.constant 0 : i32
        %ne3A_1969 = arith.cmpi ne, %rem3A_1967, %ne3A_1968 : i32
        %and3A_1970 = arith.andi %ne3A_1966, %ne3A_1969 : i1
        %sub3A_1971 = arith.constant 1 : i32
        %sub3A_1972 = arith.subi %div3A_1951, %sub3A_1971 : i32
        %select_n3A_1973 = arith.select %and3A_1970, %sub3A_1972, %div3A_1951 : i32
        %jit3A_1974 = arith.constant 2 : i32
        %eq3A_1975 = arith.constant 0 : i32
        %eq3A_1976 = arith.cmpi eq, %jit3A_1974, %eq3A_1975 : i32
        %jit3A_1977 = arith.constant 1 : i32
        %select_n3A_1978 = arith.select %eq3A_1976, %jit3A_1977, %jit3A_1974 : i32
        %rem3A_1979 = arith.remsi %add3A_1949, %select_n3A_1978 : i32
        %ne3A_1980 = arith.constant 0 : i32
        %ne3A_1981 = arith.cmpi ne, %rem3A_1979, %ne3A_1980 : i32
        %lt3A_1982 = arith.constant 0 : i32
        %lt3A_1983 = arith.cmpi slt, %rem3A_1979, %lt3A_1982 : i32
        %lt3A_1984 = arith.constant 0 : i32
        %lt3A_1985 = arith.cmpi slt, %select_n3A_1978, %lt3A_1984 : i32
        %ne3A_1986 = arith.xori %lt3A_1983, %lt3A_1985 : i1
        %and3A_1987 = arith.andi %ne3A_1986, %ne3A_1981 : i1
        %add3A_1988 = arith.addi %rem3A_1979, %select_n3A_1978 : i32
        %select_n3A_1989 = arith.select %and3A_1987, %add3A_1988, %rem3A_1979 : i32
        %mul3A_1990 = arith.constant 64 : i32
        %mul3A_1991 = arith.muli %select_n3A_1989, %mul3A_1990 : i32
        %dma_start3A_1992 = arith.constant 1 : i32
        %dma_start3A_1993 = arith.constant 0 : i32
        %dma_start3A_1994 = arith.constant 0 : i32
        %dma_start3A_1995 = tpu.memref_slice %arg6[%dma_start3A_1992, %dma_start3A_1993, %dma_start3A_1994] : memref<10x64x128xf32, #tpu.memory_space<vmem>> -> memref<1x64x128xf32, #tpu.memory_space<vmem>>
        %dma_start3A_1996 = tpu.memref_squeeze %dma_start3A_1995 : memref<1x64x128xf32, #tpu.memory_space<vmem>> -> memref<64x128xf32, #tpu.memory_space<vmem>>
        %dma_start3A_1997 = tpu.memref_slice %arg5[%select_n3A_1973, %mul3A_1991] : memref<50x128xi32, #tpu.memory_space<vmem>> -> memref<1x64xi32, #tpu.memory_space<vmem>>
        %dma_start3A_1998 = tpu.memref_squeeze %dma_start3A_1997 : memref<1x64xi32, #tpu.memory_space<vmem>> -> memref<64xi32, #tpu.memory_space<vmem>>
        %dma_start3A_1999 = arith.constant 0 : i32
        %dma_start3A_2000 = arith.constant 0 : i32
        %dma_start3A_2001 = tpu.memref_slice %arg3[%dma_start3A_1999, %dma_start3A_2000] : memref<100000x128xf32, #tpu.memory_space<hbm>> -> memref<100000x128xf32, #tpu.memory_space<hbm>>
        tpu.enqueue_indirect_dma source(%dma_start3A_2001 : memref<100000x128xf32, #tpu.memory_space<hbm>>) target(%dma_start3A_1996 : memref<64x128xf32, #tpu.memory_space<vmem>>) offsets(%dma_start3A_1998 : memref<64xi32, #tpu.memory_space<vmem>>) semaphore(%arg8 : memref<!tpu.dma_semaphore, #tpu.memory_space<semaphore_mem>>)
      } else {
      }
      %mul3A_1395 = arith.constant 10 : i32
      %mul3A_1396 = arith.muli %scan3A_128, %mul3A_1395 : i32
      %add3A_1397 = arith.constant 2 : i32
      %add3A_1398 = arith.addi %mul3A_1396, %add3A_1397 : i32
      %jit3A_1399 = arith.constant 2 : i32
      %div3A_1400 = arith.divsi %add3A_1398, %jit3A_1399 : i32
      %sign3A_1401 = arith.constant 0 : i32
      %sign3A_1402 = arith.cmpi sgt, %add3A_1398, %sign3A_1401 : i32
      %sign3A_1403 = arith.extui %sign3A_1402 : i1 to i32
      %sign3A_1404 = arith.constant 0 : i32
      %sign3A_1405 = arith.cmpi slt, %add3A_1398, %sign3A_1404 : i32
      %sign3A_1406 = arith.extui %sign3A_1405 : i1 to i32
      %sign3A_1407 = arith.subi %sign3A_1403, %sign3A_1406 : i32
      %sign3A_1408 = arith.constant 0 : i32
      %sign3A_1409 = arith.cmpi sgt, %jit3A_1399, %sign3A_1408 : i32
      %sign3A_1410 = arith.extui %sign3A_1409 : i1 to i32
      %sign3A_1411 = arith.constant 0 : i32
      %sign3A_1412 = arith.cmpi slt, %jit3A_1399, %sign3A_1411 : i32
      %sign3A_1413 = arith.extui %sign3A_1412 : i1 to i32
      %sign3A_1414 = arith.subi %sign3A_1410, %sign3A_1413 : i32
      %ne3A_1415 = arith.cmpi ne, %sign3A_1407, %sign3A_1414 : i32
      %rem3A_1416 = arith.remsi %add3A_1398, %jit3A_1399 : i32
      %ne3A_1417 = arith.constant 0 : i32
      %ne3A_1418 = arith.cmpi ne, %rem3A_1416, %ne3A_1417 : i32
      %and3A_1419 = arith.andi %ne3A_1415, %ne3A_1418 : i1
      %sub3A_1420 = arith.constant 1 : i32
      %sub3A_1421 = arith.subi %div3A_1400, %sub3A_1420 : i32
      %select_n3A_1422 = arith.select %and3A_1419, %sub3A_1421, %div3A_1400 : i32
      %jit3A_1423 = arith.constant 2 : i32
      %eq3A_1424 = arith.constant 0 : i32
      %eq3A_1425 = arith.cmpi eq, %jit3A_1423, %eq3A_1424 : i32
      %jit3A_1426 = arith.constant 1 : i32
      %select_n3A_1427 = arith.select %eq3A_1425, %jit3A_1426, %jit3A_1423 : i32
      %rem3A_1428 = arith.remsi %add3A_1398, %select_n3A_1427 : i32
      %ne3A_1429 = arith.constant 0 : i32
      %ne3A_1430 = arith.cmpi ne, %rem3A_1428, %ne3A_1429 : i32
      %lt3A_1431 = arith.constant 0 : i32
      %lt3A_1432 = arith.cmpi slt, %rem3A_1428, %lt3A_1431 : i32
      %lt3A_1433 = arith.constant 0 : i32
      %lt3A_1434 = arith.cmpi slt, %select_n3A_1427, %lt3A_1433 : i32
      %ne3A_1435 = arith.xori %lt3A_1432, %lt3A_1434 : i1
      %and3A_1436 = arith.andi %ne3A_1435, %ne3A_1430 : i1
      %add3A_1437 = arith.addi %rem3A_1428, %select_n3A_1427 : i32
      %select_n3A_1438 = arith.select %and3A_1436, %add3A_1437, %rem3A_1428 : i32
      %mul3A_1439 = arith.constant 64 : i32
      %mul3A_1440 = arith.muli %select_n3A_1438, %mul3A_1439 : i32
      %add3A_1441 = arith.addi %mul3A_2, %mul3A_1440 : i32
      %dma_wait3A_1442 = arith.constant 2 : i32
      %dma_wait3A_1443 = arith.constant 0 : i32
      %dma_wait3A_1444 = arith.constant 0 : i32
      %dma_wait3A_1445 = tpu.memref_slice %arg6[%dma_wait3A_1442, %dma_wait3A_1443, %dma_wait3A_1444] : memref<10x64x128xf32, #tpu.memory_space<vmem>> -> memref<1x64x128xf32, #tpu.memory_space<vmem>>
      %dma_wait3A_1446 = tpu.memref_squeeze %dma_wait3A_1445 : memref<1x64x128xf32, #tpu.memory_space<vmem>> -> memref<64x128xf32, #tpu.memory_space<vmem>>
      %dma_wait3A_1447 = arith.constant 0 : i32
      %dma_wait3A_1448 = tpu.memref_slice %arg4[%select_n3A_1422, %add3A_1441, %dma_wait3A_1447] : memref<50x4096x128xf32, #tpu.memory_space<hbm>> -> memref<1x64x128xf32, #tpu.memory_space<hbm>>
      %dma_wait3A_1449 = tpu.memref_squeeze %dma_wait3A_1448 : memref<1x64x128xf32, #tpu.memory_space<hbm>> -> memref<64x128xf32, #tpu.memory_space<hbm>>
      %dma_wait3A_1450 = arith.constant 0 : i32
      %dma_wait3A_1451 = tpu.memref_slice %arg4[%select_n3A_1422, %add3A_1441, %dma_wait3A_1450] : memref<50x4096x128xf32, #tpu.memory_space<hbm>> -> memref<1x64x128xf32, #tpu.memory_space<hbm>>
      %dma_wait3A_1452 = tpu.memref_squeeze %dma_wait3A_1451 : memref<1x64x128xf32, #tpu.memory_space<hbm>> -> memref<64x128xf32, #tpu.memory_space<hbm>>
      %dma_wait3A_1453 = arith.constant 0 : i32
      %dma_wait3A_1454 = arith.constant 0 : i32
      %dma_wait3A_1455 = tpu.memref_slice %arg6[%dma_wait3A_1442, %dma_wait3A_1453, %dma_wait3A_1454] : memref<10x64x128xf32, #tpu.memory_space<vmem>> -> memref<1x64x128xf32, #tpu.memory_space<vmem>>
      %dma_wait3A_1456 = tpu.memref_squeeze %dma_wait3A_1455 : memref<1x64x128xf32, #tpu.memory_space<vmem>> -> memref<64x128xf32, #tpu.memory_space<vmem>>
      tpu.wait_dma2 semaphore(%arg19 : memref<!tpu.dma_semaphore, #tpu.memory_space<semaphore_mem>>) src(%dma_wait3A_1456 : memref<64x128xf32, #tpu.memory_space<vmem>>) dst(%dma_wait3A_1452 : memref<64x128xf32, #tpu.memory_space<hbm>>)
      %add3A_1457 = arith.constant 1 : i32
      %add3A_1458 = arith.addi %scan3A_128, %add3A_1457 : i32
      %lt3A_1459 = arith.constant 10 : i32
      %lt3A_1460 = arith.cmpi slt, %add3A_1458, %lt3A_1459 : i32
      %convert_element_type3A_1461 = arith.extui %lt3A_1460 : i1 to i32
      %cond3A_1462 = arith.constant 0 : i32
      %cond3A_1463 = arith.cmpi ne, %convert_element_type3A_1461, %cond3A_1462 : i32
      scf.if %cond3A_1463 {
        %add3A_1948 = arith.constant 10 : i32
        %add3A_1949 = arith.addi %add3A_1398, %add3A_1948 : i32
        %jit3A_1950 = arith.constant 2 : i32
        %div3A_1951 = arith.divsi %add3A_1949, %jit3A_1950 : i32
        %sign3A_1952 = arith.constant 0 : i32
        %sign3A_1953 = arith.cmpi sgt, %add3A_1949, %sign3A_1952 : i32
        %sign3A_1954 = arith.extui %sign3A_1953 : i1 to i32
        %sign3A_1955 = arith.constant 0 : i32
        %sign3A_1956 = arith.cmpi slt, %add3A_1949, %sign3A_1955 : i32
        %sign3A_1957 = arith.extui %sign3A_1956 : i1 to i32
        %sign3A_1958 = arith.subi %sign3A_1954, %sign3A_1957 : i32
        %sign3A_1959 = arith.constant 0 : i32
        %sign3A_1960 = arith.cmpi sgt, %jit3A_1950, %sign3A_1959 : i32
        %sign3A_1961 = arith.extui %sign3A_1960 : i1 to i32
        %sign3A_1962 = arith.constant 0 : i32
        %sign3A_1963 = arith.cmpi slt, %jit3A_1950, %sign3A_1962 : i32
        %sign3A_1964 = arith.extui %sign3A_1963 : i1 to i32
        %sign3A_1965 = arith.subi %sign3A_1961, %sign3A_1964 : i32
        %ne3A_1966 = arith.cmpi ne, %sign3A_1958, %sign3A_1965 : i32
        %rem3A_1967 = arith.remsi %add3A_1949, %jit3A_1950 : i32
        %ne3A_1968 = arith.constant 0 : i32
        %ne3A_1969 = arith.cmpi ne, %rem3A_1967, %ne3A_1968 : i32
        %and3A_1970 = arith.andi %ne3A_1966, %ne3A_1969 : i1
        %sub3A_1971 = arith.constant 1 : i32
        %sub3A_1972 = arith.subi %div3A_1951, %sub3A_1971 : i32
        %select_n3A_1973 = arith.select %and3A_1970, %sub3A_1972, %div3A_1951 : i32
        %jit3A_1974 = arith.constant 2 : i32
        %eq3A_1975 = arith.constant 0 : i32
        %eq3A_1976 = arith.cmpi eq, %jit3A_1974, %eq3A_1975 : i32
        %jit3A_1977 = arith.constant 1 : i32
        %select_n3A_1978 = arith.select %eq3A_1976, %jit3A_1977, %jit3A_1974 : i32
        %rem3A_1979 = arith.remsi %add3A_1949, %select_n3A_1978 : i32
        %ne3A_1980 = arith.constant 0 : i32
        %ne3A_1981 = arith.cmpi ne, %rem3A_1979, %ne3A_1980 : i32
        %lt3A_1982 = arith.constant 0 : i32
        %lt3A_1983 = arith.cmpi slt, %rem3A_1979, %lt3A_1982 : i32
        %lt3A_1984 = arith.constant 0 : i32
        %lt3A_1985 = arith.cmpi slt, %select_n3A_1978, %lt3A_1984 : i32
        %ne3A_1986 = arith.xori %lt3A_1983, %lt3A_1985 : i1
        %and3A_1987 = arith.andi %ne3A_1986, %ne3A_1981 : i1
        %add3A_1988 = arith.addi %rem3A_1979, %select_n3A_1978 : i32
        %select_n3A_1989 = arith.select %and3A_1987, %add3A_1988, %rem3A_1979 : i32
        %mul3A_1990 = arith.constant 64 : i32
        %mul3A_1991 = arith.muli %select_n3A_1989, %mul3A_1990 : i32
        %dma_start3A_1992 = arith.constant 2 : i32
        %dma_start3A_1993 = arith.constant 0 : i32
        %dma_start3A_1994 = arith.constant 0 : i32
        %dma_start3A_1995 = tpu.memref_slice %arg6[%dma_start3A_1992, %dma_start3A_1993, %dma_start3A_1994] : memref<10x64x128xf32, #tpu.memory_space<vmem>> -> memref<1x64x128xf32, #tpu.memory_space<vmem>>
        %dma_start3A_1996 = tpu.memref_squeeze %dma_start3A_1995 : memref<1x64x128xf32, #tpu.memory_space<vmem>> -> memref<64x128xf32, #tpu.memory_space<vmem>>
        %dma_start3A_1997 = tpu.memref_slice %arg5[%select_n3A_1973, %mul3A_1991] : memref<50x128xi32, #tpu.memory_space<vmem>> -> memref<1x64xi32, #tpu.memory_space<vmem>>
        %dma_start3A_1998 = tpu.memref_squeeze %dma_start3A_1997 : memref<1x64xi32, #tpu.memory_space<vmem>> -> memref<64xi32, #tpu.memory_space<vmem>>
        %dma_start3A_1999 = arith.constant 0 : i32
        %dma_start3A_2000 = arith.constant 0 : i32
        %dma_start3A_2001 = tpu.memref_slice %arg3[%dma_start3A_1999, %dma_start3A_2000] : memref<100000x128xf32, #tpu.memory_space<hbm>> -> memref<100000x128xf32, #tpu.memory_space<hbm>>
        tpu.enqueue_indirect_dma source(%dma_start3A_2001 : memref<100000x128xf32, #tpu.memory_space<hbm>>) target(%dma_start3A_1996 : memref<64x128xf32, #tpu.memory_space<vmem>>) offsets(%dma_start3A_1998 : memref<64xi32, #tpu.memory_space<vmem>>) semaphore(%arg9 : memref<!tpu.dma_semaphore, #tpu.memory_space<semaphore_mem>>)
      } else {
      }
      %mul3A_1464 = arith.constant 10 : i32
      %mul3A_1465 = arith.muli %scan3A_128, %mul3A_1464 : i32
      %add3A_1466 = arith.constant 3 : i32
      %add3A_1467 = arith.addi %mul3A_1465, %add3A_1466 : i32
      %jit3A_1468 = arith.constant 2 : i32
      %div3A_1469 = arith.divsi %add3A_1467, %jit3A_1468 : i32
      %sign3A_1470 = arith.constant 0 : i32
      %sign3A_1471 = arith.cmpi sgt, %add3A_1467, %sign3A_1470 : i32
      %sign3A_1472 = arith.extui %sign3A_1471 : i1 to i32
      %sign3A_1473 = arith.constant 0 : i32
      %sign3A_1474 = arith.cmpi slt, %add3A_1467, %sign3A_1473 : i32
      %sign3A_1475 = arith.extui %sign3A_1474 : i1 to i32
      %sign3A_1476 = arith.subi %sign3A_1472, %sign3A_1475 : i32
      %sign3A_1477 = arith.constant 0 : i32
      %sign3A_1478 = arith.cmpi sgt, %jit3A_1468, %sign3A_1477 : i32
      %sign3A_1479 = arith.extui %sign3A_1478 : i1 to i32
      %sign3A_1480 = arith.constant 0 : i32
      %sign3A_1481 = arith.cmpi slt, %jit3A_1468, %sign3A_1480 : i32
      %sign3A_1482 = arith.extui %sign3A_1481 : i1 to i32
      %sign3A_1483 = arith.subi %sign3A_1479, %sign3A_1482 : i32
      %ne3A_1484 = arith.cmpi ne, %sign3A_1476, %sign3A_1483 : i32
      %rem3A_1485 = arith.remsi %add3A_1467, %jit3A_1468 : i32
      %ne3A_1486 = arith.constant 0 : i32
      %ne3A_1487 = arith.cmpi ne, %rem3A_1485, %ne3A_1486 : i32
      %and3A_1488 = arith.andi %ne3A_1484, %ne3A_1487 : i1
      %sub3A_1489 = arith.constant 1 : i32
      %sub3A_1490 = arith.subi %div3A_1469, %sub3A_1489 : i32
      %select_n3A_1491 = arith.select %and3A_1488, %sub3A_1490, %div3A_1469 : i32
      %jit3A_1492 = arith.constant 2 : i32
      %eq3A_1493 = arith.constant 0 : i32
      %eq3A_1494 = arith.cmpi eq, %jit3A_1492, %eq3A_1493 : i32
      %jit3A_1495 = arith.constant 1 : i32
      %select_n3A_1496 = arith.select %eq3A_1494, %jit3A_1495, %jit3A_1492 : i32
      %rem3A_1497 = arith.remsi %add3A_1467, %select_n3A_1496 : i32
      %ne3A_1498 = arith.constant 0 : i32
      %ne3A_1499 = arith.cmpi ne, %rem3A_1497, %ne3A_1498 : i32
      %lt3A_1500 = arith.constant 0 : i32
      %lt3A_1501 = arith.cmpi slt, %rem3A_1497, %lt3A_1500 : i32
      %lt3A_1502 = arith.constant 0 : i32
      %lt3A_1503 = arith.cmpi slt, %select_n3A_1496, %lt3A_1502 : i32
      %ne3A_1504 = arith.xori %lt3A_1501, %lt3A_1503 : i1
      %and3A_1505 = arith.andi %ne3A_1504, %ne3A_1499 : i1
      %add3A_1506 = arith.addi %rem3A_1497, %select_n3A_1496 : i32
      %select_n3A_1507 = arith.select %and3A_1505, %add3A_1506, %rem3A_1497 : i32
      %mul3A_1508 = arith.constant 64 : i32
      %mul3A_1509 = arith.muli %select_n3A_1507, %mul3A_1508 : i32
      %add3A_1510 = arith.addi %mul3A_2, %mul3A_1509 : i32
      %dma_wait3A_1511 = arith.constant 3 : i32
      %dma_wait3A_1512 = arith.constant 0 : i32
      %dma_wait3A_1513 = arith.constant 0 : i32
      %dma_wait3A_1514 = tpu.memref_slice %arg6[%dma_wait3A_1511, %dma_wait3A_1512, %dma_wait3A_1513] : memref<10x64x128xf32, #tpu.memory_space<vmem>> -> memref<1x64x128xf32, #tpu.memory_space<vmem>>
      %dma_wait3A_1515 = tpu.memref_squeeze %dma_wait3A_1514 : memref<1x64x128xf32, #tpu.memory_space<vmem>> -> memref<64x128xf32, #tpu.memory_space<vmem>>
      %dma_wait3A_1516 = arith.constant 0 : i32
      %dma_wait3A_1517 = tpu.memref_slice %arg4[%select_n3A_1491, %add3A_1510, %dma_wait3A_1516] : memref<50x4096x128xf32, #tpu.memory_space<hbm>> -> memref<1x64x128xf32, #tpu.memory_space<hbm>>
      %dma_wait3A_1518 = tpu.memref_squeeze %dma_wait3A_1517 : memref<1x64x128xf32, #tpu.memory_space<hbm>> -> memref<64x128xf32, #tpu.memory_space<hbm>>
      %dma_wait3A_1519 = arith.constant 0 : i32
      %dma_wait3A_1520 = tpu.memref_slice %arg4[%select_n3A_1491, %add3A_1510, %dma_wait3A_1519] : memref<50x4096x128xf32, #tpu.memory_space<hbm>> -> memref<1x64x128xf32, #tpu.memory_space<hbm>>
      %dma_wait3A_1521 = tpu.memref_squeeze %dma_wait3A_1520 : memref<1x64x128xf32, #tpu.memory_space<hbm>> -> memref<64x128xf32, #tpu.memory_space<hbm>>
      %dma_wait3A_1522 = arith.constant 0 : i32
      %dma_wait3A_1523 = arith.constant 0 : i32
      %dma_wait3A_1524 = tpu.memref_slice %arg6[%dma_wait3A_1511, %dma_wait3A_1522, %dma_wait3A_1523] : memref<10x64x128xf32, #tpu.memory_space<vmem>> -> memref<1x64x128xf32, #tpu.memory_space<vmem>>
      %dma_wait3A_1525 = tpu.memref_squeeze %dma_wait3A_1524 : memref<1x64x128xf32, #tpu.memory_space<vmem>> -> memref<64x128xf32, #tpu.memory_space<vmem>>
      tpu.wait_dma2 semaphore(%arg20 : memref<!tpu.dma_semaphore, #tpu.memory_space<semaphore_mem>>) src(%dma_wait3A_1525 : memref<64x128xf32, #tpu.memory_space<vmem>>) dst(%dma_wait3A_1521 : memref<64x128xf32, #tpu.memory_space<hbm>>)
      %add3A_1526 = arith.constant 1 : i32
      %add3A_1527 = arith.addi %scan3A_128, %add3A_1526 : i32
      %lt3A_1528 = arith.constant 10 : i32
      %lt3A_1529 = arith.cmpi slt, %add3A_1527, %lt3A_1528 : i32
      %convert_element_type3A_1530 = arith.extui %lt3A_1529 : i1 to i32
      %cond3A_1531 = arith.constant 0 : i32
      %cond3A_1532 = arith.cmpi ne, %convert_element_type3A_1530, %cond3A_1531 : i32
      scf.if %cond3A_1532 {
        %add3A_1948 = arith.constant 10 : i32
        %add3A_1949 = arith.addi %add3A_1467, %add3A_1948 : i32
        %jit3A_1950 = arith.constant 2 : i32
        %div3A_1951 = arith.divsi %add3A_1949, %jit3A_1950 : i32
        %sign3A_1952 = arith.constant 0 : i32
        %sign3A_1953 = arith.cmpi sgt, %add3A_1949, %sign3A_1952 : i32
        %sign3A_1954 = arith.extui %sign3A_1953 : i1 to i32
        %sign3A_1955 = arith.constant 0 : i32
        %sign3A_1956 = arith.cmpi slt, %add3A_1949, %sign3A_1955 : i32
        %sign3A_1957 = arith.extui %sign3A_1956 : i1 to i32
        %sign3A_1958 = arith.subi %sign3A_1954, %sign3A_1957 : i32
        %sign3A_1959 = arith.constant 0 : i32
        %sign3A_1960 = arith.cmpi sgt, %jit3A_1950, %sign3A_1959 : i32
        %sign3A_1961 = arith.extui %sign3A_1960 : i1 to i32
        %sign3A_1962 = arith.constant 0 : i32
        %sign3A_1963 = arith.cmpi slt, %jit3A_1950, %sign3A_1962 : i32
        %sign3A_1964 = arith.extui %sign3A_1963 : i1 to i32
        %sign3A_1965 = arith.subi %sign3A_1961, %sign3A_1964 : i32
        %ne3A_1966 = arith.cmpi ne, %sign3A_1958, %sign3A_1965 : i32
        %rem3A_1967 = arith.remsi %add3A_1949, %jit3A_1950 : i32
        %ne3A_1968 = arith.constant 0 : i32
        %ne3A_1969 = arith.cmpi ne, %rem3A_1967, %ne3A_1968 : i32
        %and3A_1970 = arith.andi %ne3A_1966, %ne3A_1969 : i1
        %sub3A_1971 = arith.constant 1 : i32
        %sub3A_1972 = arith.subi %div3A_1951, %sub3A_1971 : i32
        %select_n3A_1973 = arith.select %and3A_1970, %sub3A_1972, %div3A_1951 : i32
        %jit3A_1974 = arith.constant 2 : i32
        %eq3A_1975 = arith.constant 0 : i32
        %eq3A_1976 = arith.cmpi eq, %jit3A_1974, %eq3A_1975 : i32
        %jit3A_1977 = arith.constant 1 : i32
        %select_n3A_1978 = arith.select %eq3A_1976, %jit3A_1977, %jit3A_1974 : i32
        %rem3A_1979 = arith.remsi %add3A_1949, %select_n3A_1978 : i32
        %ne3A_1980 = arith.constant 0 : i32
        %ne3A_1981 = arith.cmpi ne, %rem3A_1979, %ne3A_1980 : i32
        %lt3A_1982 = arith.constant 0 : i32
        %lt3A_1983 = arith.cmpi slt, %rem3A_1979, %lt3A_1982 : i32
        %lt3A_1984 = arith.constant 0 : i32
        %lt3A_1985 = arith.cmpi slt, %select_n3A_1978, %lt3A_1984 : i32
        %ne3A_1986 = arith.xori %lt3A_1983, %lt3A_1985 : i1
        %and3A_1987 = arith.andi %ne3A_1986, %ne3A_1981 : i1
        %add3A_1988 = arith.addi %rem3A_1979, %select_n3A_1978 : i32
        %select_n3A_1989 = arith.select %and3A_1987, %add3A_1988, %rem3A_1979 : i32
        %mul3A_1990 = arith.constant 64 : i32
        %mul3A_1991 = arith.muli %select_n3A_1989, %mul3A_1990 : i32
        %dma_start3A_1992 = arith.constant 3 : i32
        %dma_start3A_1993 = arith.constant 0 : i32
        %dma_start3A_1994 = arith.constant 0 : i32
        %dma_start3A_1995 = tpu.memref_slice %arg6[%dma_start3A_1992, %dma_start3A_1993, %dma_start3A_1994] : memref<10x64x128xf32, #tpu.memory_space<vmem>> -> memref<1x64x128xf32, #tpu.memory_space<vmem>>
        %dma_start3A_1996 = tpu.memref_squeeze %dma_start3A_1995 : memref<1x64x128xf32, #tpu.memory_space<vmem>> -> memref<64x128xf32, #tpu.memory_space<vmem>>
        %dma_start3A_1997 = tpu.memref_slice %arg5[%select_n3A_1973, %mul3A_1991] : memref<50x128xi32, #tpu.memory_space<vmem>> -> memref<1x64xi32, #tpu.memory_space<vmem>>
        %dma_start3A_1998 = tpu.memref_squeeze %dma_start3A_1997 : memref<1x64xi32, #tpu.memory_space<vmem>> -> memref<64xi32, #tpu.memory_space<vmem>>
        %dma_start3A_1999 = arith.constant 0 : i32
        %dma_start3A_2000 = arith.constant 0 : i32
        %dma_start3A_2001 = tpu.memref_slice %arg3[%dma_start3A_1999, %dma_start3A_2000] : memref<100000x128xf32, #tpu.memory_space<hbm>> -> memref<100000x128xf32, #tpu.memory_space<hbm>>
        tpu.enqueue_indirect_dma source(%dma_start3A_2001 : memref<100000x128xf32, #tpu.memory_space<hbm>>) target(%dma_start3A_1996 : memref<64x128xf32, #tpu.memory_space<vmem>>) offsets(%dma_start3A_1998 : memref<64xi32, #tpu.memory_space<vmem>>) semaphore(%arg10 : memref<!tpu.dma_semaphore, #tpu.memory_space<semaphore_mem>>)
      } else {
      }
      %mul3A_1533 = arith.constant 10 : i32
      %mul3A_1534 = arith.muli %scan3A_128, %mul3A_1533 : i32
      %add3A_1535 = arith.constant 4 : i32
      %add3A_1536 = arith.addi %mul3A_1534, %add3A_1535 : i32
      %jit3A_1537 = arith.constant 2 : i32
      %div3A_1538 = arith.divsi %add3A_1536, %jit3A_1537 : i32
      %sign3A_1539 = arith.constant 0 : i32
      %sign3A_1540 = arith.cmpi sgt, %add3A_1536, %sign3A_1539 : i32
      %sign3A_1541 = arith.extui %sign3A_1540 : i1 to i32
      %sign3A_1542 = arith.constant 0 : i32
      %sign3A_1543 = arith.cmpi slt, %add3A_1536, %sign3A_1542 : i32
      %sign3A_1544 = arith.extui %sign3A_1543 : i1 to i32
      %sign3A_1545 = arith.subi %sign3A_1541, %sign3A_1544 : i32
      %sign3A_1546 = arith.constant 0 : i32
      %sign3A_1547 = arith.cmpi sgt, %jit3A_1537, %sign3A_1546 : i32
      %sign3A_1548 = arith.extui %sign3A_1547 : i1 to i32
      %sign3A_1549 = arith.constant 0 : i32
      %sign3A_1550 = arith.cmpi slt, %jit3A_1537, %sign3A_1549 : i32
      %sign3A_1551 = arith.extui %sign3A_1550 : i1 to i32
      %sign3A_1552 = arith.subi %sign3A_1548, %sign3A_1551 : i32
      %ne3A_1553 = arith.cmpi ne, %sign3A_1545, %sign3A_1552 : i32
      %rem3A_1554 = arith.remsi %add3A_1536, %jit3A_1537 : i32
      %ne3A_1555 = arith.constant 0 : i32
      %ne3A_1556 = arith.cmpi ne, %rem3A_1554, %ne3A_1555 : i32
      %and3A_1557 = arith.andi %ne3A_1553, %ne3A_1556 : i1
      %sub3A_1558 = arith.constant 1 : i32
      %sub3A_1559 = arith.subi %div3A_1538, %sub3A_1558 : i32
      %select_n3A_1560 = arith.select %and3A_1557, %sub3A_1559, %div3A_1538 : i32
      %jit3A_1561 = arith.constant 2 : i32
      %eq3A_1562 = arith.constant 0 : i32
      %eq3A_1563 = arith.cmpi eq, %jit3A_1561, %eq3A_1562 : i32
      %jit3A_1564 = arith.constant 1 : i32
      %select_n3A_1565 = arith.select %eq3A_1563, %jit3A_1564, %jit3A_1561 : i32
      %rem3A_1566 = arith.remsi %add3A_1536, %select_n3A_1565 : i32
      %ne3A_1567 = arith.constant 0 : i32
      %ne3A_1568 = arith.cmpi ne, %rem3A_1566, %ne3A_1567 : i32
      %lt3A_1569 = arith.constant 0 : i32
      %lt3A_1570 = arith.cmpi slt, %rem3A_1566, %lt3A_1569 : i32
      %lt3A_1571 = arith.constant 0 : i32
      %lt3A_1572 = arith.cmpi slt, %select_n3A_1565, %lt3A_1571 : i32
      %ne3A_1573 = arith.xori %lt3A_1570, %lt3A_1572 : i1
      %and3A_1574 = arith.andi %ne3A_1573, %ne3A_1568 : i1
      %add3A_1575 = arith.addi %rem3A_1566, %select_n3A_1565 : i32
      %select_n3A_1576 = arith.select %and3A_1574, %add3A_1575, %rem3A_1566 : i32
      %mul3A_1577 = arith.constant 64 : i32
      %mul3A_1578 = arith.muli %select_n3A_1576, %mul3A_1577 : i32
      %add3A_1579 = arith.addi %mul3A_2, %mul3A_1578 : i32
      %dma_wait3A_1580 = arith.constant 4 : i32
      %dma_wait3A_1581 = arith.constant 0 : i32
      %dma_wait3A_1582 = arith.constant 0 : i32
      %dma_wait3A_1583 = tpu.memref_slice %arg6[%dma_wait3A_1580, %dma_wait3A_1581, %dma_wait3A_1582] : memref<10x64x128xf32, #tpu.memory_space<vmem>> -> memref<1x64x128xf32, #tpu.memory_space<vmem>>
      %dma_wait3A_1584 = tpu.memref_squeeze %dma_wait3A_1583 : memref<1x64x128xf32, #tpu.memory_space<vmem>> -> memref<64x128xf32, #tpu.memory_space<vmem>>
      %dma_wait3A_1585 = arith.constant 0 : i32
      %dma_wait3A_1586 = tpu.memref_slice %arg4[%select_n3A_1560, %add3A_1579, %dma_wait3A_1585] : memref<50x4096x128xf32, #tpu.memory_space<hbm>> -> memref<1x64x128xf32, #tpu.memory_space<hbm>>
      %dma_wait3A_1587 = tpu.memref_squeeze %dma_wait3A_1586 : memref<1x64x128xf32, #tpu.memory_space<hbm>> -> memref<64x128xf32, #tpu.memory_space<hbm>>
      %dma_wait3A_1588 = arith.constant 0 : i32
      %dma_wait3A_1589 = tpu.memref_slice %arg4[%select_n3A_1560, %add3A_1579, %dma_wait3A_1588] : memref<50x4096x128xf32, #tpu.memory_space<hbm>> -> memref<1x64x128xf32, #tpu.memory_space<hbm>>
      %dma_wait3A_1590 = tpu.memref_squeeze %dma_wait3A_1589 : memref<1x64x128xf32, #tpu.memory_space<hbm>> -> memref<64x128xf32, #tpu.memory_space<hbm>>
      %dma_wait3A_1591 = arith.constant 0 : i32
      %dma_wait3A_1592 = arith.constant 0 : i32
      %dma_wait3A_1593 = tpu.memref_slice %arg6[%dma_wait3A_1580, %dma_wait3A_1591, %dma_wait3A_1592] : memref<10x64x128xf32, #tpu.memory_space<vmem>> -> memref<1x64x128xf32, #tpu.memory_space<vmem>>
      %dma_wait3A_1594 = tpu.memref_squeeze %dma_wait3A_1593 : memref<1x64x128xf32, #tpu.memory_space<vmem>> -> memref<64x128xf32, #tpu.memory_space<vmem>>
      tpu.wait_dma2 semaphore(%arg21 : memref<!tpu.dma_semaphore, #tpu.memory_space<semaphore_mem>>) src(%dma_wait3A_1594 : memref<64x128xf32, #tpu.memory_space<vmem>>) dst(%dma_wait3A_1590 : memref<64x128xf32, #tpu.memory_space<hbm>>)
      %add3A_1595 = arith.constant 1 : i32
      %add3A_1596 = arith.addi %scan3A_128, %add3A_1595 : i32
      %lt3A_1597 = arith.constant 10 : i32
      %lt3A_1598 = arith.cmpi slt, %add3A_1596, %lt3A_1597 : i32
      %convert_element_type3A_1599 = arith.extui %lt3A_1598 : i1 to i32
      %cond3A_1600 = arith.constant 0 : i32
      %cond3A_1601 = arith.cmpi ne, %convert_element_type3A_1599, %cond3A_1600 : i32
      scf.if %cond3A_1601 {
        %add3A_1948 = arith.constant 10 : i32
        %add3A_1949 = arith.addi %add3A_1536, %add3A_1948 : i32
        %jit3A_1950 = arith.constant 2 : i32
        %div3A_1951 = arith.divsi %add3A_1949, %jit3A_1950 : i32
        %sign3A_1952 = arith.constant 0 : i32
        %sign3A_1953 = arith.cmpi sgt, %add3A_1949, %sign3A_1952 : i32
        %sign3A_1954 = arith.extui %sign3A_1953 : i1 to i32
        %sign3A_1955 = arith.constant 0 : i32
        %sign3A_1956 = arith.cmpi slt, %add3A_1949, %sign3A_1955 : i32
        %sign3A_1957 = arith.extui %sign3A_1956 : i1 to i32
        %sign3A_1958 = arith.subi %sign3A_1954, %sign3A_1957 : i32
        %sign3A_1959 = arith.constant 0 : i32
        %sign3A_1960 = arith.cmpi sgt, %jit3A_1950, %sign3A_1959 : i32
        %sign3A_1961 = arith.extui %sign3A_1960 : i1 to i32
        %sign3A_1962 = arith.constant 0 : i32
        %sign3A_1963 = arith.cmpi slt, %jit3A_1950, %sign3A_1962 : i32
        %sign3A_1964 = arith.extui %sign3A_1963 : i1 to i32
        %sign3A_1965 = arith.subi %sign3A_1961, %sign3A_1964 : i32
        %ne3A_1966 = arith.cmpi ne, %sign3A_1958, %sign3A_1965 : i32
        %rem3A_1967 = arith.remsi %add3A_1949, %jit3A_1950 : i32
        %ne3A_1968 = arith.constant 0 : i32
        %ne3A_1969 = arith.cmpi ne, %rem3A_1967, %ne3A_1968 : i32
        %and3A_1970 = arith.andi %ne3A_1966, %ne3A_1969 : i1
        %sub3A_1971 = arith.constant 1 : i32
        %sub3A_1972 = arith.subi %div3A_1951, %sub3A_1971 : i32
        %select_n3A_1973 = arith.select %and3A_1970, %sub3A_1972, %div3A_1951 : i32
        %jit3A_1974 = arith.constant 2 : i32
        %eq3A_1975 = arith.constant 0 : i32
        %eq3A_1976 = arith.cmpi eq, %jit3A_1974, %eq3A_1975 : i32
        %jit3A_1977 = arith.constant 1 : i32
        %select_n3A_1978 = arith.select %eq3A_1976, %jit3A_1977, %jit3A_1974 : i32
        %rem3A_1979 = arith.remsi %add3A_1949, %select_n3A_1978 : i32
        %ne3A_1980 = arith.constant 0 : i32
        %ne3A_1981 = arith.cmpi ne, %rem3A_1979, %ne3A_1980 : i32
        %lt3A_1982 = arith.constant 0 : i32
        %lt3A_1983 = arith.cmpi slt, %rem3A_1979, %lt3A_1982 : i32
        %lt3A_1984 = arith.constant 0 : i32
        %lt3A_1985 = arith.cmpi slt, %select_n3A_1978, %lt3A_1984 : i32
        %ne3A_1986 = arith.xori %lt3A_1983, %lt3A_1985 : i1
        %and3A_1987 = arith.andi %ne3A_1986, %ne3A_1981 : i1
        %add3A_1988 = arith.addi %rem3A_1979, %select_n3A_1978 : i32
        %select_n3A_1989 = arith.select %and3A_1987, %add3A_1988, %rem3A_1979 : i32
        %mul3A_1990 = arith.constant 64 : i32
        %mul3A_1991 = arith.muli %select_n3A_1989, %mul3A_1990 : i32
        %dma_start3A_1992 = arith.constant 4 : i32
        %dma_start3A_1993 = arith.constant 0 : i32
        %dma_start3A_1994 = arith.constant 0 : i32
        %dma_start3A_1995 = tpu.memref_slice %arg6[%dma_start3A_1992, %dma_start3A_1993, %dma_start3A_1994] : memref<10x64x128xf32, #tpu.memory_space<vmem>> -> memref<1x64x128xf32, #tpu.memory_space<vmem>>
        %dma_start3A_1996 = tpu.memref_squeeze %dma_start3A_1995 : memref<1x64x128xf32, #tpu.memory_space<vmem>> -> memref<64x128xf32, #tpu.memory_space<vmem>>
        %dma_start3A_1997 = tpu.memref_slice %arg5[%select_n3A_1973, %mul3A_1991] : memref<50x128xi32, #tpu.memory_space<vmem>> -> memref<1x64xi32, #tpu.memory_space<vmem>>
        %dma_start3A_1998 = tpu.memref_squeeze %dma_start3A_1997 : memref<1x64xi32, #tpu.memory_space<vmem>> -> memref<64xi32, #tpu.memory_space<vmem>>
        %dma_start3A_1999 = arith.constant 0 : i32
        %dma_start3A_2000 = arith.constant 0 : i32
        %dma_start3A_2001 = tpu.memref_slice %arg3[%dma_start3A_1999, %dma_start3A_2000] : memref<100000x128xf32, #tpu.memory_space<hbm>> -> memref<100000x128xf32, #tpu.memory_space<hbm>>
        tpu.enqueue_indirect_dma source(%dma_start3A_2001 : memref<100000x128xf32, #tpu.memory_space<hbm>>) target(%dma_start3A_1996 : memref<64x128xf32, #tpu.memory_space<vmem>>) offsets(%dma_start3A_1998 : memref<64xi32, #tpu.memory_space<vmem>>) semaphore(%arg11 : memref<!tpu.dma_semaphore, #tpu.memory_space<semaphore_mem>>)
      } else {
      }
      %mul3A_1602 = arith.constant 10 : i32
      %mul3A_1603 = arith.muli %scan3A_128, %mul3A_1602 : i32
      %add3A_1604 = arith.constant 5 : i32
      %add3A_1605 = arith.addi %mul3A_1603, %add3A_1604 : i32
      %jit3A_1606 = arith.constant 2 : i32
      %div3A_1607 = arith.divsi %add3A_1605, %jit3A_1606 : i32
      %sign3A_1608 = arith.constant 0 : i32
      %sign3A_1609 = arith.cmpi sgt, %add3A_1605, %sign3A_1608 : i32
      %sign3A_1610 = arith.extui %sign3A_1609 : i1 to i32
      %sign3A_1611 = arith.constant 0 : i32
      %sign3A_1612 = arith.cmpi slt, %add3A_1605, %sign3A_1611 : i32
      %sign3A_1613 = arith.extui %sign3A_1612 : i1 to i32
      %sign3A_1614 = arith.subi %sign3A_1610, %sign3A_1613 : i32
      %sign3A_1615 = arith.constant 0 : i32
      %sign3A_1616 = arith.cmpi sgt, %jit3A_1606, %sign3A_1615 : i32
      %sign3A_1617 = arith.extui %sign3A_1616 : i1 to i32
      %sign3A_1618 = arith.constant 0 : i32
      %sign3A_1619 = arith.cmpi slt, %jit3A_1606, %sign3A_1618 : i32
      %sign3A_1620 = arith.extui %sign3A_1619 : i1 to i32
      %sign3A_1621 = arith.subi %sign3A_1617, %sign3A_1620 : i32
      %ne3A_1622 = arith.cmpi ne, %sign3A_1614, %sign3A_1621 : i32
      %rem3A_1623 = arith.remsi %add3A_1605, %jit3A_1606 : i32
      %ne3A_1624 = arith.constant 0 : i32
      %ne3A_1625 = arith.cmpi ne, %rem3A_1623, %ne3A_1624 : i32
      %and3A_1626 = arith.andi %ne3A_1622, %ne3A_1625 : i1
      %sub3A_1627 = arith.constant 1 : i32
      %sub3A_1628 = arith.subi %div3A_1607, %sub3A_1627 : i32
      %select_n3A_1629 = arith.select %and3A_1626, %sub3A_1628, %div3A_1607 : i32
      %jit3A_1630 = arith.constant 2 : i32
      %eq3A_1631 = arith.constant 0 : i32
      %eq3A_1632 = arith.cmpi eq, %jit3A_1630, %eq3A_1631 : i32
      %jit3A_1633 = arith.constant 1 : i32
      %select_n3A_1634 = arith.select %eq3A_1632, %jit3A_1633, %jit3A_1630 : i32
      %rem3A_1635 = arith.remsi %add3A_1605, %select_n3A_1634 : i32
      %ne3A_1636 = arith.constant 0 : i32
      %ne3A_1637 = arith.cmpi ne, %rem3A_1635, %ne3A_1636 : i32
      %lt3A_1638 = arith.constant 0 : i32
      %lt3A_1639 = arith.cmpi slt, %rem3A_1635, %lt3A_1638 : i32
      %lt3A_1640 = arith.constant 0 : i32
      %lt3A_1641 = arith.cmpi slt, %select_n3A_1634, %lt3A_1640 : i32
      %ne3A_1642 = arith.xori %lt3A_1639, %lt3A_1641 : i1
      %and3A_1643 = arith.andi %ne3A_1642, %ne3A_1637 : i1
      %add3A_1644 = arith.addi %rem3A_1635, %select_n3A_1634 : i32
      %select_n3A_1645 = arith.select %and3A_1643, %add3A_1644, %rem3A_1635 : i32
      %mul3A_1646 = arith.constant 64 : i32
      %mul3A_1647 = arith.muli %select_n3A_1645, %mul3A_1646 : i32
      %add3A_1648 = arith.addi %mul3A_2, %mul3A_1647 : i32
      %dma_wait3A_1649 = arith.constant 5 : i32
      %dma_wait3A_1650 = arith.constant 0 : i32
      %dma_wait3A_1651 = arith.constant 0 : i32
      %dma_wait3A_1652 = tpu.memref_slice %arg6[%dma_wait3A_1649, %dma_wait3A_1650, %dma_wait3A_1651] : memref<10x64x128xf32, #tpu.memory_space<vmem>> -> memref<1x64x128xf32, #tpu.memory_space<vmem>>
      %dma_wait3A_1653 = tpu.memref_squeeze %dma_wait3A_1652 : memref<1x64x128xf32, #tpu.memory_space<vmem>> -> memref<64x128xf32, #tpu.memory_space<vmem>>
      %dma_wait3A_1654 = arith.constant 0 : i32
      %dma_wait3A_1655 = tpu.memref_slice %arg4[%select_n3A_1629, %add3A_1648, %dma_wait3A_1654] : memref<50x4096x128xf32, #tpu.memory_space<hbm>> -> memref<1x64x128xf32, #tpu.memory_space<hbm>>
      %dma_wait3A_1656 = tpu.memref_squeeze %dma_wait3A_1655 : memref<1x64x128xf32, #tpu.memory_space<hbm>> -> memref<64x128xf32, #tpu.memory_space<hbm>>
      %dma_wait3A_1657 = arith.constant 0 : i32
      %dma_wait3A_1658 = tpu.memref_slice %arg4[%select_n3A_1629, %add3A_1648, %dma_wait3A_1657] : memref<50x4096x128xf32, #tpu.memory_space<hbm>> -> memref<1x64x128xf32, #tpu.memory_space<hbm>>
      %dma_wait3A_1659 = tpu.memref_squeeze %dma_wait3A_1658 : memref<1x64x128xf32, #tpu.memory_space<hbm>> -> memref<64x128xf32, #tpu.memory_space<hbm>>
      %dma_wait3A_1660 = arith.constant 0 : i32
      %dma_wait3A_1661 = arith.constant 0 : i32
      %dma_wait3A_1662 = tpu.memref_slice %arg6[%dma_wait3A_1649, %dma_wait3A_1660, %dma_wait3A_1661] : memref<10x64x128xf32, #tpu.memory_space<vmem>> -> memref<1x64x128xf32, #tpu.memory_space<vmem>>
      %dma_wait3A_1663 = tpu.memref_squeeze %dma_wait3A_1662 : memref<1x64x128xf32, #tpu.memory_space<vmem>> -> memref<64x128xf32, #tpu.memory_space<vmem>>
      tpu.wait_dma2 semaphore(%arg22 : memref<!tpu.dma_semaphore, #tpu.memory_space<semaphore_mem>>) src(%dma_wait3A_1663 : memref<64x128xf32, #tpu.memory_space<vmem>>) dst(%dma_wait3A_1659 : memref<64x128xf32, #tpu.memory_space<hbm>>)
      %add3A_1664 = arith.constant 1 : i32
      %add3A_1665 = arith.addi %scan3A_128, %add3A_1664 : i32
      %lt3A_1666 = arith.constant 10 : i32
      %lt3A_1667 = arith.cmpi slt, %add3A_1665, %lt3A_1666 : i32
      %convert_element_type3A_1668 = arith.extui %lt3A_1667 : i1 to i32
      %cond3A_1669 = arith.constant 0 : i32
      %cond3A_1670 = arith.cmpi ne, %convert_element_type3A_1668, %cond3A_1669 : i32
      scf.if %cond3A_1670 {
        %add3A_1948 = arith.constant 10 : i32
        %add3A_1949 = arith.addi %add3A_1605, %add3A_1948 : i32
        %jit3A_1950 = arith.constant 2 : i32
        %div3A_1951 = arith.divsi %add3A_1949, %jit3A_1950 : i32
        %sign3A_1952 = arith.constant 0 : i32
        %sign3A_1953 = arith.cmpi sgt, %add3A_1949, %sign3A_1952 : i32
        %sign3A_1954 = arith.extui %sign3A_1953 : i1 to i32
        %sign3A_1955 = arith.constant 0 : i32
        %sign3A_1956 = arith.cmpi slt, %add3A_1949, %sign3A_1955 : i32
        %sign3A_1957 = arith.extui %sign3A_1956 : i1 to i32
        %sign3A_1958 = arith.subi %sign3A_1954, %sign3A_1957 : i32
        %sign3A_1959 = arith.constant 0 : i32
        %sign3A_1960 = arith.cmpi sgt, %jit3A_1950, %sign3A_1959 : i32
        %sign3A_1961 = arith.extui %sign3A_1960 : i1 to i32
        %sign3A_1962 = arith.constant 0 : i32
        %sign3A_1963 = arith.cmpi slt, %jit3A_1950, %sign3A_1962 : i32
        %sign3A_1964 = arith.extui %sign3A_1963 : i1 to i32
        %sign3A_1965 = arith.subi %sign3A_1961, %sign3A_1964 : i32
        %ne3A_1966 = arith.cmpi ne, %sign3A_1958, %sign3A_1965 : i32
        %rem3A_1967 = arith.remsi %add3A_1949, %jit3A_1950 : i32
        %ne3A_1968 = arith.constant 0 : i32
        %ne3A_1969 = arith.cmpi ne, %rem3A_1967, %ne3A_1968 : i32
        %and3A_1970 = arith.andi %ne3A_1966, %ne3A_1969 : i1
        %sub3A_1971 = arith.constant 1 : i32
        %sub3A_1972 = arith.subi %div3A_1951, %sub3A_1971 : i32
        %select_n3A_1973 = arith.select %and3A_1970, %sub3A_1972, %div3A_1951 : i32
        %jit3A_1974 = arith.constant 2 : i32
        %eq3A_1975 = arith.constant 0 : i32
        %eq3A_1976 = arith.cmpi eq, %jit3A_1974, %eq3A_1975 : i32
        %jit3A_1977 = arith.constant 1 : i32
        %select_n3A_1978 = arith.select %eq3A_1976, %jit3A_1977, %jit3A_1974 : i32
        %rem3A_1979 = arith.remsi %add3A_1949, %select_n3A_1978 : i32
        %ne3A_1980 = arith.constant 0 : i32
        %ne3A_1981 = arith.cmpi ne, %rem3A_1979, %ne3A_1980 : i32
        %lt3A_1982 = arith.constant 0 : i32
        %lt3A_1983 = arith.cmpi slt, %rem3A_1979, %lt3A_1982 : i32
        %lt3A_1984 = arith.constant 0 : i32
        %lt3A_1985 = arith.cmpi slt, %select_n3A_1978, %lt3A_1984 : i32
        %ne3A_1986 = arith.xori %lt3A_1983, %lt3A_1985 : i1
        %and3A_1987 = arith.andi %ne3A_1986, %ne3A_1981 : i1
        %add3A_1988 = arith.addi %rem3A_1979, %select_n3A_1978 : i32
        %select_n3A_1989 = arith.select %and3A_1987, %add3A_1988, %rem3A_1979 : i32
        %mul3A_1990 = arith.constant 64 : i32
        %mul3A_1991 = arith.muli %select_n3A_1989, %mul3A_1990 : i32
        %dma_start3A_1992 = arith.constant 5 : i32
        %dma_start3A_1993 = arith.constant 0 : i32
        %dma_start3A_1994 = arith.constant 0 : i32
        %dma_start3A_1995 = tpu.memref_slice %arg6[%dma_start3A_1992, %dma_start3A_1993, %dma_start3A_1994] : memref<10x64x128xf32, #tpu.memory_space<vmem>> -> memref<1x64x128xf32, #tpu.memory_space<vmem>>
        %dma_start3A_1996 = tpu.memref_squeeze %dma_start3A_1995 : memref<1x64x128xf32, #tpu.memory_space<vmem>> -> memref<64x128xf32, #tpu.memory_space<vmem>>
        %dma_start3A_1997 = tpu.memref_slice %arg5[%select_n3A_1973, %mul3A_1991] : memref<50x128xi32, #tpu.memory_space<vmem>> -> memref<1x64xi32, #tpu.memory_space<vmem>>
        %dma_start3A_1998 = tpu.memref_squeeze %dma_start3A_1997 : memref<1x64xi32, #tpu.memory_space<vmem>> -> memref<64xi32, #tpu.memory_space<vmem>>
        %dma_start3A_1999 = arith.constant 0 : i32
        %dma_start3A_2000 = arith.constant 0 : i32
        %dma_start3A_2001 = tpu.memref_slice %arg3[%dma_start3A_1999, %dma_start3A_2000] : memref<100000x128xf32, #tpu.memory_space<hbm>> -> memref<100000x128xf32, #tpu.memory_space<hbm>>
        tpu.enqueue_indirect_dma source(%dma_start3A_2001 : memref<100000x128xf32, #tpu.memory_space<hbm>>) target(%dma_start3A_1996 : memref<64x128xf32, #tpu.memory_space<vmem>>) offsets(%dma_start3A_1998 : memref<64xi32, #tpu.memory_space<vmem>>) semaphore(%arg12 : memref<!tpu.dma_semaphore, #tpu.memory_space<semaphore_mem>>)
      } else {
      }
      %mul3A_1671 = arith.constant 10 : i32
      %mul3A_1672 = arith.muli %scan3A_128, %mul3A_1671 : i32
      %add3A_1673 = arith.constant 6 : i32
      %add3A_1674 = arith.addi %mul3A_1672, %add3A_1673 : i32
      %jit3A_1675 = arith.constant 2 : i32
      %div3A_1676 = arith.divsi %add3A_1674, %jit3A_1675 : i32
      %sign3A_1677 = arith.constant 0 : i32
      %sign3A_1678 = arith.cmpi sgt, %add3A_1674, %sign3A_1677 : i32
      %sign3A_1679 = arith.extui %sign3A_1678 : i1 to i32
      %sign3A_1680 = arith.constant 0 : i32
      %sign3A_1681 = arith.cmpi slt, %add3A_1674, %sign3A_1680 : i32
      %sign3A_1682 = arith.extui %sign3A_1681 : i1 to i32
      %sign3A_1683 = arith.subi %sign3A_1679, %sign3A_1682 : i32
      %sign3A_1684 = arith.constant 0 : i32
      %sign3A_1685 = arith.cmpi sgt, %jit3A_1675, %sign3A_1684 : i32
      %sign3A_1686 = arith.extui %sign3A_1685 : i1 to i32
      %sign3A_1687 = arith.constant 0 : i32
      %sign3A_1688 = arith.cmpi slt, %jit3A_1675, %sign3A_1687 : i32
      %sign3A_1689 = arith.extui %sign3A_1688 : i1 to i32
      %sign3A_1690 = arith.subi %sign3A_1686, %sign3A_1689 : i32
      %ne3A_1691 = arith.cmpi ne, %sign3A_1683, %sign3A_1690 : i32
      %rem3A_1692 = arith.remsi %add3A_1674, %jit3A_1675 : i32
      %ne3A_1693 = arith.constant 0 : i32
      %ne3A_1694 = arith.cmpi ne, %rem3A_1692, %ne3A_1693 : i32
      %and3A_1695 = arith.andi %ne3A_1691, %ne3A_1694 : i1
      %sub3A_1696 = arith.constant 1 : i32
      %sub3A_1697 = arith.subi %div3A_1676, %sub3A_1696 : i32
      %select_n3A_1698 = arith.select %and3A_1695, %sub3A_1697, %div3A_1676 : i32
      %jit3A_1699 = arith.constant 2 : i32
      %eq3A_1700 = arith.constant 0 : i32
      %eq3A_1701 = arith.cmpi eq, %jit3A_1699, %eq3A_1700 : i32
      %jit3A_1702 = arith.constant 1 : i32
      %select_n3A_1703 = arith.select %eq3A_1701, %jit3A_1702, %jit3A_1699 : i32
      %rem3A_1704 = arith.remsi %add3A_1674, %select_n3A_1703 : i32
      %ne3A_1705 = arith.constant 0 : i32
      %ne3A_1706 = arith.cmpi ne, %rem3A_1704, %ne3A_1705 : i32
      %lt3A_1707 = arith.constant 0 : i32
      %lt3A_1708 = arith.cmpi slt, %rem3A_1704, %lt3A_1707 : i32
      %lt3A_1709 = arith.constant 0 : i32
      %lt3A_1710 = arith.cmpi slt, %select_n3A_1703, %lt3A_1709 : i32
      %ne3A_1711 = arith.xori %lt3A_1708, %lt3A_1710 : i1
      %and3A_1712 = arith.andi %ne3A_1711, %ne3A_1706 : i1
      %add3A_1713 = arith.addi %rem3A_1704, %select_n3A_1703 : i32
      %select_n3A_1714 = arith.select %and3A_1712, %add3A_1713, %rem3A_1704 : i32
      %mul3A_1715 = arith.constant 64 : i32
      %mul3A_1716 = arith.muli %select_n3A_1714, %mul3A_1715 : i32
      %add3A_1717 = arith.addi %mul3A_2, %mul3A_1716 : i32
      %dma_wait3A_1718 = arith.constant 6 : i32
      %dma_wait3A_1719 = arith.constant 0 : i32
      %dma_wait3A_1720 = arith.constant 0 : i32
      %dma_wait3A_1721 = tpu.memref_slice %arg6[%dma_wait3A_1718, %dma_wait3A_1719, %dma_wait3A_1720] : memref<10x64x128xf32, #tpu.memory_space<vmem>> -> memref<1x64x128xf32, #tpu.memory_space<vmem>>
      %dma_wait3A_1722 = tpu.memref_squeeze %dma_wait3A_1721 : memref<1x64x128xf32, #tpu.memory_space<vmem>> -> memref<64x128xf32, #tpu.memory_space<vmem>>
      %dma_wait3A_1723 = arith.constant 0 : i32
      %dma_wait3A_1724 = tpu.memref_slice %arg4[%select_n3A_1698, %add3A_1717, %dma_wait3A_1723] : memref<50x4096x128xf32, #tpu.memory_space<hbm>> -> memref<1x64x128xf32, #tpu.memory_space<hbm>>
      %dma_wait3A_1725 = tpu.memref_squeeze %dma_wait3A_1724 : memref<1x64x128xf32, #tpu.memory_space<hbm>> -> memref<64x128xf32, #tpu.memory_space<hbm>>
      %dma_wait3A_1726 = arith.constant 0 : i32
      %dma_wait3A_1727 = tpu.memref_slice %arg4[%select_n3A_1698, %add3A_1717, %dma_wait3A_1726] : memref<50x4096x128xf32, #tpu.memory_space<hbm>> -> memref<1x64x128xf32, #tpu.memory_space<hbm>>
      %dma_wait3A_1728 = tpu.memref_squeeze %dma_wait3A_1727 : memref<1x64x128xf32, #tpu.memory_space<hbm>> -> memref<64x128xf32, #tpu.memory_space<hbm>>
      %dma_wait3A_1729 = arith.constant 0 : i32
      %dma_wait3A_1730 = arith.constant 0 : i32
      %dma_wait3A_1731 = tpu.memref_slice %arg6[%dma_wait3A_1718, %dma_wait3A_1729, %dma_wait3A_1730] : memref<10x64x128xf32, #tpu.memory_space<vmem>> -> memref<1x64x128xf32, #tpu.memory_space<vmem>>
      %dma_wait3A_1732 = tpu.memref_squeeze %dma_wait3A_1731 : memref<1x64x128xf32, #tpu.memory_space<vmem>> -> memref<64x128xf32, #tpu.memory_space<vmem>>
      tpu.wait_dma2 semaphore(%arg23 : memref<!tpu.dma_semaphore, #tpu.memory_space<semaphore_mem>>) src(%dma_wait3A_1732 : memref<64x128xf32, #tpu.memory_space<vmem>>) dst(%dma_wait3A_1728 : memref<64x128xf32, #tpu.memory_space<hbm>>)
      %add3A_1733 = arith.constant 1 : i32
      %add3A_1734 = arith.addi %scan3A_128, %add3A_1733 : i32
      %lt3A_1735 = arith.constant 10 : i32
      %lt3A_1736 = arith.cmpi slt, %add3A_1734, %lt3A_1735 : i32
      %convert_element_type3A_1737 = arith.extui %lt3A_1736 : i1 to i32
      %cond3A_1738 = arith.constant 0 : i32
      %cond3A_1739 = arith.cmpi ne, %convert_element_type3A_1737, %cond3A_1738 : i32
      scf.if %cond3A_1739 {
        %add3A_1948 = arith.constant 10 : i32
        %add3A_1949 = arith.addi %add3A_1674, %add3A_1948 : i32
        %jit3A_1950 = arith.constant 2 : i32
        %div3A_1951 = arith.divsi %add3A_1949, %jit3A_1950 : i32
        %sign3A_1952 = arith.constant 0 : i32
        %sign3A_1953 = arith.cmpi sgt, %add3A_1949, %sign3A_1952 : i32
        %sign3A_1954 = arith.extui %sign3A_1953 : i1 to i32
        %sign3A_1955 = arith.constant 0 : i32
        %sign3A_1956 = arith.cmpi slt, %add3A_1949, %sign3A_1955 : i32
        %sign3A_1957 = arith.extui %sign3A_1956 : i1 to i32
        %sign3A_1958 = arith.subi %sign3A_1954, %sign3A_1957 : i32
        %sign3A_1959 = arith.constant 0 : i32
        %sign3A_1960 = arith.cmpi sgt, %jit3A_1950, %sign3A_1959 : i32
        %sign3A_1961 = arith.extui %sign3A_1960 : i1 to i32
        %sign3A_1962 = arith.constant 0 : i32
        %sign3A_1963 = arith.cmpi slt, %jit3A_1950, %sign3A_1962 : i32
        %sign3A_1964 = arith.extui %sign3A_1963 : i1 to i32
        %sign3A_1965 = arith.subi %sign3A_1961, %sign3A_1964 : i32
        %ne3A_1966 = arith.cmpi ne, %sign3A_1958, %sign3A_1965 : i32
        %rem3A_1967 = arith.remsi %add3A_1949, %jit3A_1950 : i32
        %ne3A_1968 = arith.constant 0 : i32
        %ne3A_1969 = arith.cmpi ne, %rem3A_1967, %ne3A_1968 : i32
        %and3A_1970 = arith.andi %ne3A_1966, %ne3A_1969 : i1
        %sub3A_1971 = arith.constant 1 : i32
        %sub3A_1972 = arith.subi %div3A_1951, %sub3A_1971 : i32
        %select_n3A_1973 = arith.select %and3A_1970, %sub3A_1972, %div3A_1951 : i32
        %jit3A_1974 = arith.constant 2 : i32
        %eq3A_1975 = arith.constant 0 : i32
        %eq3A_1976 = arith.cmpi eq, %jit3A_1974, %eq3A_1975 : i32
        %jit3A_1977 = arith.constant 1 : i32
        %select_n3A_1978 = arith.select %eq3A_1976, %jit3A_1977, %jit3A_1974 : i32
        %rem3A_1979 = arith.remsi %add3A_1949, %select_n3A_1978 : i32
        %ne3A_1980 = arith.constant 0 : i32
        %ne3A_1981 = arith.cmpi ne, %rem3A_1979, %ne3A_1980 : i32
        %lt3A_1982 = arith.constant 0 : i32
        %lt3A_1983 = arith.cmpi slt, %rem3A_1979, %lt3A_1982 : i32
        %lt3A_1984 = arith.constant 0 : i32
        %lt3A_1985 = arith.cmpi slt, %select_n3A_1978, %lt3A_1984 : i32
        %ne3A_1986 = arith.xori %lt3A_1983, %lt3A_1985 : i1
        %and3A_1987 = arith.andi %ne3A_1986, %ne3A_1981 : i1
        %add3A_1988 = arith.addi %rem3A_1979, %select_n3A_1978 : i32
        %select_n3A_1989 = arith.select %and3A_1987, %add3A_1988, %rem3A_1979 : i32
        %mul3A_1990 = arith.constant 64 : i32
        %mul3A_1991 = arith.muli %select_n3A_1989, %mul3A_1990 : i32
        %dma_start3A_1992 = arith.constant 6 : i32
        %dma_start3A_1993 = arith.constant 0 : i32
        %dma_start3A_1994 = arith.constant 0 : i32
        %dma_start3A_1995 = tpu.memref_slice %arg6[%dma_start3A_1992, %dma_start3A_1993, %dma_start3A_1994] : memref<10x64x128xf32, #tpu.memory_space<vmem>> -> memref<1x64x128xf32, #tpu.memory_space<vmem>>
        %dma_start3A_1996 = tpu.memref_squeeze %dma_start3A_1995 : memref<1x64x128xf32, #tpu.memory_space<vmem>> -> memref<64x128xf32, #tpu.memory_space<vmem>>
        %dma_start3A_1997 = tpu.memref_slice %arg5[%select_n3A_1973, %mul3A_1991] : memref<50x128xi32, #tpu.memory_space<vmem>> -> memref<1x64xi32, #tpu.memory_space<vmem>>
        %dma_start3A_1998 = tpu.memref_squeeze %dma_start3A_1997 : memref<1x64xi32, #tpu.memory_space<vmem>> -> memref<64xi32, #tpu.memory_space<vmem>>
        %dma_start3A_1999 = arith.constant 0 : i32
        %dma_start3A_2000 = arith.constant 0 : i32
        %dma_start3A_2001 = tpu.memref_slice %arg3[%dma_start3A_1999, %dma_start3A_2000] : memref<100000x128xf32, #tpu.memory_space<hbm>> -> memref<100000x128xf32, #tpu.memory_space<hbm>>
        tpu.enqueue_indirect_dma source(%dma_start3A_2001 : memref<100000x128xf32, #tpu.memory_space<hbm>>) target(%dma_start3A_1996 : memref<64x128xf32, #tpu.memory_space<vmem>>) offsets(%dma_start3A_1998 : memref<64xi32, #tpu.memory_space<vmem>>) semaphore(%arg13 : memref<!tpu.dma_semaphore, #tpu.memory_space<semaphore_mem>>)
      } else {
      }
      %mul3A_1740 = arith.constant 10 : i32
      %mul3A_1741 = arith.muli %scan3A_128, %mul3A_1740 : i32
      %add3A_1742 = arith.constant 7 : i32
      %add3A_1743 = arith.addi %mul3A_1741, %add3A_1742 : i32
      %jit3A_1744 = arith.constant 2 : i32
      %div3A_1745 = arith.divsi %add3A_1743, %jit3A_1744 : i32
      %sign3A_1746 = arith.constant 0 : i32
      %sign3A_1747 = arith.cmpi sgt, %add3A_1743, %sign3A_1746 : i32
      %sign3A_1748 = arith.extui %sign3A_1747 : i1 to i32
      %sign3A_1749 = arith.constant 0 : i32
      %sign3A_1750 = arith.cmpi slt, %add3A_1743, %sign3A_1749 : i32
      %sign3A_1751 = arith.extui %sign3A_1750 : i1 to i32
      %sign3A_1752 = arith.subi %sign3A_1748, %sign3A_1751 : i32
      %sign3A_1753 = arith.constant 0 : i32
      %sign3A_1754 = arith.cmpi sgt, %jit3A_1744, %sign3A_1753 : i32
      %sign3A_1755 = arith.extui %sign3A_1754 : i1 to i32
      %sign3A_1756 = arith.constant 0 : i32
      %sign3A_1757 = arith.cmpi slt, %jit3A_1744, %sign3A_1756 : i32
      %sign3A_1758 = arith.extui %sign3A_1757 : i1 to i32
      %sign3A_1759 = arith.subi %sign3A_1755, %sign3A_1758 : i32
      %ne3A_1760 = arith.cmpi ne, %sign3A_1752, %sign3A_1759 : i32
      %rem3A_1761 = arith.remsi %add3A_1743, %jit3A_1744 : i32
      %ne3A_1762 = arith.constant 0 : i32
      %ne3A_1763 = arith.cmpi ne, %rem3A_1761, %ne3A_1762 : i32
      %and3A_1764 = arith.andi %ne3A_1760, %ne3A_1763 : i1
      %sub3A_1765 = arith.constant 1 : i32
      %sub3A_1766 = arith.subi %div3A_1745, %sub3A_1765 : i32
      %select_n3A_1767 = arith.select %and3A_1764, %sub3A_1766, %div3A_1745 : i32
      %jit3A_1768 = arith.constant 2 : i32
      %eq3A_1769 = arith.constant 0 : i32
      %eq3A_1770 = arith.cmpi eq, %jit3A_1768, %eq3A_1769 : i32
      %jit3A_1771 = arith.constant 1 : i32
      %select_n3A_1772 = arith.select %eq3A_1770, %jit3A_1771, %jit3A_1768 : i32
      %rem3A_1773 = arith.remsi %add3A_1743, %select_n3A_1772 : i32
      %ne3A_1774 = arith.constant 0 : i32
      %ne3A_1775 = arith.cmpi ne, %rem3A_1773, %ne3A_1774 : i32
      %lt3A_1776 = arith.constant 0 : i32
      %lt3A_1777 = arith.cmpi slt, %rem3A_1773, %lt3A_1776 : i32
      %lt3A_1778 = arith.constant 0 : i32
      %lt3A_1779 = arith.cmpi slt, %select_n3A_1772, %lt3A_1778 : i32
      %ne3A_1780 = arith.xori %lt3A_1777, %lt3A_1779 : i1
      %and3A_1781 = arith.andi %ne3A_1780, %ne3A_1775 : i1
      %add3A_1782 = arith.addi %rem3A_1773, %select_n3A_1772 : i32
      %select_n3A_1783 = arith.select %and3A_1781, %add3A_1782, %rem3A_1773 : i32
      %mul3A_1784 = arith.constant 64 : i32
      %mul3A_1785 = arith.muli %select_n3A_1783, %mul3A_1784 : i32
      %add3A_1786 = arith.addi %mul3A_2, %mul3A_1785 : i32
      %dma_wait3A_1787 = arith.constant 7 : i32
      %dma_wait3A_1788 = arith.constant 0 : i32
      %dma_wait3A_1789 = arith.constant 0 : i32
      %dma_wait3A_1790 = tpu.memref_slice %arg6[%dma_wait3A_1787, %dma_wait3A_1788, %dma_wait3A_1789] : memref<10x64x128xf32, #tpu.memory_space<vmem>> -> memref<1x64x128xf32, #tpu.memory_space<vmem>>
      %dma_wait3A_1791 = tpu.memref_squeeze %dma_wait3A_1790 : memref<1x64x128xf32, #tpu.memory_space<vmem>> -> memref<64x128xf32, #tpu.memory_space<vmem>>
      %dma_wait3A_1792 = arith.constant 0 : i32
      %dma_wait3A_1793 = tpu.memref_slice %arg4[%select_n3A_1767, %add3A_1786, %dma_wait3A_1792] : memref<50x4096x128xf32, #tpu.memory_space<hbm>> -> memref<1x64x128xf32, #tpu.memory_space<hbm>>
      %dma_wait3A_1794 = tpu.memref_squeeze %dma_wait3A_1793 : memref<1x64x128xf32, #tpu.memory_space<hbm>> -> memref<64x128xf32, #tpu.memory_space<hbm>>
      %dma_wait3A_1795 = arith.constant 0 : i32
      %dma_wait3A_1796 = tpu.memref_slice %arg4[%select_n3A_1767, %add3A_1786, %dma_wait3A_1795] : memref<50x4096x128xf32, #tpu.memory_space<hbm>> -> memref<1x64x128xf32, #tpu.memory_space<hbm>>
      %dma_wait3A_1797 = tpu.memref_squeeze %dma_wait3A_1796 : memref<1x64x128xf32, #tpu.memory_space<hbm>> -> memref<64x128xf32, #tpu.memory_space<hbm>>
      %dma_wait3A_1798 = arith.constant 0 : i32
      %dma_wait3A_1799 = arith.constant 0 : i32
      %dma_wait3A_1800 = tpu.memref_slice %arg6[%dma_wait3A_1787, %dma_wait3A_1798, %dma_wait3A_1799] : memref<10x64x128xf32, #tpu.memory_space<vmem>> -> memref<1x64x128xf32, #tpu.memory_space<vmem>>
      %dma_wait3A_1801 = tpu.memref_squeeze %dma_wait3A_1800 : memref<1x64x128xf32, #tpu.memory_space<vmem>> -> memref<64x128xf32, #tpu.memory_space<vmem>>
      tpu.wait_dma2 semaphore(%arg24 : memref<!tpu.dma_semaphore, #tpu.memory_space<semaphore_mem>>) src(%dma_wait3A_1801 : memref<64x128xf32, #tpu.memory_space<vmem>>) dst(%dma_wait3A_1797 : memref<64x128xf32, #tpu.memory_space<hbm>>)
      %add3A_1802 = arith.constant 1 : i32
      %add3A_1803 = arith.addi %scan3A_128, %add3A_1802 : i32
      %lt3A_1804 = arith.constant 10 : i32
      %lt3A_1805 = arith.cmpi slt, %add3A_1803, %lt3A_1804 : i32
      %convert_element_type3A_1806 = arith.extui %lt3A_1805 : i1 to i32
      %cond3A_1807 = arith.constant 0 : i32
      %cond3A_1808 = arith.cmpi ne, %convert_element_type3A_1806, %cond3A_1807 : i32
      scf.if %cond3A_1808 {
        %add3A_1948 = arith.constant 10 : i32
        %add3A_1949 = arith.addi %add3A_1743, %add3A_1948 : i32
        %jit3A_1950 = arith.constant 2 : i32
        %div3A_1951 = arith.divsi %add3A_1949, %jit3A_1950 : i32
        %sign3A_1952 = arith.constant 0 : i32
        %sign3A_1953 = arith.cmpi sgt, %add3A_1949, %sign3A_1952 : i32
        %sign3A_1954 = arith.extui %sign3A_1953 : i1 to i32
        %sign3A_1955 = arith.constant 0 : i32
        %sign3A_1956 = arith.cmpi slt, %add3A_1949, %sign3A_1955 : i32
        %sign3A_1957 = arith.extui %sign3A_1956 : i1 to i32
        %sign3A_1958 = arith.subi %sign3A_1954, %sign3A_1957 : i32
        %sign3A_1959 = arith.constant 0 : i32
        %sign3A_1960 = arith.cmpi sgt, %jit3A_1950, %sign3A_1959 : i32
        %sign3A_1961 = arith.extui %sign3A_1960 : i1 to i32
        %sign3A_1962 = arith.constant 0 : i32
        %sign3A_1963 = arith.cmpi slt, %jit3A_1950, %sign3A_1962 : i32
        %sign3A_1964 = arith.extui %sign3A_1963 : i1 to i32
        %sign3A_1965 = arith.subi %sign3A_1961, %sign3A_1964 : i32
        %ne3A_1966 = arith.cmpi ne, %sign3A_1958, %sign3A_1965 : i32
        %rem3A_1967 = arith.remsi %add3A_1949, %jit3A_1950 : i32
        %ne3A_1968 = arith.constant 0 : i32
        %ne3A_1969 = arith.cmpi ne, %rem3A_1967, %ne3A_1968 : i32
        %and3A_1970 = arith.andi %ne3A_1966, %ne3A_1969 : i1
        %sub3A_1971 = arith.constant 1 : i32
        %sub3A_1972 = arith.subi %div3A_1951, %sub3A_1971 : i32
        %select_n3A_1973 = arith.select %and3A_1970, %sub3A_1972, %div3A_1951 : i32
        %jit3A_1974 = arith.constant 2 : i32
        %eq3A_1975 = arith.constant 0 : i32
        %eq3A_1976 = arith.cmpi eq, %jit3A_1974, %eq3A_1975 : i32
        %jit3A_1977 = arith.constant 1 : i32
        %select_n3A_1978 = arith.select %eq3A_1976, %jit3A_1977, %jit3A_1974 : i32
        %rem3A_1979 = arith.remsi %add3A_1949, %select_n3A_1978 : i32
        %ne3A_1980 = arith.constant 0 : i32
        %ne3A_1981 = arith.cmpi ne, %rem3A_1979, %ne3A_1980 : i32
        %lt3A_1982 = arith.constant 0 : i32
        %lt3A_1983 = arith.cmpi slt, %rem3A_1979, %lt3A_1982 : i32
        %lt3A_1984 = arith.constant 0 : i32
        %lt3A_1985 = arith.cmpi slt, %select_n3A_1978, %lt3A_1984 : i32
        %ne3A_1986 = arith.xori %lt3A_1983, %lt3A_1985 : i1
        %and3A_1987 = arith.andi %ne3A_1986, %ne3A_1981 : i1
        %add3A_1988 = arith.addi %rem3A_1979, %select_n3A_1978 : i32
        %select_n3A_1989 = arith.select %and3A_1987, %add3A_1988, %rem3A_1979 : i32
        %mul3A_1990 = arith.constant 64 : i32
        %mul3A_1991 = arith.muli %select_n3A_1989, %mul3A_1990 : i32
        %dma_start3A_1992 = arith.constant 7 : i32
        %dma_start3A_1993 = arith.constant 0 : i32
        %dma_start3A_1994 = arith.constant 0 : i32
        %dma_start3A_1995 = tpu.memref_slice %arg6[%dma_start3A_1992, %dma_start3A_1993, %dma_start3A_1994] : memref<10x64x128xf32, #tpu.memory_space<vmem>> -> memref<1x64x128xf32, #tpu.memory_space<vmem>>
        %dma_start3A_1996 = tpu.memref_squeeze %dma_start3A_1995 : memref<1x64x128xf32, #tpu.memory_space<vmem>> -> memref<64x128xf32, #tpu.memory_space<vmem>>
        %dma_start3A_1997 = tpu.memref_slice %arg5[%select_n3A_1973, %mul3A_1991] : memref<50x128xi32, #tpu.memory_space<vmem>> -> memref<1x64xi32, #tpu.memory_space<vmem>>
        %dma_start3A_1998 = tpu.memref_squeeze %dma_start3A_1997 : memref<1x64xi32, #tpu.memory_space<vmem>> -> memref<64xi32, #tpu.memory_space<vmem>>
        %dma_start3A_1999 = arith.constant 0 : i32
        %dma_start3A_2000 = arith.constant 0 : i32
        %dma_start3A_2001 = tpu.memref_slice %arg3[%dma_start3A_1999, %dma_start3A_2000] : memref<100000x128xf32, #tpu.memory_space<hbm>> -> memref<100000x128xf32, #tpu.memory_space<hbm>>
        tpu.enqueue_indirect_dma source(%dma_start3A_2001 : memref<100000x128xf32, #tpu.memory_space<hbm>>) target(%dma_start3A_1996 : memref<64x128xf32, #tpu.memory_space<vmem>>) offsets(%dma_start3A_1998 : memref<64xi32, #tpu.memory_space<vmem>>) semaphore(%arg14 : memref<!tpu.dma_semaphore, #tpu.memory_space<semaphore_mem>>)
      } else {
      }
      %mul3A_1809 = arith.constant 10 : i32
      %mul3A_1810 = arith.muli %scan3A_128, %mul3A_1809 : i32
      %add3A_1811 = arith.constant 8 : i32
      %add3A_1812 = arith.addi %mul3A_1810, %add3A_1811 : i32
      %jit3A_1813 = arith.constant 2 : i32
      %div3A_1814 = arith.divsi %add3A_1812, %jit3A_1813 : i32
      %sign3A_1815 = arith.constant 0 : i32
      %sign3A_1816 = arith.cmpi sgt, %add3A_1812, %sign3A_1815 : i32
      %sign3A_1817 = arith.extui %sign3A_1816 : i1 to i32
      %sign3A_1818 = arith.constant 0 : i32
      %sign3A_1819 = arith.cmpi slt, %add3A_1812, %sign3A_1818 : i32
      %sign3A_1820 = arith.extui %sign3A_1819 : i1 to i32
      %sign3A_1821 = arith.subi %sign3A_1817, %sign3A_1820 : i32
      %sign3A_1822 = arith.constant 0 : i32
      %sign3A_1823 = arith.cmpi sgt, %jit3A_1813, %sign3A_1822 : i32
      %sign3A_1824 = arith.extui %sign3A_1823 : i1 to i32
      %sign3A_1825 = arith.constant 0 : i32
      %sign3A_1826 = arith.cmpi slt, %jit3A_1813, %sign3A_1825 : i32
      %sign3A_1827 = arith.extui %sign3A_1826 : i1 to i32
      %sign3A_1828 = arith.subi %sign3A_1824, %sign3A_1827 : i32
      %ne3A_1829 = arith.cmpi ne, %sign3A_1821, %sign3A_1828 : i32
      %rem3A_1830 = arith.remsi %add3A_1812, %jit3A_1813 : i32
      %ne3A_1831 = arith.constant 0 : i32
      %ne3A_1832 = arith.cmpi ne, %rem3A_1830, %ne3A_1831 : i32
      %and3A_1833 = arith.andi %ne3A_1829, %ne3A_1832 : i1
      %sub3A_1834 = arith.constant 1 : i32
      %sub3A_1835 = arith.subi %div3A_1814, %sub3A_1834 : i32
      %select_n3A_1836 = arith.select %and3A_1833, %sub3A_1835, %div3A_1814 : i32
      %jit3A_1837 = arith.constant 2 : i32
      %eq3A_1838 = arith.constant 0 : i32
      %eq3A_1839 = arith.cmpi eq, %jit3A_1837, %eq3A_1838 : i32
      %jit3A_1840 = arith.constant 1 : i32
      %select_n3A_1841 = arith.select %eq3A_1839, %jit3A_1840, %jit3A_1837 : i32
      %rem3A_1842 = arith.remsi %add3A_1812, %select_n3A_1841 : i32
      %ne3A_1843 = arith.constant 0 : i32
      %ne3A_1844 = arith.cmpi ne, %rem3A_1842, %ne3A_1843 : i32
      %lt3A_1845 = arith.constant 0 : i32
      %lt3A_1846 = arith.cmpi slt, %rem3A_1842, %lt3A_1845 : i32
      %lt3A_1847 = arith.constant 0 : i32
      %lt3A_1848 = arith.cmpi slt, %select_n3A_1841, %lt3A_1847 : i32
      %ne3A_1849 = arith.xori %lt3A_1846, %lt3A_1848 : i1
      %and3A_1850 = arith.andi %ne3A_1849, %ne3A_1844 : i1
      %add3A_1851 = arith.addi %rem3A_1842, %select_n3A_1841 : i32
      %select_n3A_1852 = arith.select %and3A_1850, %add3A_1851, %rem3A_1842 : i32
      %mul3A_1853 = arith.constant 64 : i32
      %mul3A_1854 = arith.muli %select_n3A_1852, %mul3A_1853 : i32
      %add3A_1855 = arith.addi %mul3A_2, %mul3A_1854 : i32
      %dma_wait3A_1856 = arith.constant 8 : i32
      %dma_wait3A_1857 = arith.constant 0 : i32
      %dma_wait3A_1858 = arith.constant 0 : i32
      %dma_wait3A_1859 = tpu.memref_slice %arg6[%dma_wait3A_1856, %dma_wait3A_1857, %dma_wait3A_1858] : memref<10x64x128xf32, #tpu.memory_space<vmem>> -> memref<1x64x128xf32, #tpu.memory_space<vmem>>
      %dma_wait3A_1860 = tpu.memref_squeeze %dma_wait3A_1859 : memref<1x64x128xf32, #tpu.memory_space<vmem>> -> memref<64x128xf32, #tpu.memory_space<vmem>>
      %dma_wait3A_1861 = arith.constant 0 : i32
      %dma_wait3A_1862 = tpu.memref_slice %arg4[%select_n3A_1836, %add3A_1855, %dma_wait3A_1861] : memref<50x4096x128xf32, #tpu.memory_space<hbm>> -> memref<1x64x128xf32, #tpu.memory_space<hbm>>
      %dma_wait3A_1863 = tpu.memref_squeeze %dma_wait3A_1862 : memref<1x64x128xf32, #tpu.memory_space<hbm>> -> memref<64x128xf32, #tpu.memory_space<hbm>>
      %dma_wait3A_1864 = arith.constant 0 : i32
      %dma_wait3A_1865 = tpu.memref_slice %arg4[%select_n3A_1836, %add3A_1855, %dma_wait3A_1864] : memref<50x4096x128xf32, #tpu.memory_space<hbm>> -> memref<1x64x128xf32, #tpu.memory_space<hbm>>
      %dma_wait3A_1866 = tpu.memref_squeeze %dma_wait3A_1865 : memref<1x64x128xf32, #tpu.memory_space<hbm>> -> memref<64x128xf32, #tpu.memory_space<hbm>>
      %dma_wait3A_1867 = arith.constant 0 : i32
      %dma_wait3A_1868 = arith.constant 0 : i32
      %dma_wait3A_1869 = tpu.memref_slice %arg6[%dma_wait3A_1856, %dma_wait3A_1867, %dma_wait3A_1868] : memref<10x64x128xf32, #tpu.memory_space<vmem>> -> memref<1x64x128xf32, #tpu.memory_space<vmem>>
      %dma_wait3A_1870 = tpu.memref_squeeze %dma_wait3A_1869 : memref<1x64x128xf32, #tpu.memory_space<vmem>> -> memref<64x128xf32, #tpu.memory_space<vmem>>
      tpu.wait_dma2 semaphore(%arg25 : memref<!tpu.dma_semaphore, #tpu.memory_space<semaphore_mem>>) src(%dma_wait3A_1870 : memref<64x128xf32, #tpu.memory_space<vmem>>) dst(%dma_wait3A_1866 : memref<64x128xf32, #tpu.memory_space<hbm>>)
      %add3A_1871 = arith.constant 1 : i32
      %add3A_1872 = arith.addi %scan3A_128, %add3A_1871 : i32
      %lt3A_1873 = arith.constant 10 : i32
      %lt3A_1874 = arith.cmpi slt, %add3A_1872, %lt3A_1873 : i32
      %convert_element_type3A_1875 = arith.extui %lt3A_1874 : i1 to i32
      %cond3A_1876 = arith.constant 0 : i32
      %cond3A_1877 = arith.cmpi ne, %convert_element_type3A_1875, %cond3A_1876 : i32
      scf.if %cond3A_1877 {
        %add3A_1948 = arith.constant 10 : i32
        %add3A_1949 = arith.addi %add3A_1812, %add3A_1948 : i32
        %jit3A_1950 = arith.constant 2 : i32
        %div3A_1951 = arith.divsi %add3A_1949, %jit3A_1950 : i32
        %sign3A_1952 = arith.constant 0 : i32
        %sign3A_1953 = arith.cmpi sgt, %add3A_1949, %sign3A_1952 : i32
        %sign3A_1954 = arith.extui %sign3A_1953 : i1 to i32
        %sign3A_1955 = arith.constant 0 : i32
        %sign3A_1956 = arith.cmpi slt, %add3A_1949, %sign3A_1955 : i32
        %sign3A_1957 = arith.extui %sign3A_1956 : i1 to i32
        %sign3A_1958 = arith.subi %sign3A_1954, %sign3A_1957 : i32
        %sign3A_1959 = arith.constant 0 : i32
        %sign3A_1960 = arith.cmpi sgt, %jit3A_1950, %sign3A_1959 : i32
        %sign3A_1961 = arith.extui %sign3A_1960 : i1 to i32
        %sign3A_1962 = arith.constant 0 : i32
        %sign3A_1963 = arith.cmpi slt, %jit3A_1950, %sign3A_1962 : i32
        %sign3A_1964 = arith.extui %sign3A_1963 : i1 to i32
        %sign3A_1965 = arith.subi %sign3A_1961, %sign3A_1964 : i32
        %ne3A_1966 = arith.cmpi ne, %sign3A_1958, %sign3A_1965 : i32
        %rem3A_1967 = arith.remsi %add3A_1949, %jit3A_1950 : i32
        %ne3A_1968 = arith.constant 0 : i32
        %ne3A_1969 = arith.cmpi ne, %rem3A_1967, %ne3A_1968 : i32
        %and3A_1970 = arith.andi %ne3A_1966, %ne3A_1969 : i1
        %sub3A_1971 = arith.constant 1 : i32
        %sub3A_1972 = arith.subi %div3A_1951, %sub3A_1971 : i32
        %select_n3A_1973 = arith.select %and3A_1970, %sub3A_1972, %div3A_1951 : i32
        %jit3A_1974 = arith.constant 2 : i32
        %eq3A_1975 = arith.constant 0 : i32
        %eq3A_1976 = arith.cmpi eq, %jit3A_1974, %eq3A_1975 : i32
        %jit3A_1977 = arith.constant 1 : i32
        %select_n3A_1978 = arith.select %eq3A_1976, %jit3A_1977, %jit3A_1974 : i32
        %rem3A_1979 = arith.remsi %add3A_1949, %select_n3A_1978 : i32
        %ne3A_1980 = arith.constant 0 : i32
        %ne3A_1981 = arith.cmpi ne, %rem3A_1979, %ne3A_1980 : i32
        %lt3A_1982 = arith.constant 0 : i32
        %lt3A_1983 = arith.cmpi slt, %rem3A_1979, %lt3A_1982 : i32
        %lt3A_1984 = arith.constant 0 : i32
        %lt3A_1985 = arith.cmpi slt, %select_n3A_1978, %lt3A_1984 : i32
        %ne3A_1986 = arith.xori %lt3A_1983, %lt3A_1985 : i1
        %and3A_1987 = arith.andi %ne3A_1986, %ne3A_1981 : i1
        %add3A_1988 = arith.addi %rem3A_1979, %select_n3A_1978 : i32
        %select_n3A_1989 = arith.select %and3A_1987, %add3A_1988, %rem3A_1979 : i32
        %mul3A_1990 = arith.constant 64 : i32
        %mul3A_1991 = arith.muli %select_n3A_1989, %mul3A_1990 : i32
        %dma_start3A_1992 = arith.constant 8 : i32
        %dma_start3A_1993 = arith.constant 0 : i32
        %dma_start3A_1994 = arith.constant 0 : i32
        %dma_start3A_1995 = tpu.memref_slice %arg6[%dma_start3A_1992, %dma_start3A_1993, %dma_start3A_1994] : memref<10x64x128xf32, #tpu.memory_space<vmem>> -> memref<1x64x128xf32, #tpu.memory_space<vmem>>
        %dma_start3A_1996 = tpu.memref_squeeze %dma_start3A_1995 : memref<1x64x128xf32, #tpu.memory_space<vmem>> -> memref<64x128xf32, #tpu.memory_space<vmem>>
        %dma_start3A_1997 = tpu.memref_slice %arg5[%select_n3A_1973, %mul3A_1991] : memref<50x128xi32, #tpu.memory_space<vmem>> -> memref<1x64xi32, #tpu.memory_space<vmem>>
        %dma_start3A_1998 = tpu.memref_squeeze %dma_start3A_1997 : memref<1x64xi32, #tpu.memory_space<vmem>> -> memref<64xi32, #tpu.memory_space<vmem>>
        %dma_start3A_1999 = arith.constant 0 : i32
        %dma_start3A_2000 = arith.constant 0 : i32
        %dma_start3A_2001 = tpu.memref_slice %arg3[%dma_start3A_1999, %dma_start3A_2000] : memref<100000x128xf32, #tpu.memory_space<hbm>> -> memref<100000x128xf32, #tpu.memory_space<hbm>>
        tpu.enqueue_indirect_dma source(%dma_start3A_2001 : memref<100000x128xf32, #tpu.memory_space<hbm>>) target(%dma_start3A_1996 : memref<64x128xf32, #tpu.memory_space<vmem>>) offsets(%dma_start3A_1998 : memref<64xi32, #tpu.memory_space<vmem>>) semaphore(%arg15 : memref<!tpu.dma_semaphore, #tpu.memory_space<semaphore_mem>>)
      } else {
      }
      %mul3A_1878 = arith.constant 10 : i32
      %mul3A_1879 = arith.muli %scan3A_128, %mul3A_1878 : i32
      %add3A_1880 = arith.constant 9 : i32
      %add3A_1881 = arith.addi %mul3A_1879, %add3A_1880 : i32
      %jit3A_1882 = arith.constant 2 : i32
      %div3A_1883 = arith.divsi %add3A_1881, %jit3A_1882 : i32
      %sign3A_1884 = arith.constant 0 : i32
      %sign3A_1885 = arith.cmpi sgt, %add3A_1881, %sign3A_1884 : i32
      %sign3A_1886 = arith.extui %sign3A_1885 : i1 to i32
      %sign3A_1887 = arith.constant 0 : i32
      %sign3A_1888 = arith.cmpi slt, %add3A_1881, %sign3A_1887 : i32
      %sign3A_1889 = arith.extui %sign3A_1888 : i1 to i32
      %sign3A_1890 = arith.subi %sign3A_1886, %sign3A_1889 : i32
      %sign3A_1891 = arith.constant 0 : i32
      %sign3A_1892 = arith.cmpi sgt, %jit3A_1882, %sign3A_1891 : i32
      %sign3A_1893 = arith.extui %sign3A_1892 : i1 to i32
      %sign3A_1894 = arith.constant 0 : i32
      %sign3A_1895 = arith.cmpi slt, %jit3A_1882, %sign3A_1894 : i32
      %sign3A_1896 = arith.extui %sign3A_1895 : i1 to i32
      %sign3A_1897 = arith.subi %sign3A_1893, %sign3A_1896 : i32
      %ne3A_1898 = arith.cmpi ne, %sign3A_1890, %sign3A_1897 : i32
      %rem3A_1899 = arith.remsi %add3A_1881, %jit3A_1882 : i32
      %ne3A_1900 = arith.constant 0 : i32
      %ne3A_1901 = arith.cmpi ne, %rem3A_1899, %ne3A_1900 : i32
      %and3A_1902 = arith.andi %ne3A_1898, %ne3A_1901 : i1
      %sub3A_1903 = arith.constant 1 : i32
      %sub3A_1904 = arith.subi %div3A_1883, %sub3A_1903 : i32
      %select_n3A_1905 = arith.select %and3A_1902, %sub3A_1904, %div3A_1883 : i32
      %jit3A_1906 = arith.constant 2 : i32
      %eq3A_1907 = arith.constant 0 : i32
      %eq3A_1908 = arith.cmpi eq, %jit3A_1906, %eq3A_1907 : i32
      %jit3A_1909 = arith.constant 1 : i32
      %select_n3A_1910 = arith.select %eq3A_1908, %jit3A_1909, %jit3A_1906 : i32
      %rem3A_1911 = arith.remsi %add3A_1881, %select_n3A_1910 : i32
      %ne3A_1912 = arith.constant 0 : i32
      %ne3A_1913 = arith.cmpi ne, %rem3A_1911, %ne3A_1912 : i32
      %lt3A_1914 = arith.constant 0 : i32
      %lt3A_1915 = arith.cmpi slt, %rem3A_1911, %lt3A_1914 : i32
      %lt3A_1916 = arith.constant 0 : i32
      %lt3A_1917 = arith.cmpi slt, %select_n3A_1910, %lt3A_1916 : i32
      %ne3A_1918 = arith.xori %lt3A_1915, %lt3A_1917 : i1
      %and3A_1919 = arith.andi %ne3A_1918, %ne3A_1913 : i1
      %add3A_1920 = arith.addi %rem3A_1911, %select_n3A_1910 : i32
      %select_n3A_1921 = arith.select %and3A_1919, %add3A_1920, %rem3A_1911 : i32
      %mul3A_1922 = arith.constant 64 : i32
      %mul3A_1923 = arith.muli %select_n3A_1921, %mul3A_1922 : i32
      %add3A_1924 = arith.addi %mul3A_2, %mul3A_1923 : i32
      %dma_wait3A_1925 = arith.constant 9 : i32
      %dma_wait3A_1926 = arith.constant 0 : i32
      %dma_wait3A_1927 = arith.constant 0 : i32
      %dma_wait3A_1928 = tpu.memref_slice %arg6[%dma_wait3A_1925, %dma_wait3A_1926, %dma_wait3A_1927] : memref<10x64x128xf32, #tpu.memory_space<vmem>> -> memref<1x64x128xf32, #tpu.memory_space<vmem>>
      %dma_wait3A_1929 = tpu.memref_squeeze %dma_wait3A_1928 : memref<1x64x128xf32, #tpu.memory_space<vmem>> -> memref<64x128xf32, #tpu.memory_space<vmem>>
      %dma_wait3A_1930 = arith.constant 0 : i32
      %dma_wait3A_1931 = tpu.memref_slice %arg4[%select_n3A_1905, %add3A_1924, %dma_wait3A_1930] : memref<50x4096x128xf32, #tpu.memory_space<hbm>> -> memref<1x64x128xf32, #tpu.memory_space<hbm>>
      %dma_wait3A_1932 = tpu.memref_squeeze %dma_wait3A_1931 : memref<1x64x128xf32, #tpu.memory_space<hbm>> -> memref<64x128xf32, #tpu.memory_space<hbm>>
      %dma_wait3A_1933 = arith.constant 0 : i32
      %dma_wait3A_1934 = tpu.memref_slice %arg4[%select_n3A_1905, %add3A_1924, %dma_wait3A_1933] : memref<50x4096x128xf32, #tpu.memory_space<hbm>> -> memref<1x64x128xf32, #tpu.memory_space<hbm>>
      %dma_wait3A_1935 = tpu.memref_squeeze %dma_wait3A_1934 : memref<1x64x128xf32, #tpu.memory_space<hbm>> -> memref<64x128xf32, #tpu.memory_space<hbm>>
      %dma_wait3A_1936 = arith.constant 0 : i32
      %dma_wait3A_1937 = arith.constant 0 : i32
      %dma_wait3A_1938 = tpu.memref_slice %arg6[%dma_wait3A_1925, %dma_wait3A_1936, %dma_wait3A_1937] : memref<10x64x128xf32, #tpu.memory_space<vmem>> -> memref<1x64x128xf32, #tpu.memory_space<vmem>>
      %dma_wait3A_1939 = tpu.memref_squeeze %dma_wait3A_1938 : memref<1x64x128xf32, #tpu.memory_space<vmem>> -> memref<64x128xf32, #tpu.memory_space<vmem>>
      tpu.wait_dma2 semaphore(%arg26 : memref<!tpu.dma_semaphore, #tpu.memory_space<semaphore_mem>>) src(%dma_wait3A_1939 : memref<64x128xf32, #tpu.memory_space<vmem>>) dst(%dma_wait3A_1935 : memref<64x128xf32, #tpu.memory_space<hbm>>)
      %add3A_1940 = arith.constant 1 : i32
      %add3A_1941 = arith.addi %scan3A_128, %add3A_1940 : i32
      %lt3A_1942 = arith.constant 10 : i32
      %lt3A_1943 = arith.cmpi slt, %add3A_1941, %lt3A_1942 : i32
      %convert_element_type3A_1944 = arith.extui %lt3A_1943 : i1 to i32
      %cond3A_1945 = arith.constant 0 : i32
      %cond3A_1946 = arith.cmpi ne, %convert_element_type3A_1944, %cond3A_1945 : i32
      scf.if %cond3A_1946 {
        %add3A_1948 = arith.constant 10 : i32
        %add3A_1949 = arith.addi %add3A_1881, %add3A_1948 : i32
        %jit3A_1950 = arith.constant 2 : i32
        %div3A_1951 = arith.divsi %add3A_1949, %jit3A_1950 : i32
        %sign3A_1952 = arith.constant 0 : i32
        %sign3A_1953 = arith.cmpi sgt, %add3A_1949, %sign3A_1952 : i32
        %sign3A_1954 = arith.extui %sign3A_1953 : i1 to i32
        %sign3A_1955 = arith.constant 0 : i32
        %sign3A_1956 = arith.cmpi slt, %add3A_1949, %sign3A_1955 : i32
        %sign3A_1957 = arith.extui %sign3A_1956 : i1 to i32
        %sign3A_1958 = arith.subi %sign3A_1954, %sign3A_1957 : i32
        %sign3A_1959 = arith.constant 0 : i32
        %sign3A_1960 = arith.cmpi sgt, %jit3A_1950, %sign3A_1959 : i32
        %sign3A_1961 = arith.extui %sign3A_1960 : i1 to i32
        %sign3A_1962 = arith.constant 0 : i32
        %sign3A_1963 = arith.cmpi slt, %jit3A_1950, %sign3A_1962 : i32
        %sign3A_1964 = arith.extui %sign3A_1963 : i1 to i32
        %sign3A_1965 = arith.subi %sign3A_1961, %sign3A_1964 : i32
        %ne3A_1966 = arith.cmpi ne, %sign3A_1958, %sign3A_1965 : i32
        %rem3A_1967 = arith.remsi %add3A_1949, %jit3A_1950 : i32
        %ne3A_1968 = arith.constant 0 : i32
        %ne3A_1969 = arith.cmpi ne, %rem3A_1967, %ne3A_1968 : i32
        %and3A_1970 = arith.andi %ne3A_1966, %ne3A_1969 : i1
        %sub3A_1971 = arith.constant 1 : i32
        %sub3A_1972 = arith.subi %div3A_1951, %sub3A_1971 : i32
        %select_n3A_1973 = arith.select %and3A_1970, %sub3A_1972, %div3A_1951 : i32
        %jit3A_1974 = arith.constant 2 : i32
        %eq3A_1975 = arith.constant 0 : i32
        %eq3A_1976 = arith.cmpi eq, %jit3A_1974, %eq3A_1975 : i32
        %jit3A_1977 = arith.constant 1 : i32
        %select_n3A_1978 = arith.select %eq3A_1976, %jit3A_1977, %jit3A_1974 : i32
        %rem3A_1979 = arith.remsi %add3A_1949, %select_n3A_1978 : i32
        %ne3A_1980 = arith.constant 0 : i32
        %ne3A_1981 = arith.cmpi ne, %rem3A_1979, %ne3A_1980 : i32
        %lt3A_1982 = arith.constant 0 : i32
        %lt3A_1983 = arith.cmpi slt, %rem3A_1979, %lt3A_1982 : i32
        %lt3A_1984 = arith.constant 0 : i32
        %lt3A_1985 = arith.cmpi slt, %select_n3A_1978, %lt3A_1984 : i32
        %ne3A_1986 = arith.xori %lt3A_1983, %lt3A_1985 : i1
        %and3A_1987 = arith.andi %ne3A_1986, %ne3A_1981 : i1
        %add3A_1988 = arith.addi %rem3A_1979, %select_n3A_1978 : i32
        %select_n3A_1989 = arith.select %and3A_1987, %add3A_1988, %rem3A_1979 : i32
        %mul3A_1990 = arith.constant 64 : i32
        %mul3A_1991 = arith.muli %select_n3A_1989, %mul3A_1990 : i32
        %dma_start3A_1992 = arith.constant 9 : i32
        %dma_start3A_1993 = arith.constant 0 : i32
        %dma_start3A_1994 = arith.constant 0 : i32
        %dma_start3A_1995 = tpu.memref_slice %arg6[%dma_start3A_1992, %dma_start3A_1993, %dma_start3A_1994] : memref<10x64x128xf32, #tpu.memory_space<vmem>> -> memref<1x64x128xf32, #tpu.memory_space<vmem>>
        %dma_start3A_1996 = tpu.memref_squeeze %dma_start3A_1995 : memref<1x64x128xf32, #tpu.memory_space<vmem>> -> memref<64x128xf32, #tpu.memory_space<vmem>>
        %dma_start3A_1997 = tpu.memref_slice %arg5[%select_n3A_1973, %mul3A_1991] : memref<50x128xi32, #tpu.memory_space<vmem>> -> memref<1x64xi32, #tpu.memory_space<vmem>>
        %dma_start3A_1998 = tpu.memref_squeeze %dma_start3A_1997 : memref<1x64xi32, #tpu.memory_space<vmem>> -> memref<64xi32, #tpu.memory_space<vmem>>
        %dma_start3A_1999 = arith.constant 0 : i32
        %dma_start3A_2000 = arith.constant 0 : i32
        %dma_start3A_2001 = tpu.memref_slice %arg3[%dma_start3A_1999, %dma_start3A_2000] : memref<100000x128xf32, #tpu.memory_space<hbm>> -> memref<100000x128xf32, #tpu.memory_space<hbm>>
        tpu.enqueue_indirect_dma source(%dma_start3A_2001 : memref<100000x128xf32, #tpu.memory_space<hbm>>) target(%dma_start3A_1996 : memref<64x128xf32, #tpu.memory_space<vmem>>) offsets(%dma_start3A_1998 : memref<64xi32, #tpu.memory_space<vmem>>) semaphore(%arg16 : memref<!tpu.dma_semaphore, #tpu.memory_space<semaphore_mem>>)
      } else {
      }
      %scan3A_1947 = arith.constant 0 : i32
      scf.yield %scan3A_1947 : i32
    }
    %scan3A_127 = arith.constant 10 : i32
    return
  }
}

</mosaic_0001>

<sc_bundles>
// kernel: kernel.3.cloned.1.call-start
scs
__scs_entry_jumppad:
0x0: {  	(pc) =	sbr.rel $0x88, $3  }
0x1: {  	(tag) =	ssettag $0x0;
	lr =	simm.s32 $0x1  }
0x2: {  	[smem:$0x3F9F] =	sst lr;
	_ =	strace $0xD0000000  }
0x3: {  	_ = 	snop  }
0x4: {  	_ = 	snop  }
0x5: {  	_ = 	snop  }
0x6: {  	_ = 	snop  }
0x7: {  	_ = 	snop  }
__scs_overlays_trampoline_lowered:
0x8: {  	[smem:$0x3FAE] =	sst s0  }
0x9: {  	[smem:$0x3FAF] =	sst s1  }
0xa: {  	[smem:$0x3FB0] =	sst s2  }
0xb: {  	[smem:$0x3FB1] =	sst s3  }
0xc: {  	[smem:$0x3FB2] =	sst s4  }
0xd: {  	[smem:$0x3FB3] =	sst s5  }
0xe: {  	[smem:$0x3FB4] =	sst s6  }
0xf: {  	[smem:$0x3FB5] =	sst s7  }
0x10: {  	[smem:$0x3FB6] =	sst s8  }
0x11: {  	[smem:$0x3FB7] =	sst s9;
	s0 =	simm.s32 @!p0 $0x0  }
0x12: {  	s1 =	sld [smem:$0x3F9D];
	s0 =	simm.s32 @p0 $0x1  }
0x13: {  	[smem:$0x3FB8] =	sst s0;
	s0 =	simm.s32 @!p1 $0x0  }
0x14: {  	s2 =	sld [smem:$0x3F9C];
	s0 =	simm.s32 @p1 $0x1  }
0x15: {  	[smem:$0x3FB9] =	sst s0;
	s0 =	simm.s32 @!p2 $0x0  }
0x16: {  	s3 =	sld [smem:$0x3FDB];
	s0 =	simm.s32 @p2 $0x1  }
0x17: {  	s4 =	simm.s32 $0x1BF5;
	[smem:$0x3FBB] =	sst s0  }
0x18: {  	s0 =	sld [smem:$0x3F9E];
	_ =	swait.ge [sflag:s4], $0x0  }
0x19: {  	s7 =	sld [smem:$0x3F9F]  }
0x1a: {  	s8 =	sadd.s32 $0xFFFFE003, lr  }
0x1b: {  	s9 =	sadd.s32 $0xFFFFFEF7, lr;
	s5 =	simm.s32 $0xFFFFFFFF;
	p2 =	slt.u32 s8, $0xFFFFF086  }
0x1c: {  	p1 =	slt.u32 s9, $0xF7A;
	s5 =	simm.s32 @!p2 $0x0  }
0x1d: {  	s5 =	simm.s32 @p1 $0x1;
	p0 =	seq.s32 s7, s2  }
0x1e: {  	s7 =	smul.u32 @!p0 $0xF7A, s2;
	p2 =	seq.s32 @!p0 s5, $0x0  }
0x1f: {  	s9 =	smul.u32 $0xF7A, s1;
	s8 =	simm.s32 @!p0 $0x1BF5;
	p2 =	por !p2, p0  }
0x20: {  	[sflag:s8] =	ssyncset.s32 @!p0 $0xFFFFF086;
	s6 =	sadd.s32 @!p0 s3, s7;
	s7 =	simm.s32 @!p0 $0x108  }
0x21: {  	s3 =	sadd.s32 s3, s9;
	s6 =	sadd.s32 @!p0 $0x88, s6;
	s7 =	simm.s32 @p2 $0x1082  }
0x22: {  	[simem:s7], [sflag:s8] =	dma.local @!p0 [hbm:s6], $0xF7A  }
0x23: {  	s9 =	sor.u32 $0xD0000000, s2;
	s6 =	simm.s32 $0x108;
	_ =	swait.ge @!p0 [sflag:s8], $0x0  }
0x24: {  	s3 =	sadd.s32 $0x88, s3;
	s6 =	simm.s32 @!p1 $0x1082;
	[sflag:s4] =	ssyncset.s32 $0xFFFFF086  }
0x25: {  	[simem:s6], [sflag:s4] =	dma.local [hbm:s3], $0xF7A  }
0x26: {  	[smem:$0x3F9F] =	sst s1;
	(tag) =	ssettag s2;
	_ =	strace s9  }
0x27: {  	s1 =	sld [smem:$0x3FAF]  }
0x28: {  	s2 =	sld [smem:$0x3FB0]  }
0x29: {  	s4 =	sld [smem:$0x3FB2]  }
0x2a: {  	p0 =	seq.s32 s5, $0x0;
	s5 =	sld [smem:$0x3FB3]  }
0x2b: {  	s6 =	sld [smem:$0x3FB4]  }
0x2c: {  	s7 =	sld [smem:$0x3FB5]  }
0x2d: {  	s3 =	simm.s32 $0x108;
	s8 =	sld [smem:$0x3FB6]  }
0x2e: {  	s3 =	simm.s32 @!p0 $0x1082;
	s9 =	sld [smem:$0x3FB7]  }
0x2f: {  	lr =	sadd.s32 s0, s3;
	s0 =	sld [smem:$0x3FAE]  }
0x30: {  	s3 =	sld [smem:$0x3FB1]  }
0x31: {  	[smem:$0x3FBA] =	sst s10  }
0x32: {  	s10 =	sld [smem:$0x3FB8];
	_ =	sdelay $0x3  }
0x33: {  	p0 =	seq.s32 s10, $0x1;
	s10 =	sld [smem:$0x3FBA];
	_ =	sdelay $0x3  }
0x34: {  	[smem:$0x3FBA] =	sst s10  }
0x35: {  	s10 =	sld [smem:$0x3FB9];
	_ =	sdelay $0x3  }
0x36: {  	p1 =	seq.s32 s10, $0x1;
	s10 =	sld [smem:$0x3FBA];
	_ =	sdelay $0x3  }
0x37: {  	[smem:$0x3FBA] =	sst s10  }
0x38: {  	s10 =	sld [smem:$0x3FBB]  }
0x39: {  	_ = 	snop;
	(pc) =	sbr.ind lr, $3  }
0x3a: {  	_ = 	snop  }
0x3b: {  	_ = 	snop  }
0x3c: {  	p2 =	seq.s32 s10, $0x1;
	s10 =	sld [smem:$0x3FBA]  }
0x3d: {  	_ =	shalt  }
0x3e: {  	_ =	shalt  }
0x3f: {  	_ =	shalt  }
0x40: {  	_ =	shalt  }
0x41: {  	_ =	shalt  }
0x42: {  	_ =	shalt  }
0x43: {  	_ =	shalt  }
0x44: {  	_ =	shalt  }
0x45: {  	_ =	shalt  }
0x46: {  	_ =	shalt  }
0x47: {  	_ =	shalt  }
0x48: {  	_ =	shalt  }
0x49: {  	_ =	shalt  }
0x4a: {  	_ =	shalt  }
0x4b: {  	_ =	shalt  }
0x4c: {  	_ =	shalt  }
0x4d: {  	_ =	shalt  }
0x4e: {  	_ =	shalt  }
0x4f: {  	_ =	shalt  }
0x50: {  	_ =	shalt  }
0x51: {  	_ =	shalt  }
0x52: {  	_ =	shalt  }
0x53: {  	_ =	shalt  }
0x54: {  	_ =	shalt  }
0x55: {  	_ =	shalt  }
0x56: {  	_ =	shalt  }
0x57: {  	_ =	shalt  }
0x58: {  	_ =	shalt  }
0x59: {  	_ =	shalt  }
0x5a: {  	_ =	shalt  }
0x5b: {  	_ =	shalt  }
0x5c: {  	_ =	shalt  }
0x5d: {  	_ =	shalt  }
0x5e: {  	_ =	shalt  }
0x5f: {  	_ =	shalt  }
0x60: {  	_ =	shalt  }
0x61: {  	_ =	shalt  }
0x62: {  	_ =	shalt  }
0x63: {  	_ =	shalt  }
0x64: {  	_ =	shalt  }
0x65: {  	_ =	shalt  }
0x66: {  	_ =	shalt  }
0x67: {  	_ =	shalt  }
0x68: {  	_ =	shalt  }
0x69: {  	_ =	shalt  }
0x6a: {  	_ =	shalt  }
0x6b: {  	_ =	shalt  }
0x6c: {  	_ =	shalt  }
0x6d: {  	_ =	shalt  }
0x6e: {  	_ =	shalt  }
0x6f: {  	_ =	shalt  }
0x70: {  	_ =	shalt  }
0x71: {  	_ =	shalt  }
0x72: {  	_ =	shalt  }
0x73: {  	_ =	shalt  }
0x74: {  	_ =	shalt  }
0x75: {  	_ =	shalt  }
0x76: {  	_ =	shalt  }
0x77: {  	_ =	shalt  }
0x78: {  	_ =	shalt  }
0x79: {  	_ =	shalt  }
0x7a: {  	_ =	shalt  }
0x7b: {  	_ =	shalt  }
0x7c: {  	_ =	shalt  }
0x7d: {  	_ =	shalt  }
0x7e: {  	_ =	shalt  }
0x7f: {  	_ =	shalt  }
0x80: {  	_ =	shalt  }
0x81: {  	_ =	shalt  }
0x82: {  	_ =	shalt  }
0x83: {  	_ =	shalt  }
0x84: {  	_ =	shalt  }
0x85: {  	_ =	shalt  }
0x86: {  	_ =	shalt  }
0x87: {  	_ =	shalt  }
.Lfunc_end0:
.L_simem_size_0:
called_computation_lowered:
.L_overlay_start_0:
0x88: {  	s2 =	sld [smem:$0x3FD9]  }
0x89: {  	s3 =	sld [smem:$0x3FFE];
	_ =	sdelay $0x1  }
0x8a: {  	s1 =	srdreg.scid  }
0x8b: {  	s0 =	sand.u32 $0x1, s1  }
0x8c: {  	s18 =	sshll.u32 s0, $0xA;
	s2 =	sadd.s32 s3, s2  }
0x8d: {  	s2 =	sadd.s32 s2, s18  }
0x8e: {  	[smem:$0x3FC6] =	sst s2  }
0x8f: {  	_ = 	snop  }
0x90: {  	s2 =	sld [smem:$0x3FC9]  }
0x91: {  	s19 =	sld [smem:$0x3FC8]  }
0x92: {  	s4 =	sld [smem:$0x3FD0];
	(tm) =	ssettm $0x1  }
0x93: {  	s5 =	sld [smem:$0x3FFB];
	_ =	sdelay $0x3  }
0x94: {  	_ =	strace s5  }
0x95: {  	s5 =	sld [smem:$0x3FFC];
	_ =	sdelay $0x3  }
0x96: {  	_ =	strace s5  }
0x97: {  	s5 =	sld [smem:$0x3FFD];
	_ =	sdelay $0x3  }
0x98: {  	_ =	strace s5  }
0x99: {  	_ =	strace $0x8FFFFFFF  }
0x9a: {  	s20 =	sld [smem:$0x3FDB];
	_ =	sdelay $0x1  }
0x9b: {  	s6 =	simm.s32 $_scs_section_size  }
0x9c: {  	s7 =	simm.s32 $_size__tile_overlayer_lowered;
	s8 =	simm.s32 $_tile_overlayer_lowered  }
0x9d: {  	s23 =	simm.s32 $0x1BFF;
	s22 =	sshll.u32 s8, $0x1;
	s5 =	sadd.s32 s6, s20  }
0x9e: {  	s9 =	simm.s32 $0x0;
	s21 =	sshll.u32 s7, $0x1;
	s7 =	sadd.s32 s22, s5  }
0x9f: {  	[timem:s9], [sflag:s23] =	dma.local [hbm:s7], s21  }
0xa0: {  	_ =	swait.ge [sflag:s23], s21  }
0xa1: {  	s6 =	ssub.s32 $0x0, s21;
	[sflag:s23] =	ssyncset.done $0x0  }
0xa2: {  	[sflag:s23] =	ssyncadd.s32 s6;
	_ =	sdelay $0x1  }
0xa3: {  	s24 =	simm.s32 $0x1B8B  }
0xa4: {  	_ =	swait.ge [sflag:s24], $0x1  }
0xa5: {  	[sflag:s24] =	ssyncset.done $0x0  }
0xa6: {  	s25 =	simm.s32 $0x1B8E;
	[sflag:s24] =	ssyncadd.s32 $0xFFFFFFFF  }
0xa7: {  	s26 =	simm.s32 $execute0_lowered;
	[smem:$0x3FD2] =	sst s25  }
0xa8: {  	s6 =	sshll.u32 s26, $0x1;
	_ =	strace $0x80000046;
	[dreg:$0x1] =	wrdreg $0xFFFFFFFF  }
0xa9: {  	s28 =	simm.s32 $_size_execute0_lowered;
	s5 =	sadd.s32 s5, s6;
	[dreg:$0x0] =	wrdreg $0x0  }
0xaa: {  	s6 =	sshll.u32 s28, $0x1;
	[dreg:$0x2] =	wrdreg s5  }
0xab: {  	[dreg:$0x3] =	wrdreg s6  }
0xac: {  	[dreg:$0x4] =	wrdreg $0xC0  }
0xad: {  	_ =	task [dreg:s9], $0x5FFFF  }
0xae: {  	[dreg:$0x1] =	wrdreg $0xFFFFFFFF  }
0xaf: {  	[dreg:$0x0] =	wrdreg $0x60  }
0xb0: {  	[dreg:$0x2] =	wrdreg s2  }
0xb1: {  	[dreg:$0x3] =	wrdreg s19  }
0xb2: {  	[dreg:$0x4] =	wrdreg s4  }
0xb3: {  	[dreg:$0x5] =	wrdreg $0x9  }
0xb4: {  	_ =	task.clear_ibuf [dreg:s9], $0x6FFFF;
	_ =	strace $0x90000046  }
0xb5: {  	s29 =	simm.s32 $0x9;
	_ =	strace $0x80000048  }
0xb6: {  	_ =	swait.ge [sflag:s29], $0x1  }
0xb7: {  	[sflag:s29] =	ssyncadd.s32 $0xFFFFFFFF  }
0xb8: {  	_ =	strace $0x90000048  }
0xb9: {  	_ =	sfence  }
0xba: {  	s30 =	sld [smem:$0x0];
	_ =	sdelay $0x2  }
0xbb: {  	s31 =	sshll.u32 s1, $0xD;
	s1 =	sshrl.u32 s1, $0x2  }
0xbc: {  	s3 =	sand.u32 $0x4000, s31;
	s1 =	sadd.s32 s1, s30  }
0xbd: {  	s0 =	sor.u32 s3, s0;
	s1 =	sshll.u32 s1, $0x11  }
0xbe: {  	s0 =	sor.u32 s1, s0  }
0xbf: {  	s0 =	sadd.s32 $0x8F2B, s0  }
0xc0: {  	[sflag:s0] =	ssyncadd.remote.s32 $0x1  }
0xc1: {  	_ =	sfence.sel $0xFFFF  }
0xc2: {  	[dreg:$0x0] =	wrdreg $0xFFFFFFFF;
	(pc) =	sbr.abs _section_cstart, $3  }
0xc3: {  	[dreg:$0x1] =	wrdreg $0xFFFFFFFF  }
0xc4: {  	_ =	task.clear_ibuf [dreg:s9], $0x2FFFF;
	_ =	strace $0x9FFFFFFF  }
0xc5: {  	(tm) =	ssettm $0x7FFFFFFF  }
tec
execute0_lowered:
.L_overlay_start_1:
0x0: {  	(tag) =	ssettag $0x1  }
0x1: {  	s0 =	rddreg [dreg:$0x0]  }
0x2: {  	s1 =	rddreg [dreg:$0x1];
	s2 =	srdreg.scid;
	s4 =	simm.s32 $0x0  }
0x3: {  	s8 =	stileid.u32;
	s28 =	simm.s32 $0x5C00;
	s30 =	simm.s32 $0xFC00  }
0x4: {  	s31 =	simm.s32 $0x13C00;
	s9 =	simm.s32 $0xA;
	s10 =	simm.s32 $0xB  }
0x5: {  	s11 =	simm.s32 $0xC;
	s2 =	sand.u32 $0x1, s2;
	[smem:$0x7FF] =	sst s4  }
0x6: {  	s6 =	sshll.u32 s8, $0x8;
	s13 =	sshll.u32 s8, $0xF;
	s8 =	simm.s32 $0x9  }
0x7: {  	s3 =	ssub.s32 $0x2, s2;
	s7 =	sshll.u32 s2, $0x7;
	_ =	strace $0x80000047  }
0x8: {  	s2 =	sshll.u32 s2, $0xE;
	s5 =	sshrl.u32 s3, $0x1;
	s12 =	sor.u32 s7, s6  }
0x9: {  	s6 =	simm.s32 $0x11C00;
	s7 =	simm.s32 $0x0;
	s3 =	ssub.s32 s3, s5  }
0xa: {  	s5 =	sadd.s32 s0, s12;
	s0 =	sor.u32 s2, s13;
	s12 =	simm.s32 $0xD  }
0xb: {  	s13 =	simm.s32 $0xE;
	[dreg:$0x4] =	wrdreg s5;
	s5 =	sadd.s32 $0x6000, s5  }
0xc: {  	s3 =	smax.u32 s3, $0x1;
	s2 =	sor.u32 $0x202000, s0;
	s14 =	sor.u32 $0x200000, s0  }
0xd: {  	s15 =	sor.u32 $0x182000, s0;
	s18 =	sor.u32 $0x180000, s0;
	s19 =	sor.u32 $0x102000, s0  }
0xe: {  	s20 =	sor.u32 $0x100000, s0;
	s23 =	sor.u32 $0x82000, s0;
	s24 =	sor.u32 $0x80000, s0  }
0xf: {  	s25 =	sor.u32 $0x2000, s0;
	s0 =	sshrl.u32 s0, $0x3;
	[dreg:$0x5] =	wrdreg s5  }
0x10: {  	[dreg:$0x6] =	wrdreg s3;
	s2 =	sshrl.u32 s2, $0x3;
	s16 =	sshrl.u32 s14, $0x3  }
0x11: {  	s17 =	sshrl.u32 s15, $0x3;
	s21 =	sshrl.u32 s19, $0x3;
	[dreg:$0x10] =	wrdreg s0  }
0x12: {  	s22 =	sshrl.u32 s20, $0x3;
	s26 =	sshrl.u32 s24, $0x3;
	[dreg:$0x7] =	wrdreg s2  }
0x13: {  	s29 =	sshrl.u32 s25, $0x3;
	s20 =	simm.s32 $0x3C00;
	[dreg:$0x8] =	wrdreg s16  }
0x14: {  	s0 =	simm.s32 $0x7C00;
	s19 =	simm.s32 $0xBC00;
	[dreg:$0x9] =	wrdreg s17  }
0x15: {  	s25 =	simm.s32 $0xDC00;
	s5 =	simm.s32 $0x7;
	[dreg:$0xb] =	wrdreg s21  }
0x16: {  	s14 =	simm.s32 $0xF;
	s15 =	simm.s32 $0x10;
	[dreg:$0xc] =	wrdreg s22  }
.Ltmp0:
0x17: {  	s24 =	simm.s32 $0x14;
	[dreg:$0xe] =	wrdreg s26;
	(pc) =	sbr.rel .LBB2_1-.Ltmp0, $4  }
0x18: {  	s2 =	sshrl.u32 s18, $0x3;
	[dreg:$0xf] =	wrdreg s29;
	s22 =	simm.s32 $0x40  }
0x19: {  	s18 =	simm.s32 $0x1C00;
	s21 =	simm.s32 $0x8;
	s16 =	simm.s32 $0x11  }
0x1a: {  	s17 =	simm.s32 $0x12;
	[dreg:$0xa] =	wrdreg s2;
	s2 =	sshrl.u32 s23, $0x3  }
0x1b: {  	s23 =	simm.s32 $0x13;
	[dreg:$0xd] =	wrdreg s2;
	s2 =	simm.s32 $0x9C00  }
.LBB2_3:
0x1c: {  	_ =	swait.ge [sflag:s11], $0x2000  }
0x1d: {  	[sflag:s11] =	ssyncset.done $0x0  }
0x1e: {  	[sflag:s11] =	ssyncadd.s32 $0xFFFFE000  }
0x1f: {  	_ =	swait.ge [sflag:s12], $0x2000  }
0x20: {  	[sflag:s12] =	ssyncset.done $0x0  }
0x21: {  	[sflag:s12] =	ssyncadd.s32 $0xFFFFE000  }
0x22: {  	_ =	swait.ge [sflag:s13], $0x2000  }
0x23: {  	[sflag:s13] =	ssyncset.done $0x0  }
0x24: {  	[sflag:s13] =	ssyncadd.s32 $0xFFFFE000  }
0x25: {  	_ =	swait.ge [sflag:s14], $0x2000  }
0x26: {  	[sflag:s14] =	ssyncset.done $0x0  }
0x27: {  	[sflag:s14] =	ssyncadd.s32 $0xFFFFE000  }
0x28: {  	_ =	swait.ge [sflag:s15], $0x2000  }
0x29: {  	[sflag:s15] =	ssyncset.done $0x0  }
0x2a: {  	[sflag:s15] =	ssyncadd.s32 $0xFFFFE000  }
0x2b: {  	_ =	swait.ge [sflag:s16], $0x2000  }
0x2c: {  	[sflag:s16] =	ssyncset.done $0x0  }
0x2d: {  	[sflag:s16] =	ssyncadd.s32 $0xFFFFE000  }
0x2e: {  	_ =	swait.ge [sflag:s17], $0x2000  }
0x2f: {  	[sflag:s17] =	ssyncset.done $0x0  }
0x30: {  	[sflag:s17] =	ssyncadd.s32 $0xFFFFE000  }
0x31: {  	_ =	swait.ge [sflag:s23], $0x2000  }
0x32: {  	[sflag:s23] =	ssyncset.done $0x0  }
0x33: {  	[sflag:s23] =	ssyncadd.s32 $0xFFFFE000  }
0x34: {  	_ =	swait.ge [sflag:s24], $0x2000  }
0x35: {  	[sflag:s24] =	ssyncset.done $0x0  }
0x36: {  	[sflag:s24] =	ssyncadd.s32 $0xFFFFE000  }
.LBB2_5:
0x37: {  	s7 =	rddreg [dreg:$0x11]  }
0x38: {  	s3 =	rddreg [dreg:$0x6];
	s7 =	sadd.s32 $0x1, s7  }
0x39: {  	p0 =	sne.s32 s7, s3  }
.Ltmp1:
0x3a: {  	_ = 	snop;
	(pc) =	sbr.rel @!p0 .LBB2_6-.Ltmp1, $4  }
0x3b: {  	_ = 	snop  }
0x3c: {  	s18 =	simm.s32 $0x1C00;
	s20 =	simm.s32 $0x3C00;
	s28 =	simm.s32 $0x5C00  }
0x3d: {  	s0 =	simm.s32 $0x7C00;
	s2 =	simm.s32 $0x9C00;
	s19 =	simm.s32 $0xBC00  }
0x3e: {  	s25 =	simm.s32 $0xDC00;
	s30 =	simm.s32 $0xFC00;
	s6 =	simm.s32 $0x11C00  }
.LBB2_1:
0x3f: {  	[dreg:$0x11] =	wrdreg s7  }
0x40: {  	s3 =	rddreg [dreg:$0x4];
	s26 =	simm.s32 $0x400;
	s29 =	simm.s32 $0x8000  }
0x41: {  	[tilespmem:s4], [sflag:$0x15] =	stream.strided.gather [hbm4b:s3+s26], $0x1800, s29, s26, $0x38;
	[tilespmem:$0x15C00] =	vst v63  }
0x42: {  	s7 =	simm.s32 $0x1800;
	s26 =	rddreg [dreg:$0x5]  }
0x43: {  	[tilespmem:s7], [sflag:$0x15] =	stream.linear.gather [hbm4b:s26+s4], $0x100, $0x38;
	[tilespmem:$0x15C00] =	vst v63  }
0x44: {  	s7 =	simm.s32 $0x15  }
0x45: {  	_ =	swait.ge [sflag:s7], $0x1900  }
0x46: {  	[sflag:s7] =	ssyncset.done $0x0  }
0x47: {  	[sflag:s7] =	ssyncadd.s32 $0xFFFFE700  }
0x48: {  	[tilespmem:s18], [sflag:$0x1] =	stream.indirect.gather [hbm4b:s1+s22], $0x80, s4, s22, $0xb8;
	[tilespmem:$0x15C00] =	vst v63  }
0x49: {  	_ = 	snop  }
0x4a: {  	[tilespmem:s20], [sflag:$0x2] =	stream.indirect.gather [hbm4b:s1+s22], $0x80, s22, s22, $0xb8;
	[tilespmem:$0x15C00] =	vst v63  }
0x4b: {  	s20 =	simm.s32 $0x80  }
0x4c: {  	[tilespmem:s28], [sflag:$0x3] =	stream.indirect.gather [hbm4b:s1+s22], $0x80, s20, s22, $0xb8;
	[tilespmem:$0x15C00] =	vst v63  }
0x4d: {  	s26 =	simm.s32 $0xC0  }
0x4e: {  	[tilespmem:s0], [sflag:$0x4] =	stream.indirect.gather [hbm4b:s1+s22], $0x80, s26, s22, $0xb8;
	[tilespmem:$0x15C00] =	vst v63  }
0x4f: {  	s7 =	simm.s32 $0x100  }
0x50: {  	[tilespmem:s2], [sflag:$0x5] =	stream.indirect.gather [hbm4b:s1+s22], $0x80, s7, s22, $0xb8;
	[tilespmem:$0x15C00] =	vst v63  }
0x51: {  	s18 =	simm.s32 $0x140  }
0x52: {  	[tilespmem:s19], [sflag:$0x6] =	stream.indirect.gather [hbm4b:s1+s22], $0x80, s18, s22, $0xb8;
	[tilespmem:$0x15C00] =	vst v63  }
0x53: {  	s29 =	simm.s32 $0x0;
	s20 =	simm.s32 $0x1C0;
	s19 =	simm.s32 $0x180  }
0x54: {  	[tilespmem:s25], [sflag:$0x7] =	stream.indirect.gather [hbm4b:s1+s22], $0x80, s19, s22, $0xb8;
	[tilespmem:$0x15C00] =	vst v63  }
0x55: {  	s28 =	simm.s32 $0x5C00;
	s26 =	simm.s32 $0x240;
	s0 =	simm.s32 $0x7C00  }
0x56: {  	[tilespmem:s30], [sflag:$0x8] =	stream.indirect.gather [hbm4b:s1+s22], $0x80, s20, s22, $0xb8;
	[tilespmem:$0x15C00] =	vst v63  }
0x57: {  	s2 =	simm.s32 $0x9C00;
	s18 =	simm.s32 $0x1C00;
	s25 =	simm.s32 $0x200  }
0x58: {  	[tilespmem:s6], [sflag:$0x9] =	stream.indirect.gather [hbm4b:s1+s22], $0x80, s25, s22, $0xb8;
	[tilespmem:$0x15C00] =	vst v63  }
0x59: {  	s19 =	simm.s32 $0xBC00;
	s20 =	simm.s32 $0x3C00;
	s30 =	simm.s32 $0xFC00  }
0x5a: {  	[tilespmem:s31], [sflag:$0xA] =	stream.indirect.gather [hbm4b:s1+s22], $0x80, s26, s22, $0xb8;
	[tilespmem:$0x15C00] =	vst v63  }
0x5b: {  	s25 =	simm.s32 $0xDC00;
	s6 =	simm.s32 $0x11C00;
	s26 =	rddreg [dreg:$0x2]  }
.LBB2_2:
0x5c: {  	s3 =	simm.s32 $0x1  }
0x5d: {  	_ =	swait.ge [sflag:s3], $0x2000  }
0x5e: {  	[sflag:s3] =	ssyncset.done $0x0  }
0x5f: {  	[sflag:s3] =	ssyncadd.s32 $0xFFFFE000;
	s3 =	rddreg [dreg:$0x10]  }
0x60: {  	s31 =	sadd.s32 s26, s3;
	s3 =	simm.s32 $0x2  }
0x61: {  	[hbm4b:s31+s4] =	stream.linear.scatter [tilespmem:s18], [sflag:$0xB], $0x2000, $0x38;
	[tilespmem:$0x15C00] =	vst v63  }
0x62: {  	_ =	swait.ge [sflag:s3], $0x2000  }
0x63: {  	[sflag:s3] =	ssyncset.done $0x0  }
0x64: {  	[sflag:s3] =	ssyncadd.s32 $0xFFFFE000;
	s3 =	rddreg [dreg:$0xf]  }
0x65: {  	s31 =	sadd.s32 s26, s3;
	s3 =	simm.s32 $0x3  }
0x66: {  	[hbm4b:s31+s4] =	stream.linear.scatter [tilespmem:s20], [sflag:$0xC], $0x2000, $0x38;
	[tilespmem:$0x15C00] =	vst v63  }
0x67: {  	_ =	swait.ge [sflag:s3], $0x2000  }
0x68: {  	[sflag:s3] =	ssyncset.done $0x0  }
0x69: {  	[sflag:s3] =	ssyncadd.s32 $0xFFFFE000;
	s3 =	rddreg [dreg:$0xe]  }
0x6a: {  	s31 =	sadd.s32 s26, s3;
	s3 =	simm.s32 $0x4  }
0x6b: {  	[hbm4b:s31+s4] =	stream.linear.scatter [tilespmem:s28], [sflag:$0xD], $0x2000, $0x38;
	[tilespmem:$0x15C00] =	vst v63  }
0x6c: {  	_ =	swait.ge [sflag:s3], $0x2000  }
0x6d: {  	[sflag:s3] =	ssyncset.done $0x0  }
0x6e: {  	[sflag:s3] =	ssyncadd.s32 $0xFFFFE000;
	s3 =	rddreg [dreg:$0xd]  }
0x6f: {  	s31 =	sadd.s32 s26, s3;
	s3 =	simm.s32 $0x5  }
0x70: {  	[hbm4b:s31+s4] =	stream.linear.scatter [tilespmem:s0], [sflag:$0xE], $0x2000, $0x38;
	[tilespmem:$0x15C00] =	vst v63  }
0x71: {  	_ =	swait.ge [sflag:s3], $0x2000  }
0x72: {  	[sflag:s3] =	ssyncset.done $0x0  }
0x73: {  	[sflag:s3] =	ssyncadd.s32 $0xFFFFE000;
	s3 =	rddreg [dreg:$0xc]  }
0x74: {  	s31 =	sadd.s32 s26, s3;
	s3 =	simm.s32 $0x6  }
0x75: {  	[hbm4b:s31+s4] =	stream.linear.scatter [tilespmem:s2], [sflag:$0xF], $0x2000, $0x38;
	[tilespmem:$0x15C00] =	vst v63  }
0x76: {  	_ =	swait.ge [sflag:s3], $0x2000  }
0x77: {  	[sflag:s3] =	ssyncset.done $0x0  }
0x78: {  	[sflag:s3] =	ssyncadd.s32 $0xFFFFE000;
	s3 =	rddreg [dreg:$0xb]  }
0x79: {  	s31 =	sadd.s32 s26, s3  }
0x7a: {  	[hbm4b:s31+s4] =	stream.linear.scatter [tilespmem:s19], [sflag:$0x10], $0x2000, $0x38;
	[tilespmem:$0x15C00] =	vst v63  }
0x7b: {  	_ =	swait.ge [sflag:s5], $0x2000  }
0x7c: {  	[sflag:s5] =	ssyncset.done $0x0;
	s3 =	rddreg [dreg:$0xa]  }
0x7d: {  	[sflag:s5] =	ssyncadd.s32 $0xFFFFE000;
	s31 =	sadd.s32 s26, s3  }
0x7e: {  	[hbm4b:s31+s4] =	stream.linear.scatter [tilespmem:s25], [sflag:$0x11], $0x2000, $0x38;
	[tilespmem:$0x15C00] =	vst v63  }
0x7f: {  	_ =	swait.ge [sflag:s21], $0x2000  }
0x80: {  	[sflag:s21] =	ssyncset.done $0x0;
	s3 =	rddreg [dreg:$0x9]  }
0x81: {  	[sflag:s21] =	ssyncadd.s32 $0xFFFFE000;
	s31 =	sadd.s32 s26, s3  }
0x82: {  	[hbm4b:s31+s4] =	stream.linear.scatter [tilespmem:s30], [sflag:$0x12], $0x2000, $0x38;
	[tilespmem:$0x15C00] =	vst v63  }
0x83: {  	_ =	swait.ge [sflag:s8], $0x2000  }
0x84: {  	[sflag:s8] =	ssyncset.done $0x0;
	s3 =	rddreg [dreg:$0x8]  }
0x85: {  	[sflag:s8] =	ssyncadd.s32 $0xFFFFE000;
	s31 =	sadd.s32 s26, s3  }
0x86: {  	[hbm4b:s31+s4] =	stream.linear.scatter [tilespmem:s6], [sflag:$0x13], $0x2000, $0x38;
	[tilespmem:$0x15C00] =	vst v63  }
0x87: {  	s7 =	simm.s32 $0x13C00;
	_ =	swait.ge [sflag:s9], $0x2000  }
0x88: {  	p0 =	sne.s32 s29, $0x5A00;
	[sflag:s9] =	ssyncset.done $0x0;
	s3 =	rddreg [dreg:$0x7]  }
.Ltmp2:
0x89: {  	[sflag:s9] =	ssyncadd.s32 $0xFFFFE000;
	s31 =	sadd.s32 s26, s3;
	(pc) =	sbr.rel @!p0 .LBB2_3-.Ltmp2, $4  }
0x8a: {  	[hbm4b:s31+s4] =	stream.linear.scatter [tilespmem:s7], [sflag:$0x14], $0x2000, $0x38;
	[tilespmem:$0x15C00] =	vst v63  }
0x8b: {  	_ =	swait.ge [sflag:s10], $0x2000  }
0x8c: {  	[sflag:s10] =	ssyncset.done $0x0  }
0x8d: {  	s31 =	simm.s32 $0x13C00;
	[sflag:s10] =	ssyncadd.s32 $0xFFFFE000  }
0x8e: {  	s31 =	sshra.s32 s29, $0x2  }
0x8f: {  	s3 =	sadd.s32 $0x280, s31  }
0x90: {  	[tilespmem:s18], [sflag:$0x1] =	stream.indirect.gather [hbm4b:s1+s22], $0x80, s3, s22, $0xb8;
	[tilespmem:$0x15C00] =	vst v63  }
0x91: {  	_ =	swait.ge [sflag:s11], $0x2000  }
0x92: {  	[sflag:s11] =	ssyncset.done $0x0  }
0x93: {  	s7 =	sadd.s32 $0x2C0, s31;
	[sflag:s11] =	ssyncadd.s32 $0xFFFFE000  }
0x94: {  	[tilespmem:s20], [sflag:$0x2] =	stream.indirect.gather [hbm4b:s1+s22], $0x80, s7, s22, $0xb8;
	[tilespmem:$0x15C00] =	vst v63  }
0x95: {  	_ =	swait.ge [sflag:s12], $0x2000  }
0x96: {  	[sflag:s12] =	ssyncset.done $0x0  }
0x97: {  	s7 =	sadd.s32 $0x300, s31;
	[sflag:s12] =	ssyncadd.s32 $0xFFFFE000  }
0x98: {  	[tilespmem:s28], [sflag:$0x3] =	stream.indirect.gather [hbm4b:s1+s22], $0x80, s7, s22, $0xb8;
	[tilespmem:$0x15C00] =	vst v63  }
0x99: {  	_ =	swait.ge [sflag:s13], $0x2000  }
0x9a: {  	[sflag:s13] =	ssyncset.done $0x0  }
0x9b: {  	s7 =	sadd.s32 $0x340, s31;
	[sflag:s13] =	ssyncadd.s32 $0xFFFFE000  }
0x9c: {  	[tilespmem:s0], [sflag:$0x4] =	stream.indirect.gather [hbm4b:s1+s22], $0x80, s7, s22, $0xb8;
	[tilespmem:$0x15C00] =	vst v63  }
0x9d: {  	_ =	swait.ge [sflag:s14], $0x2000  }
0x9e: {  	[sflag:s14] =	ssyncset.done $0x0  }
0x9f: {  	s7 =	sadd.s32 $0x380, s31;
	[sflag:s14] =	ssyncadd.s32 $0xFFFFE000  }
0xa0: {  	[tilespmem:s2], [sflag:$0x5] =	stream.indirect.gather [hbm4b:s1+s22], $0x80, s7, s22, $0xb8;
	[tilespmem:$0x15C00] =	vst v63  }
0xa1: {  	_ =	swait.ge [sflag:s15], $0x2000  }
0xa2: {  	[sflag:s15] =	ssyncset.done $0x0  }
0xa3: {  	s7 =	sadd.s32 $0x3C0, s31;
	[sflag:s15] =	ssyncadd.s32 $0xFFFFE000  }
0xa4: {  	[tilespmem:s19], [sflag:$0x6] =	stream.indirect.gather [hbm4b:s1+s22], $0x80, s7, s22, $0xb8;
	[tilespmem:$0x15C00] =	vst v63  }
0xa5: {  	_ =	swait.ge [sflag:s16], $0x2000  }
0xa6: {  	[sflag:s16] =	ssyncset.done $0x0  }
0xa7: {  	s7 =	sadd.s32 $0x400, s31;
	[sflag:s16] =	ssyncadd.s32 $0xFFFFE000  }
0xa8: {  	[tilespmem:s25], [sflag:$0x7] =	stream.indirect.gather [hbm4b:s1+s22], $0x80, s7, s22, $0xb8;
	[tilespmem:$0x15C00] =	vst v63  }
0xa9: {  	_ =	swait.ge [sflag:s17], $0x2000  }
0xaa: {  	[sflag:s17] =	ssyncset.done $0x0  }
0xab: {  	s7 =	sadd.s32 $0x440, s31;
	[sflag:s17] =	ssyncadd.s32 $0xFFFFE000  }
0xac: {  	[tilespmem:s30], [sflag:$0x8] =	stream.indirect.gather [hbm4b:s1+s22], $0x80, s7, s22, $0xb8;
	[tilespmem:$0x15C00] =	vst v63  }
0xad: {  	_ =	swait.ge [sflag:s23], $0x2000  }
0xae: {  	s29 =	sadd.s32 $0xA00, s29;
	[sflag:s23] =	ssyncset.done $0x0  }
0xaf: {  	p0 =	sne.s32 s29, $0x6400;
	s7 =	sadd.s32 $0x480, s31;
	[sflag:s23] =	ssyncadd.s32 $0xFFFFE000  }
0xb0: {  	[tilespmem:s6], [sflag:$0x9] =	stream.indirect.gather [hbm4b:s1+s22], $0x80, s7, s22, $0xb8;
	[tilespmem:$0x15C00] =	vst v63  }
.Ltmp3:
0xb1: {  	_ = 	snop;
	(pc) =	sbr.rel @p0 .LBB2_2-.Ltmp3, $4  }
.Ltmp4:
0xb2: {  	_ =	swait.ge [sflag:s24], $0x2000;
	(pc) =	sbr.rel @!p0 .LBB2_5-.Ltmp4, $4  }
0xb3: {  	s26 =	sadd.s32 $0x50000, s26;
	[sflag:s24] =	ssyncset.done $0x0  }
0xb4: {  	s7 =	sadd.s32 $0x4C0, s31;
	s31 =	simm.s32 $0x13C00;
	[sflag:s24] =	ssyncadd.s32 $0xFFFFE000  }
0xb5: {  	[tilespmem:s31], [sflag:$0xA] =	stream.indirect.gather [hbm4b:s1+s22], $0x80, s7, s22, $0xb8;
	[tilespmem:$0x15C00] =	vst v63  }
0xb6: {  	_ = 	snop  }
.LBB2_6:
0xb7: {  	_ =	sfence.sel $0x180000  }
0xb8: {  	[bflag:$0x0] =	sbarrier.arrive $0xFFFF  }
0xb9: {  	_ =	strace $0x90000047  }
0xba: {  	s0 =	stileid.u32;
	[bflag:$0x2] =	sbarrier.arrive $0xFFFF  }
0xbb: {  	p0 =	sne.s32 s0, $0x0;
	s0 =	rddreg [dreg:$0x3]  }
0xbc: {  	s0 =	sadd.s32 @!p0 $0x100000, s0  }
0xbd: {  	[sflag:s0] =	ssyncadd.tile.s32 @!p0 $0x1;
	_ =	shalt  }
.Lfunc_end2:
_tile_overlayer_lowered:
.L_overlay_start_2:
0xbe: {  	(tag) =	ssettag $0x2  }
0xbf: {  	s0 =	rddreg [dreg:$0x0];
	s2 =	stileid.u32  }
0xc0: {  	s1 =	rddreg [dreg:$0x1];
	p0 =	sne.s32 s2, $0x0  }
0xc1: {  	s3 =	rddreg [dreg:$0x2];
	[bflag:$0x3] =	sbarrier.arrive $0xFFFF;
	s2 =	simm.s32 @!p0 $0x1C15  }
0xc2: {  	[timem:s3], [sflag:s2] =	dma.local @!p0 [hbm:s0], s1  }
0xc3: {  	s0 =	simm.s32 @!p0 $0x15  }
0xc4: {  	_ =	swait.ge @!p0 [sflag:s0], s1  }
0xc5: {  	s1 =	ssub.s32 @!p0 $0x0, s1;
	[sflag:s0] =	ssyncset.done @!p0 $0x0  }
0xc6: {  	[sflag:s0] =	ssyncadd.s32 @!p0 s1  }
0xc7: {  	[bflag:$0x3] =	sbarrier.arrive $0xFFFF  }
0xc8: {  	_ =	shalt  }

</sc_bundles>
